<compile_context>
chip_gen: v7x
topology: tpu7x:2x2x1
jax: 0.10.2.dev20260603
libtpu: 0.0.44.dev20260713+nightly
codegen_flags: <defaults>
</compile_context>

<pallas_src>
import jax
import jax.numpy as jnp
from jax import lax
from jax.experimental import pallas as pl
from jax.experimental.pallas import tpu as pltpu
from jax.experimental.pallas import tpu_sc as plsc

NC = 2
NS = 16
NW = NC * NS
CHUNK = 128
NP = 10240


def _sc_mesh():
    return plsc.VectorSubcoreMesh(core_axis_name="c", subcore_axis_name="s")


def _pad_dst(dst, E, N, n_it):
    e_pad = NW * n_it * CHUNK
    fill = jnp.arange(e_pad - E, dtype=jnp.int32)
    dstp = jnp.concatenate([dst, N + (fill % (NP - N))])
    return dstp.reshape(e_pad // CHUNK, CHUNK)


def _deg_call(dst2d, zeros1d):
    n_it = dst2d.shape[0] // NW
    rps = NP // NS

    def body(dst_hbm, zeros_hbm, out0_hbm, out1_hbm,
             ones_v, didx2, acc, sem):
        c = lax.axis_index("c")
        s = lax.axis_index("s")
        w = s * NC + c
        sl = pl.ds(s * rps, rps)
        pltpu.sync_copy(zeros_hbm.at[sl], acc.at[sl])
        for i in range(CHUNK // 16):
            ones_v[pl.ds(i * 16, 16)] = jnp.ones((16,), jnp.float32)
        pltpu.sync_copy(dst_hbm.at[pl.ds(w * n_it, n_it)], didx2)
        plsc.subcore_barrier()

        grp = 8

        def it(k, carry):
            for j in range(grp):
                pltpu.async_copy(ones_v, acc.at[didx2.at[k * grp + j]],
                                 sem, add=True)
            for j in range(grp):
                pltpu.make_async_copy(ones_v, acc.at[didx2.at[k * grp + j]],
                                      sem).wait()
            return carry

        lax.fori_loop(0, n_it // grp, it, 0)
        plsc.subcore_barrier()

        @pl.when(c == 0)
        def _():
            pltpu.sync_copy(acc.at[sl], out0_hbm.at[sl])

        @pl.when(c == 1)
        def _():
            pltpu.sync_copy(acc.at[sl], out1_hbm.at[sl])

    f = pl.kernel(
        body,
        out_type=(
            jax.ShapeDtypeStruct((NP,), jnp.float32),
            jax.ShapeDtypeStruct((NP,), jnp.float32),
        ),
        mesh=_sc_mesh(),
        scratch_types=[
            pltpu.VMEM((CHUNK,), jnp.float32),
            pltpu.VMEM((n_it, CHUNK), jnp.int32),
            pltpu.VMEM_SHARED((NP,), jnp.float32),
            pltpu.SemaphoreType.DMA,
        ],
    )
    return f(dst2d, zeros1d)


def _hop_call(hs, src1d, dst1d, E):
    per_w = E // NW
    n_full = per_w // CHUNK
    tail = per_w % CHUNK
    rps = NP // NS

    def body(hs_hbm, src_hbm, dst_hbm, out0_hbm, out1_hbm,
             sidx_buf, didx0, didx1, didx_t, rows0, rows1, acc,
             sem0, sem1, dsem0, dsem1, ssem0, ssem1, tsem):
        c = lax.axis_index("c")
        s = lax.axis_index("s")
        w = s * NC + c
        sl = pl.ds(s * rps, rps)
        ebase = w * per_w

        def zrow(r, carry):
            for j in range(8):
                rows0[r, pl.ds(j * 16, 16)] = jnp.zeros((16,), jnp.float32)
            return carry

        lax.fori_loop(0, CHUNK, zrow, 0)
        for k in range(rps // CHUNK):
            pltpu.sync_copy(rows0, acc.at[pl.ds(s * rps + k * CHUNK, CHUNK)])
        pltpu.sync_copy(src_hbm.at[pl.ds(ebase, per_w)], sidx_buf)
        plsc.subcore_barrier()

        rows = (rows0, rows1)
        sems = (sem0, sem1)
        didx = (didx0, didx1)
        dsems = (dsem0, dsem1)

        def sslice(i):
            return sidx_buf.at[pl.ds(i * CHUNK, CHUNK)]

        def dslice(i):
            return dst_hbm.at[pl.ds(ebase + i * CHUNK, CHUNK)]

        pltpu.async_copy(hs_hbm.at[sslice(0)], rows0, sem0)
        pltpu.async_copy(dslice(0), didx0, dsem0)

        ssems = (ssem0, ssem1)

        def pair(k, carry):
            for b in range(2):
                i = k * 2 + b
                nb = 1 - b
                ip1 = lax.rem(i + 1, n_full)

                @pl.when(i > 0)
                def _():
                    pltpu.make_async_copy(rows[nb], acc.at[didx[nb]],
                                          ssems[nb]).wait()

                pltpu.async_copy(hs_hbm.at[sslice(ip1)], rows[nb],
                                 sems[nb])
                pltpu.async_copy(dslice(ip1), didx[nb], dsems[nb])
                pltpu.make_async_copy(dslice(i), didx[b], dsems[b]).wait()
                pltpu.make_async_copy(hs_hbm.at[sslice(i)], rows[b],
                                      sems[b]).wait()
                pltpu.async_copy(rows[b], acc.at[didx[b]], ssems[b],
                                 add=True)
            return carry

        lax.fori_loop(0, n_full // 2, pair, 0)
        pltpu.make_async_copy(rows[1], acc.at[didx[1]], ssems[1]).wait()
        pltpu.make_async_copy(dslice(0), didx[0], dsems[0]).wait()
        pltpu.make_async_copy(hs_hbm.at[sslice(0)], rows[0],
                              sems[0]).wait()
        if tail:
            tbase = ebase + n_full * CHUNK
            pltpu.sync_copy(dst_hbm.at[pl.ds(tbase, tail)], didx_t)
            pltpu.async_copy(
                hs_hbm.at[sidx_buf.at[pl.ds(n_full * CHUNK, tail)]],
                rows1.at[pl.ds(0, tail)], tsem).wait()
            pltpu.sync_copy(rows1.at[pl.ds(0, tail)], acc.at[didx_t],
                            add=True)
        plsc.subcore_barrier()

        @pl.when(c == 0)
        def _():
            pltpu.sync_copy(acc.at[sl], out0_hbm.at[sl])

        @pl.when(c == 1)
        def _():
            pltpu.sync_copy(acc.at[sl], out1_hbm.at[sl])

    f = pl.kernel(
        body,
        out_type=(
            jax.ShapeDtypeStruct((NP, 128), jnp.float32),
            jax.ShapeDtypeStruct((NP, 128), jnp.float32),
        ),
        mesh=_sc_mesh(),
        scratch_types=[
            pltpu.VMEM((per_w,), jnp.int32),
            pltpu.VMEM((CHUNK,), jnp.int32),
            pltpu.VMEM((CHUNK,), jnp.int32),
            pltpu.VMEM((max(tail, 1),), jnp.int32),
            pltpu.VMEM((CHUNK, 128), jnp.float32),
            pltpu.VMEM((CHUNK, 128), jnp.float32),
            pltpu.VMEM_SHARED((NP, 128), jnp.float32),
            pltpu.SemaphoreType.DMA,
            pltpu.SemaphoreType.DMA,
            pltpu.SemaphoreType.DMA,
            pltpu.SemaphoreType.DMA,
            pltpu.SemaphoreType.DMA,
            pltpu.SemaphoreType.DMA,
            pltpu.SemaphoreType.DMA,
        ],
    )
    return f(hs, src1d, dst1d)


def _norm_scale_call(deg0, deg1, feat, N):
    R = 2000
    grid = (N // R,)

    def body(d0_ref, d1_ref, feat_ref, norm_ref, hs_ref):
        d = d0_ref[...] + d1_ref[...]
        nrm = jnp.where(d > 0.0, lax.rsqrt(d), 0.0)
        norm_ref[...] = nrm
        hs_ref[...] = feat_ref[...] * nrm

    return pl.pallas_call(
        body,
        grid=grid,
        in_specs=[
            pl.BlockSpec((R, 1), lambda i: (i, 0)),
            pl.BlockSpec((R, 1), lambda i: (i, 0)),
            pl.BlockSpec((R, 128), lambda i: (i, 0)),
        ],
        out_specs=[
            pl.BlockSpec((R, 1), lambda i: (i, 0)),
            pl.BlockSpec((R, 128), lambda i: (i, 0)),
        ],
        out_shape=[
            jax.ShapeDtypeStruct((N, 1), jnp.float32),
            jax.ShapeDtypeStruct((N, 128), jnp.float32),
        ],
    )(deg0, deg1, feat)


def _combine_scale_call(a0, a1, norm, N):
    R = 2000
    grid = (N // R,)

    def body(a0_ref, a1_ref, norm_ref, hs_ref):
        nrm = norm_ref[...]
        hs_ref[...] = (a0_ref[...] + a1_ref[...]) * (nrm * nrm)

    return pl.pallas_call(
        body,
        grid=grid,
        in_specs=[
            pl.BlockSpec((R, 128), lambda i: (i, 0)),
            pl.BlockSpec((R, 128), lambda i: (i, 0)),
            pl.BlockSpec((R, 1), lambda i: (i, 0)),
        ],
        out_specs=pl.BlockSpec((R, 128), lambda i: (i, 0)),
        out_shape=jax.ShapeDtypeStruct((N, 128), jnp.float32),
    )(a0, a1, norm)


def _final_call(b0, b1, norm, W, b2, N):
    R = 2000
    grid = (N // R,)

    def body(b0_ref, b1_ref, norm_ref, w_ref, bias_ref, out_ref):
        h = (b0_ref[...] + b1_ref[...]) * norm_ref[...]
        out_ref[...] = lax.dot_general(
            h, w_ref[...], (((1,), (1,)), ((), ())),
            preferred_element_type=jnp.float32) + bias_ref[...]

    return pl.pallas_call(
        body,
        grid=grid,
        in_specs=[
            pl.BlockSpec((R, 128), lambda i: (i, 0)),
            pl.BlockSpec((R, 128), lambda i: (i, 0)),
            pl.BlockSpec((R, 1), lambda i: (i, 0)),
            pl.BlockSpec((128, 128), lambda i: (0, 0)),
            pl.BlockSpec((1, 128), lambda i: (0, 0)),
        ],
        out_specs=pl.BlockSpec((R, 128), lambda i: (i, 0)),
        out_shape=jax.ShapeDtypeStruct((N, 128), jnp.float32),
    )(b0, b1, norm, W, b2)


def kernel(feat, edge_index, W, b):
    N, D = feat.shape
    E = edge_index.shape[1]
    ei = edge_index.astype(jnp.int32)
    src, dst = ei[0], ei[1]
    zeros1d = jnp.zeros((NP,), jnp.float32)

    n_it = -(-E // (NW * CHUNK * 8)) * 8
    dst2d = _pad_dst(dst, E, N, n_it)

    deg0, deg1 = _deg_call(dst2d, zeros1d)
    norm, hs1 = _norm_scale_call(deg0.reshape(NP, 1), deg1.reshape(NP, 1),
                                 feat, N)
    a0, a1 = _hop_call(hs1, src, dst, E)
    hs2 = _combine_scale_call(a0, a1, norm, N)
    b0, b1 = _hop_call(hs2, src, dst, E)
    return _final_call(b0, b1, norm, W, b.reshape(1, 128), N)

# --- scband reference (transcript-rebuilt; emitter-appended) ---
"""Pipeline reference for scband-sgconv-26216480375299 (READ-ONLY COPY).

The authoritative reference and input builder live on the scoring server;
editing this copy changes nothing except your own understanding.
"""

import jax, jax.numpy as jnp
import numpy as np

N = 10000
E = 320000
D_IN = 128
D_OUT = 128
K = 2

def setup_inputs(seed: int = 0) -> dict:
    key = jax.random.key(seed)
    k1, k2, k3, k4 = jax.random.split(key, 4)
    feat = jax.random.normal(k1, (N, D_IN), dtype=jnp.float32)
    edge_index = jax.random.randint(k2, (2, E), 0, N, dtype=jnp.int64)
    # Linear layer params (PyTorch nn.Linear default init style)
    bound = 1.0 / np.sqrt(D_IN)
    W = jax.random.uniform(k3, (D_OUT, D_IN), minval=-bound, maxval=bound, dtype=jnp.float32)
    b = jax.random.uniform(k4, (D_OUT,), minval=-bound, maxval=bound, dtype=jnp.float32)
    return {"feat": feat, "edge_index": edge_index, "W": W, "b": b}

def reference(feat, edge_index, W, b):
    src = edge_index[0]
    dst = edge_index[1]
    # in-degrees (messages aggregated at dst)
    degs = jnp.bincount(dst, length=N).astype(jnp.float32)
    norm = jnp.where(degs > 0, jnp.power(degs, -0.5), 0.0)
    norm = norm[:, None]
    h = feat
    for _ in range(K):
        h = h * norm
        # copy_u + sum: gather from src, scatter-add to dst
        h = jax.ops.segment_sum(h[src], dst, num_segments=N)
        h = h * norm
    return h @ W.T + b

if __name__ == "__main__":
    import jax
    _d = setup_inputs()
    print(jax.jit(kernel)(*tuple(_d.values())))

</pallas_src>

<mosaic_0001>
#map = affine_map<(d0, d1) -> (0, 0)>
#map1 = affine_map<(d0, d1) -> (0)>
module attributes {stable_mosaic.version = 14 : i64} {
  func.func @body(%arg0: i32, %arg1: i32, %arg2: memref<10000x128xf32, #tpu.memory_space<hbm>>, %arg3: memref<320000xi32, #tpu.memory_space<hbm>>, %arg4: memref<320000xi32, #tpu.memory_space<hbm>>, %arg5: memref<10240x128xf32, #tpu.memory_space<hbm>>, %arg6: memref<10240x128xf32, #tpu.memory_space<hbm>>, %arg7: memref<10000xi32, #tpu.memory_space<vmem>>, %arg8: memref<128xi32, #tpu.memory_space<vmem>>, %arg9: memref<128xi32, #tpu.memory_space<vmem>>, %arg10: memref<16xi32, #tpu.memory_space<vmem>>, %arg11: memref<128x128xf32, #tpu.memory_space<vmem>>, %arg12: memref<128x128xf32, #tpu.memory_space<vmem>>, %arg13: memref<10240x128xf32, #tpu.memory_space<vmem_shared>>, %arg14: memref<!tpu.dma_semaphore, #tpu.memory_space<semaphore_mem>>, %arg15: memref<!tpu.dma_semaphore, #tpu.memory_space<semaphore_mem>>, %arg16: memref<!tpu.dma_semaphore, #tpu.memory_space<semaphore_mem>>, %arg17: memref<!tpu.dma_semaphore, #tpu.memory_space<semaphore_mem>>, %arg18: memref<!tpu.dma_semaphore, #tpu.memory_space<semaphore_mem>>, %arg19: memref<!tpu.dma_semaphore, #tpu.memory_space<semaphore_mem>>, %arg20: memref<!tpu.dma_semaphore, #tpu.memory_space<semaphore_mem>>) attributes {dimension_semantics = [#tpu.dimension_semantics<core_parallel>, #tpu.dimension_semantics<subcore_parallel>], iteration_bounds = array<i64: 2, 16>, scalar_prefetch = 0 : i64, scratch_operands = 14 : i64, tpu.core_type = #tpu.core_type<sc_vector_subcore>, window_params = [{transform_indices = #map}, {transform_indices = #map1}, {transform_indices = #map1}, {transform_indices = #map}, {transform_indices = #map}]} {
    %mul3A = arith.constant 2 : i32
    %mul3A_0 = arith.muli %arg1, %mul3A : i32
    %add3A = arith.addi %mul3A_0, %arg0 : i32
    %mul3A_1 = arith.constant 640 : i32
    %mul3A_2 = arith.muli %arg1, %mul3A_1 : i32
    %mul3A_3 = arith.constant 10000 : i32
    %mul3A_4 = arith.muli %add3A, %mul3A_3 : i32
    %scan3A = arith.constant 0 : i32
    %scan3A_5 = arith.constant 0 : i32
    %scan3A_6 = arith.constant 128 : i32
    %scan3A_7 = arith.addi %scan3A_5, %scan3A_6 : i32
    %scan3A_8 = arith.constant 1 : i32
    scf.for %scan3A_81 = %scan3A_5 to %scan3A_7 step %scan3A_8  : i32 {
      %broadcast_in_dim3A = arith.constant 0.000000e+00 : f32
      %broadcast_in_dim3A_82 = vector.broadcast %broadcast_in_dim3A : f32 to vector<16xf32>
      %swap3A = arith.index_cast %scan3A_81 : i32 to index
      %swap3A_83 = arith.constant 0 : index
      %swap3A_84 = tpu.vector_load %arg11[%swap3A, %swap3A_83] {strides = array<i32>} : memref<128x128xf32, #tpu.memory_space<vmem>>, vector<1x16xf32>,
      %swap3A_85 = vector.shape_cast %swap3A_84 : vector<1x16xf32> to vector<16xf32>
      %swap3A_86 = vector.shape_cast %broadcast_in_dim3A_82 : vector<16xf32> to vector<1x16xf32>
      tpu.vector_store %arg11[%swap3A, %swap3A_83], %swap3A_86 {strides = array<i32>} : memref<128x128xf32, #tpu.memory_space<vmem>>, vector<1x16xf32>,
      %broadcast_in_dim3A_87 = arith.constant 0.000000e+00 : f32
      %broadcast_in_dim3A_88 = vector.broadcast %broadcast_in_dim3A_87 : f32 to vector<16xf32>
      %swap3A_89 = arith.index_cast %scan3A_81 : i32 to index
      %swap3A_90 = arith.constant 16 : index
      %swap3A_91 = tpu.vector_load %arg11[%swap3A_89, %swap3A_90] {strides = array<i32>} : memref<128x128xf32, #tpu.memory_space<vmem>>, vector<1x16xf32>,
      %swap3A_92 = vector.shape_cast %swap3A_91 : vector<1x16xf32> to vector<16xf32>
      %swap3A_93 = vector.shape_cast %broadcast_in_dim3A_88 : vector<16xf32> to vector<1x16xf32>
      tpu.vector_store %arg11[%swap3A_89, %swap3A_90], %swap3A_93 {strides = array<i32>} : memref<128x128xf32, #tpu.memory_space<vmem>>, vector<1x16xf32>,
      %broadcast_in_dim3A_94 = arith.constant 0.000000e+00 : f32
      %broadcast_in_dim3A_95 = vector.broadcast %broadcast_in_dim3A_94 : f32 to vector<16xf32>
      %swap3A_96 = arith.index_cast %scan3A_81 : i32 to index
      %swap3A_97 = arith.constant 32 : index
      %swap3A_98 = tpu.vector_load %arg11[%swap3A_96, %swap3A_97] {strides = array<i32>} : memref<128x128xf32, #tpu.memory_space<vmem>>, vector<1x16xf32>,
      %swap3A_99 = vector.shape_cast %swap3A_98 : vector<1x16xf32> to vector<16xf32>
      %swap3A_100 = vector.shape_cast %broadcast_in_dim3A_95 : vector<16xf32> to vector<1x16xf32>
      tpu.vector_store %arg11[%swap3A_96, %swap3A_97], %swap3A_100 {strides = array<i32>} : memref<128x128xf32, #tpu.memory_space<vmem>>, vector<1x16xf32>,
      %broadcast_in_dim3A_101 = arith.constant 0.000000e+00 : f32
      %broadcast_in_dim3A_102 = vector.broadcast %broadcast_in_dim3A_101 : f32 to vector<16xf32>
      %swap3A_103 = arith.index_cast %scan3A_81 : i32 to index
      %swap3A_104 = arith.constant 48 : index
      %swap3A_105 = tpu.vector_load %arg11[%swap3A_103, %swap3A_104] {strides = array<i32>} : memref<128x128xf32, #tpu.memory_space<vmem>>, vector<1x16xf32>,
      %swap3A_106 = vector.shape_cast %swap3A_105 : vector<1x16xf32> to vector<16xf32>
      %swap3A_107 = vector.shape_cast %broadcast_in_dim3A_102 : vector<16xf32> to vector<1x16xf32>
      tpu.vector_store %arg11[%swap3A_103, %swap3A_104], %swap3A_107 {strides = array<i32>} : memref<128x128xf32, #tpu.memory_space<vmem>>, vector<1x16xf32>,
      %broadcast_in_dim3A_108 = arith.constant 0.000000e+00 : f32
      %broadcast_in_dim3A_109 = vector.broadcast %broadcast_in_dim3A_108 : f32 to vector<16xf32>
      %swap3A_110 = arith.index_cast %scan3A_81 : i32 to index
      %swap3A_111 = arith.constant 64 : index
      %swap3A_112 = tpu.vector_load %arg11[%swap3A_110, %swap3A_111] {strides = array<i32>} : memref<128x128xf32, #tpu.memory_space<vmem>>, vector<1x16xf32>,
      %swap3A_113 = vector.shape_cast %swap3A_112 : vector<1x16xf32> to vector<16xf32>
      %swap3A_114 = vector.shape_cast %broadcast_in_dim3A_109 : vector<16xf32> to vector<1x16xf32>
      tpu.vector_store %arg11[%swap3A_110, %swap3A_111], %swap3A_114 {strides = array<i32>} : memref<128x128xf32, #tpu.memory_space<vmem>>, vector<1x16xf32>,
      %broadcast_in_dim3A_115 = arith.constant 0.000000e+00 : f32
      %broadcast_in_dim3A_116 = vector.broadcast %broadcast_in_dim3A_115 : f32 to vector<16xf32>
      %swap3A_117 = arith.index_cast %scan3A_81 : i32 to index
      %swap3A_118 = arith.constant 80 : index
      %swap3A_119 = tpu.vector_load %arg11[%swap3A_117, %swap3A_118] {strides = array<i32>} : memref<128x128xf32, #tpu.memory_space<vmem>>, vector<1x16xf32>,
      %swap3A_120 = vector.shape_cast %swap3A_119 : vector<1x16xf32> to vector<16xf32>
      %swap3A_121 = vector.shape_cast %broadcast_in_dim3A_116 : vector<16xf32> to vector<1x16xf32>
      tpu.vector_store %arg11[%swap3A_117, %swap3A_118], %swap3A_121 {strides = array<i32>} : memref<128x128xf32, #tpu.memory_space<vmem>>, vector<1x16xf32>,
      %broadcast_in_dim3A_122 = arith.constant 0.000000e+00 : f32
      %broadcast_in_dim3A_123 = vector.broadcast %broadcast_in_dim3A_122 : f32 to vector<16xf32>
      %swap3A_124 = arith.index_cast %scan3A_81 : i32 to index
      %swap3A_125 = arith.constant 96 : index
      %swap3A_126 = tpu.vector_load %arg11[%swap3A_124, %swap3A_125] {strides = array<i32>} : memref<128x128xf32, #tpu.memory_space<vmem>>, vector<1x16xf32>,
      %swap3A_127 = vector.shape_cast %swap3A_126 : vector<1x16xf32> to vector<16xf32>
      %swap3A_128 = vector.shape_cast %broadcast_in_dim3A_123 : vector<16xf32> to vector<1x16xf32>
      tpu.vector_store %arg11[%swap3A_124, %swap3A_125], %swap3A_128 {strides = array<i32>} : memref<128x128xf32, #tpu.memory_space<vmem>>, vector<1x16xf32>,
      %broadcast_in_dim3A_129 = arith.constant 0.000000e+00 : f32
      %broadcast_in_dim3A_130 = vector.broadcast %broadcast_in_dim3A_129 : f32 to vector<16xf32>
      %swap3A_131 = arith.index_cast %scan3A_81 : i32 to index
      %swap3A_132 = arith.constant 112 : index
      %swap3A_133 = tpu.vector_load %arg11[%swap3A_131, %swap3A_132] {strides = array<i32>} : memref<128x128xf32, #tpu.memory_space<vmem>>, vector<1x16xf32>,
      %swap3A_134 = vector.shape_cast %swap3A_133 : vector<1x16xf32> to vector<16xf32>
      %swap3A_135 = vector.shape_cast %broadcast_in_dim3A_130 : vector<16xf32> to vector<1x16xf32>
      tpu.vector_store %arg11[%swap3A_131, %swap3A_132], %swap3A_135 {strides = array<i32>} : memref<128x128xf32, #tpu.memory_space<vmem>>, vector<1x16xf32>,
    }
    %scan3A_9 = arith.constant 128 : i32
    %mul3A_10 = arith.constant 640 : i32
    %mul3A_11 = arith.muli %arg1, %mul3A_10 : i32
    %add3A_12 = arith.constant 0 : i32
    %add3A_13 = arith.addi %mul3A_11, %add3A_12 : i32
    "tpu.region"() ({
      %run_scoped3A = tpu.sem_alloc : memref<!tpu.dma_semaphore, #tpu.memory_space<semaphore_mem>>
      %dma_start3A_81 = arith.constant 0 : i32
      %dma_start3A_82 = tpu.memref_slice %arg13[%add3A_13, %dma_start3A_81] : memref<10240x128xf32, #tpu.memory_space<vmem_shared>> -> memref<128x128xf32, #tpu.memory_space<vmem_shared>>
      %dma_start3A_83 = arith.constant 0 : i32
      %dma_start3A_84 = tpu.memref_slice %arg13[%add3A_13, %dma_start3A_83] : memref<10240x128xf32, #tpu.memory_space<vmem_shared>> -> memref<128x128xf32, #tpu.memory_space<vmem_shared>>
      tpu.enqueue_dma source(%arg11 : memref<128x128xf32, #tpu.memory_space<vmem>>) target(%dma_start3A_84 : memref<128x128xf32, #tpu.memory_space<vmem_shared>>) target_semaphore(%run_scoped3A : memref<!tpu.dma_semaphore, #tpu.memory_space<semaphore_mem>>)
      %dma_wait3A_85 = arith.constant 0 : i32
      %dma_wait3A_86 = tpu.memref_slice %arg13[%add3A_13, %dma_wait3A_85] : memref<10240x128xf32, #tpu.memory_space<vmem_shared>> -> memref<128x128xf32, #tpu.memory_space<vmem_shared>>
      %dma_wait3A_87 = arith.constant 0 : i32
      %dma_wait3A_88 = tpu.memref_slice %arg13[%add3A_13, %dma_wait3A_87] : memref<10240x128xf32, #tpu.memory_space<vmem_shared>> -> memref<128x128xf32, #tpu.memory_space<vmem_shared>>
      tpu.wait_dma2 semaphore(%run_scoped3A : memref<!tpu.dma_semaphore, #tpu.memory_space<semaphore_mem>>) src(%arg11 : memref<128x128xf32, #tpu.memory_space<vmem>>) dst(%dma_wait3A_88 : memref<128x128xf32, #tpu.memory_space<vmem_shared>>)
      tpu.yield
    }) : () -> ()
    %mul3A_14 = arith.constant 640 : i32
    %mul3A_15 = arith.muli %arg1, %mul3A_14 : i32
    %add3A_16 = arith.constant 128 : i32
    %add3A_17 = arith.addi %mul3A_15, %add3A_16 : i32
    "tpu.region"() ({
      %run_scoped3A = tpu.sem_alloc : memref<!tpu.dma_semaphore, #tpu.memory_space<semaphore_mem>>
      %dma_start3A_81 = arith.constant 0 : i32
      %dma_start3A_82 = tpu.memref_slice %arg13[%add3A_17, %dma_start3A_81] : memref<10240x128xf32, #tpu.memory_space<vmem_shared>> -> memref<128x128xf32, #tpu.memory_space<vmem_shared>>
      %dma_start3A_83 = arith.constant 0 : i32
      %dma_start3A_84 = tpu.memref_slice %arg13[%add3A_17, %dma_start3A_83] : memref<10240x128xf32, #tpu.memory_space<vmem_shared>> -> memref<128x128xf32, #tpu.memory_space<vmem_shared>>
      tpu.enqueue_dma source(%arg11 : memref<128x128xf32, #tpu.memory_space<vmem>>) target(%dma_start3A_84 : memref<128x128xf32, #tpu.memory_space<vmem_shared>>) target_semaphore(%run_scoped3A : memref<!tpu.dma_semaphore, #tpu.memory_space<semaphore_mem>>)
      %dma_wait3A_85 = arith.constant 0 : i32
      %dma_wait3A_86 = tpu.memref_slice %arg13[%add3A_17, %dma_wait3A_85] : memref<10240x128xf32, #tpu.memory_space<vmem_shared>> -> memref<128x128xf32, #tpu.memory_space<vmem_shared>>
      %dma_wait3A_87 = arith.constant 0 : i32
      %dma_wait3A_88 = tpu.memref_slice %arg13[%add3A_17, %dma_wait3A_87] : memref<10240x128xf32, #tpu.memory_space<vmem_shared>> -> memref<128x128xf32, #tpu.memory_space<vmem_shared>>
      tpu.wait_dma2 semaphore(%run_scoped3A : memref<!tpu.dma_semaphore, #tpu.memory_space<semaphore_mem>>) src(%arg11 : memref<128x128xf32, #tpu.memory_space<vmem>>) dst(%dma_wait3A_88 : memref<128x128xf32, #tpu.memory_space<vmem_shared>>)
      tpu.yield
    }) : () -> ()
    %mul3A_18 = arith.constant 640 : i32
    %mul3A_19 = arith.muli %arg1, %mul3A_18 : i32
    %add3A_20 = arith.constant 256 : i32
    %add3A_21 = arith.addi %mul3A_19, %add3A_20 : i32
    "tpu.region"() ({
      %run_scoped3A = tpu.sem_alloc : memref<!tpu.dma_semaphore, #tpu.memory_space<semaphore_mem>>
      %dma_start3A_81 = arith.constant 0 : i32
      %dma_start3A_82 = tpu.memref_slice %arg13[%add3A_21, %dma_start3A_81] : memref<10240x128xf32, #tpu.memory_space<vmem_shared>> -> memref<128x128xf32, #tpu.memory_space<vmem_shared>>
      %dma_start3A_83 = arith.constant 0 : i32
      %dma_start3A_84 = tpu.memref_slice %arg13[%add3A_21, %dma_start3A_83] : memref<10240x128xf32, #tpu.memory_space<vmem_shared>> -> memref<128x128xf32, #tpu.memory_space<vmem_shared>>
      tpu.enqueue_dma source(%arg11 : memref<128x128xf32, #tpu.memory_space<vmem>>) target(%dma_start3A_84 : memref<128x128xf32, #tpu.memory_space<vmem_shared>>) target_semaphore(%run_scoped3A : memref<!tpu.dma_semaphore, #tpu.memory_space<semaphore_mem>>)
      %dma_wait3A_85 = arith.constant 0 : i32
      %dma_wait3A_86 = tpu.memref_slice %arg13[%add3A_21, %dma_wait3A_85] : memref<10240x128xf32, #tpu.memory_space<vmem_shared>> -> memref<128x128xf32, #tpu.memory_space<vmem_shared>>
      %dma_wait3A_87 = arith.constant 0 : i32
      %dma_wait3A_88 = tpu.memref_slice %arg13[%add3A_21, %dma_wait3A_87] : memref<10240x128xf32, #tpu.memory_space<vmem_shared>> -> memref<128x128xf32, #tpu.memory_space<vmem_shared>>
      tpu.wait_dma2 semaphore(%run_scoped3A : memref<!tpu.dma_semaphore, #tpu.memory_space<semaphore_mem>>) src(%arg11 : memref<128x128xf32, #tpu.memory_space<vmem>>) dst(%dma_wait3A_88 : memref<128x128xf32, #tpu.memory_space<vmem_shared>>)
      tpu.yield
    }) : () -> ()
    %mul3A_22 = arith.constant 640 : i32
    %mul3A_23 = arith.muli %arg1, %mul3A_22 : i32
    %add3A_24 = arith.constant 384 : i32
    %add3A_25 = arith.addi %mul3A_23, %add3A_24 : i32
    "tpu.region"() ({
      %run_scoped3A = tpu.sem_alloc : memref<!tpu.dma_semaphore, #tpu.memory_space<semaphore_mem>>
      %dma_start3A_81 = arith.constant 0 : i32
      %dma_start3A_82 = tpu.memref_slice %arg13[%add3A_25, %dma_start3A_81] : memref<10240x128xf32, #tpu.memory_space<vmem_shared>> -> memref<128x128xf32, #tpu.memory_space<vmem_shared>>
      %dma_start3A_83 = arith.constant 0 : i32
      %dma_start3A_84 = tpu.memref_slice %arg13[%add3A_25, %dma_start3A_83] : memref<10240x128xf32, #tpu.memory_space<vmem_shared>> -> memref<128x128xf32, #tpu.memory_space<vmem_shared>>
      tpu.enqueue_dma source(%arg11 : memref<128x128xf32, #tpu.memory_space<vmem>>) target(%dma_start3A_84 : memref<128x128xf32, #tpu.memory_space<vmem_shared>>) target_semaphore(%run_scoped3A : memref<!tpu.dma_semaphore, #tpu.memory_space<semaphore_mem>>)
      %dma_wait3A_85 = arith.constant 0 : i32
      %dma_wait3A_86 = tpu.memref_slice %arg13[%add3A_25, %dma_wait3A_85] : memref<10240x128xf32, #tpu.memory_space<vmem_shared>> -> memref<128x128xf32, #tpu.memory_space<vmem_shared>>
      %dma_wait3A_87 = arith.constant 0 : i32
      %dma_wait3A_88 = tpu.memref_slice %arg13[%add3A_25, %dma_wait3A_87] : memref<10240x128xf32, #tpu.memory_space<vmem_shared>> -> memref<128x128xf32, #tpu.memory_space<vmem_shared>>
      tpu.wait_dma2 semaphore(%run_scoped3A : memref<!tpu.dma_semaphore, #tpu.memory_space<semaphore_mem>>) src(%arg11 : memref<128x128xf32, #tpu.memory_space<vmem>>) dst(%dma_wait3A_88 : memref<128x128xf32, #tpu.memory_space<vmem_shared>>)
      tpu.yield
    }) : () -> ()
    %mul3A_26 = arith.constant 640 : i32
    %mul3A_27 = arith.muli %arg1, %mul3A_26 : i32
    %add3A_28 = arith.constant 512 : i32
    %add3A_29 = arith.addi %mul3A_27, %add3A_28 : i32
    "tpu.region"() ({
      %run_scoped3A = tpu.sem_alloc : memref<!tpu.dma_semaphore, #tpu.memory_space<semaphore_mem>>
      %dma_start3A_81 = arith.constant 0 : i32
      %dma_start3A_82 = tpu.memref_slice %arg13[%add3A_29, %dma_start3A_81] : memref<10240x128xf32, #tpu.memory_space<vmem_shared>> -> memref<128x128xf32, #tpu.memory_space<vmem_shared>>
      %dma_start3A_83 = arith.constant 0 : i32
      %dma_start3A_84 = tpu.memref_slice %arg13[%add3A_29, %dma_start3A_83] : memref<10240x128xf32, #tpu.memory_space<vmem_shared>> -> memref<128x128xf32, #tpu.memory_space<vmem_shared>>
      tpu.enqueue_dma source(%arg11 : memref<128x128xf32, #tpu.memory_space<vmem>>) target(%dma_start3A_84 : memref<128x128xf32, #tpu.memory_space<vmem_shared>>) target_semaphore(%run_scoped3A : memref<!tpu.dma_semaphore, #tpu.memory_space<semaphore_mem>>)
      %dma_wait3A_85 = arith.constant 0 : i32
      %dma_wait3A_86 = tpu.memref_slice %arg13[%add3A_29, %dma_wait3A_85] : memref<10240x128xf32, #tpu.memory_space<vmem_shared>> -> memref<128x128xf32, #tpu.memory_space<vmem_shared>>
      %dma_wait3A_87 = arith.constant 0 : i32
      %dma_wait3A_88 = tpu.memref_slice %arg13[%add3A_29, %dma_wait3A_87] : memref<10240x128xf32, #tpu.memory_space<vmem_shared>> -> memref<128x128xf32, #tpu.memory_space<vmem_shared>>
      tpu.wait_dma2 semaphore(%run_scoped3A : memref<!tpu.dma_semaphore, #tpu.memory_space<semaphore_mem>>) src(%arg11 : memref<128x128xf32, #tpu.memory_space<vmem>>) dst(%dma_wait3A_88 : memref<128x128xf32, #tpu.memory_space<vmem_shared>>)
      tpu.yield
    }) : () -> ()
    "tpu.region"() ({
      %run_scoped3A = tpu.sem_alloc : memref<!tpu.dma_semaphore, #tpu.memory_space<semaphore_mem>>
      %dma_start3A_81 = tpu.memref_slice %arg3[%mul3A_4] : memref<320000xi32, #tpu.memory_space<hbm>> -> memref<10000xi32, #tpu.memory_space<hbm>>
      %dma_start3A_82 = tpu.memref_slice %arg3[%mul3A_4] : memref<320000xi32, #tpu.memory_space<hbm>> -> memref<10000xi32, #tpu.memory_space<hbm>>
      tpu.enqueue_dma source(%dma_start3A_82 : memref<10000xi32, #tpu.memory_space<hbm>>) target(%arg7 : memref<10000xi32, #tpu.memory_space<vmem>>) target_semaphore(%run_scoped3A : memref<!tpu.dma_semaphore, #tpu.memory_space<semaphore_mem>>)
      %dma_wait3A_83 = tpu.memref_slice %arg3[%mul3A_4] : memref<320000xi32, #tpu.memory_space<hbm>> -> memref<10000xi32, #tpu.memory_space<hbm>>
      %dma_wait3A_84 = tpu.memref_slice %arg3[%mul3A_4] : memref<320000xi32, #tpu.memory_space<hbm>> -> memref<10000xi32, #tpu.memory_space<hbm>>
      tpu.wait_dma2 semaphore(%run_scoped3A : memref<!tpu.dma_semaphore, #tpu.memory_space<semaphore_mem>>) src(%dma_wait3A_84 : memref<10000xi32, #tpu.memory_space<hbm>>) dst(%arg7 : memref<10000xi32, #tpu.memory_space<vmem>>)
      tpu.yield
    }) : () -> ()
    %barrier3A = arith.constant 0 : index
    tpu.barrier barrier_id(%barrier3A)
    %dma_start3A = arith.constant 0 : i32
    %dma_start3A_30 = tpu.memref_slice %arg7[%dma_start3A] : memref<10000xi32, #tpu.memory_space<vmem>> -> memref<128xi32, #tpu.memory_space<vmem>>
    %dma_start3A_31 = arith.constant 0 : i32
    %dma_start3A_32 = arith.constant 0 : i32
    %dma_start3A_33 = tpu.memref_slice %arg2[%dma_start3A_31, %dma_start3A_32] : memref<10000x128xf32, #tpu.memory_space<hbm>> -> memref<10000x128xf32, #tpu.memory_space<hbm>>
    tpu.enqueue_indirect_dma source(%dma_start3A_33 : memref<10000x128xf32, #tpu.memory_space<hbm>>) target(%arg11 : memref<128x128xf32, #tpu.memory_space<vmem>>) offsets(%dma_start3A_30 : memref<128xi32, #tpu.memory_space<vmem>>) semaphore(%arg14 : memref<!tpu.dma_semaphore, #tpu.memory_space<semaphore_mem>>)
    %add3A_34 = arith.constant 0 : i32
    %add3A_35 = arith.addi %mul3A_4, %add3A_34 : i32
    %dma_start3A_36 = tpu.memref_slice %arg4[%add3A_35] : memref<320000xi32, #tpu.memory_space<hbm>> -> memref<128xi32, #tpu.memory_space<hbm>>
    %dma_start3A_37 = tpu.memref_slice %arg4[%add3A_35] : memref<320000xi32, #tpu.memory_space<hbm>> -> memref<128xi32, #tpu.memory_space<hbm>>
    tpu.enqueue_dma source(%dma_start3A_37 : memref<128xi32, #tpu.memory_space<hbm>>) target(%arg8 : memref<128xi32, #tpu.memory_space<vmem>>) target_semaphore(%arg16 : memref<!tpu.dma_semaphore, #tpu.memory_space<semaphore_mem>>)
    %scan3A_38 = arith.constant 0 : i32
    %scan3A_39 = arith.constant 0 : i32
    %scan3A_40 = arith.constant 39 : i32
    %scan3A_41 = arith.addi %scan3A_39, %scan3A_40 : i32
    %scan3A_42 = arith.constant 1 : i32
    scf.for %scan3A_81 = %scan3A_39 to %scan3A_41 step %scan3A_42  : i32 {
      %mul3A_82 = arith.constant 2 : i32
      %mul3A_83 = arith.muli %scan3A_81, %mul3A_82 : i32
      %add3A_84 = arith.constant 0 : i32
      %add3A_85 = arith.addi %mul3A_83, %add3A_84 : i32
      %add3A_86 = arith.constant 1 : i32
      %add3A_87 = arith.addi %add3A_85, %add3A_86 : i32
      %rem3A = arith.constant 78 : i32
      %rem3A_88 = arith.remsi %add3A_87, %rem3A : i32
      %gt3A = arith.constant 0 : i32
      %gt3A_89 = arith.cmpi sgt, %add3A_85, %gt3A : i32
      %convert_element_type3A_90 = arith.extui %gt3A_89 : i1 to i32
      %cond3A_91 = arith.constant 0 : i32
      %cond3A_92 = arith.cmpi ne, %convert_element_type3A_90, %cond3A_91 : i32
      scf.if %cond3A_92 {
        %dma_wait3A_156 = arith.constant 0 : i32
        %dma_wait3A_157 = arith.constant 0 : i32
        %dma_wait3A_158 = tpu.memref_slice %arg13[%dma_wait3A_156, %dma_wait3A_157] : memref<10240x128xf32, #tpu.memory_space<vmem_shared>> -> memref<10240x128xf32, #tpu.memory_space<vmem_shared>>
        tpu.wait_indirect_dma semaphore(%arg19 : memref<!tpu.dma_semaphore, #tpu.memory_space<semaphore_mem>>) src(%arg12 : memref<128x128xf32, #tpu.memory_space<vmem>>) dst(%dma_wait3A_158 : memref<10240x128xf32, #tpu.memory_space<vmem_shared>>)
      } else {
      }
      %mul3A_93 = arith.constant 128 : i32
      %mul3A_94 = arith.muli %rem3A_88, %mul3A_93 : i32
      %dma_start3A_95 = tpu.memref_slice %arg7[%mul3A_94] : memref<10000xi32, #tpu.memory_space<vmem>> -> memref<128xi32, #tpu.memory_space<vmem>>
      %dma_start3A_96 = arith.constant 0 : i32
      %dma_start3A_97 = arith.constant 0 : i32
      %dma_start3A_98 = tpu.memref_slice %arg2[%dma_start3A_96, %dma_start3A_97] : memref<10000x128xf32, #tpu.memory_space<hbm>> -> memref<10000x128xf32, #tpu.memory_space<hbm>>
      tpu.enqueue_indirect_dma source(%dma_start3A_98 : memref<10000x128xf32, #tpu.memory_space<hbm>>) target(%arg12 : memref<128x128xf32, #tpu.memory_space<vmem>>) offsets(%dma_start3A_95 : memref<128xi32, #tpu.memory_space<vmem>>) semaphore(%arg15 : memref<!tpu.dma_semaphore, #tpu.memory_space<semaphore_mem>>)
      %mul3A_99 = arith.constant 128 : i32
      %mul3A_100 = arith.muli %rem3A_88, %mul3A_99 : i32
      %add3A_101 = arith.addi %mul3A_4, %mul3A_100 : i32
      %dma_start3A_102 = tpu.memref_slice %arg4[%add3A_101] : memref<320000xi32, #tpu.memory_space<hbm>> -> memref<128xi32, #tpu.memory_space<hbm>>
      %dma_start3A_103 = tpu.memref_slice %arg4[%add3A_101] : memref<320000xi32, #tpu.memory_space<hbm>> -> memref<128xi32, #tpu.memory_space<hbm>>
      tpu.enqueue_dma source(%dma_start3A_103 : memref<128xi32, #tpu.memory_space<hbm>>) target(%arg9 : memref<128xi32, #tpu.memory_space<vmem>>) target_semaphore(%arg17 : memref<!tpu.dma_semaphore, #tpu.memory_space<semaphore_mem>>)
      %mul3A_104 = arith.constant 128 : i32
      %mul3A_105 = arith.muli %add3A_85, %mul3A_104 : i32
      %add3A_106 = arith.addi %mul3A_4, %mul3A_105 : i32
      %dma_wait3A_107 = tpu.memref_slice %arg4[%add3A_106] : memref<320000xi32, #tpu.memory_space<hbm>> -> memref<128xi32, #tpu.memory_space<hbm>>
      %dma_wait3A_108 = tpu.memref_slice %arg4[%add3A_106] : memref<320000xi32, #tpu.memory_space<hbm>> -> memref<128xi32, #tpu.memory_space<hbm>>
      tpu.wait_dma2 semaphore(%arg16 : memref<!tpu.dma_semaphore, #tpu.memory_space<semaphore_mem>>) src(%dma_wait3A_108 : memref<128xi32, #tpu.memory_space<hbm>>) dst(%arg8 : memref<128xi32, #tpu.memory_space<vmem>>)
      %mul3A_109 = arith.constant 128 : i32
      %mul3A_110 = arith.muli %add3A_85, %mul3A_109 : i32
      %dma_wait3A_111 = tpu.memref_slice %arg7[%mul3A_110] : memref<10000xi32, #tpu.memory_space<vmem>> -> memref<128xi32, #tpu.memory_space<vmem>>
      %dma_wait3A_112 = arith.constant 0 : i32
      %dma_wait3A_113 = arith.constant 0 : i32
      %dma_wait3A_114 = tpu.memref_slice %arg2[%dma_wait3A_112, %dma_wait3A_113] : memref<10000x128xf32, #tpu.memory_space<hbm>> -> memref<10000x128xf32, #tpu.memory_space<hbm>>
      tpu.wait_indirect_dma semaphore(%arg14 : memref<!tpu.dma_semaphore, #tpu.memory_space<semaphore_mem>>) src(%dma_wait3A_114 : memref<10000x128xf32, #tpu.memory_space<hbm>>) dst(%arg11 : memref<128x128xf32, #tpu.memory_space<vmem>>)
      %dma_start3A_115 = arith.constant 0 : i32
      %dma_start3A_116 = arith.constant 0 : i32
      %dma_start3A_117 = tpu.memref_slice %arg13[%dma_start3A_115, %dma_start3A_116] : memref<10240x128xf32, #tpu.memory_space<vmem_shared>> -> memref<10240x128xf32, #tpu.memory_space<vmem_shared>>
      tpu.enqueue_indirect_dma source(%arg11 : memref<128x128xf32, #tpu.memory_space<vmem>>) target(%dma_start3A_117 : memref<10240x128xf32, #tpu.memory_space<vmem_shared>>) offsets(%arg8 : memref<128xi32, #tpu.memory_space<vmem>>) semaphore(%arg18 : memref<!tpu.dma_semaphore, #tpu.memory_space<semaphore_mem>>) {add = true}
      %mul3A_118 = arith.constant 2 : i32
      %mul3A_119 = arith.muli %scan3A_81, %mul3A_118 : i32
      %add3A_120 = arith.constant 1 : i32
      %add3A_121 = arith.addi %mul3A_119, %add3A_120 : i32
      %add3A_122 = arith.constant 1 : i32
      %add3A_123 = arith.addi %add3A_121, %add3A_122 : i32
      %rem3A_124 = arith.constant 78 : i32
      %rem3A_125 = arith.remsi %add3A_123, %rem3A_124 : i32
      %gt3A_126 = arith.constant 0 : i32
      %gt3A_127 = arith.cmpi sgt, %add3A_121, %gt3A_126 : i32
      %convert_element_type3A_128 = arith.extui %gt3A_127 : i1 to i32
      %cond3A_129 = arith.constant 0 : i32
      %cond3A_130 = arith.cmpi ne, %convert_element_type3A_128, %cond3A_129 : i32
      scf.if %cond3A_130 {
        %dma_wait3A_156 = arith.constant 0 : i32
        %dma_wait3A_157 = arith.constant 0 : i32
        %dma_wait3A_158 = tpu.memref_slice %arg13[%dma_wait3A_156, %dma_wait3A_157] : memref<10240x128xf32, #tpu.memory_space<vmem_shared>> -> memref<10240x128xf32, #tpu.memory_space<vmem_shared>>
        tpu.wait_indirect_dma semaphore(%arg18 : memref<!tpu.dma_semaphore, #tpu.memory_space<semaphore_mem>>) src(%arg11 : memref<128x128xf32, #tpu.memory_space<vmem>>) dst(%dma_wait3A_158 : memref<10240x128xf32, #tpu.memory_space<vmem_shared>>)
      } else {
      }
      %mul3A_131 = arith.constant 128 : i32
      %mul3A_132 = arith.muli %rem3A_125, %mul3A_131 : i32
      %dma_start3A_133 = tpu.memref_slice %arg7[%mul3A_132] : memref<10000xi32, #tpu.memory_space<vmem>> -> memref<128xi32, #tpu.memory_space<vmem>>
      %dma_start3A_134 = arith.constant 0 : i32
      %dma_start3A_135 = arith.constant 0 : i32
      %dma_start3A_136 = tpu.memref_slice %arg2[%dma_start3A_134, %dma_start3A_135] : memref<10000x128xf32, #tpu.memory_space<hbm>> -> memref<10000x128xf32, #tpu.memory_space<hbm>>
      tpu.enqueue_indirect_dma source(%dma_start3A_136 : memref<10000x128xf32, #tpu.memory_space<hbm>>) target(%arg11 : memref<128x128xf32, #tpu.memory_space<vmem>>) offsets(%dma_start3A_133 : memref<128xi32, #tpu.memory_space<vmem>>) semaphore(%arg14 : memref<!tpu.dma_semaphore, #tpu.memory_space<semaphore_mem>>)
      %mul3A_137 = arith.constant 128 : i32
      %mul3A_138 = arith.muli %rem3A_125, %mul3A_137 : i32
      %add3A_139 = arith.addi %mul3A_4, %mul3A_138 : i32
      %dma_start3A_140 = tpu.memref_slice %arg4[%add3A_139] : memref<320000xi32, #tpu.memory_space<hbm>> -> memref<128xi32, #tpu.memory_space<hbm>>
      %dma_start3A_141 = tpu.memref_slice %arg4[%add3A_139] : memref<320000xi32, #tpu.memory_space<hbm>> -> memref<128xi32, #tpu.memory_space<hbm>>
      tpu.enqueue_dma source(%dma_start3A_141 : memref<128xi32, #tpu.memory_space<hbm>>) target(%arg8 : memref<128xi32, #tpu.memory_space<vmem>>) target_semaphore(%arg16 : memref<!tpu.dma_semaphore, #tpu.memory_space<semaphore_mem>>)
      %mul3A_142 = arith.constant 128 : i32
      %mul3A_143 = arith.muli %add3A_121, %mul3A_142 : i32
      %add3A_144 = arith.addi %mul3A_4, %mul3A_143 : i32
      %dma_wait3A_145 = tpu.memref_slice %arg4[%add3A_144] : memref<320000xi32, #tpu.memory_space<hbm>> -> memref<128xi32, #tpu.memory_space<hbm>>
      %dma_wait3A_146 = tpu.memref_slice %arg4[%add3A_144] : memref<320000xi32, #tpu.memory_space<hbm>> -> memref<128xi32, #tpu.memory_space<hbm>>
      tpu.wait_dma2 semaphore(%arg17 : memref<!tpu.dma_semaphore, #tpu.memory_space<semaphore_mem>>) src(%dma_wait3A_146 : memref<128xi32, #tpu.memory_space<hbm>>) dst(%arg9 : memref<128xi32, #tpu.memory_space<vmem>>)
      %mul3A_147 = arith.constant 128 : i32
      %mul3A_148 = arith.muli %add3A_121, %mul3A_147 : i32
      %dma_wait3A_149 = tpu.memref_slice %arg7[%mul3A_148] : memref<10000xi32, #tpu.memory_space<vmem>> -> memref<128xi32, #tpu.memory_space<vmem>>
      %dma_wait3A_150 = arith.constant 0 : i32
      %dma_wait3A_151 = arith.constant 0 : i32
      %dma_wait3A_152 = tpu.memref_slice %arg2[%dma_wait3A_150, %dma_wait3A_151] : memref<10000x128xf32, #tpu.memory_space<hbm>> -> memref<10000x128xf32, #tpu.memory_space<hbm>>
      tpu.wait_indirect_dma semaphore(%arg15 : memref<!tpu.dma_semaphore, #tpu.memory_space<semaphore_mem>>) src(%dma_wait3A_152 : memref<10000x128xf32, #tpu.memory_space<hbm>>) dst(%arg12 : memref<128x128xf32, #tpu.memory_space<vmem>>)
      %dma_start3A_153 = arith.constant 0 : i32
      %dma_start3A_154 = arith.constant 0 : i32
      %dma_start3A_155 = tpu.memref_slice %arg13[%dma_start3A_153, %dma_start3A_154] : memref<10240x128xf32, #tpu.memory_space<vmem_shared>> -> memref<10240x128xf32, #tpu.memory_space<vmem_shared>>
      tpu.enqueue_indirect_dma source(%arg12 : memref<128x128xf32, #tpu.memory_space<vmem>>) target(%dma_start3A_155 : memref<10240x128xf32, #tpu.memory_space<vmem_shared>>) offsets(%arg9 : memref<128xi32, #tpu.memory_space<vmem>>) semaphore(%arg19 : memref<!tpu.dma_semaphore, #tpu.memory_space<semaphore_mem>>) {add = true}
    }
    %scan3A_43 = arith.constant 39 : i32
    %dma_wait3A = arith.constant 0 : i32
    %dma_wait3A_44 = arith.constant 0 : i32
    %dma_wait3A_45 = tpu.memref_slice %arg13[%dma_wait3A, %dma_wait3A_44] : memref<10240x128xf32, #tpu.memory_space<vmem_shared>> -> memref<10240x128xf32, #tpu.memory_space<vmem_shared>>
    tpu.wait_indirect_dma semaphore(%arg19 : memref<!tpu.dma_semaphore, #tpu.memory_space<semaphore_mem>>) src(%arg12 : memref<128x128xf32, #tpu.memory_space<vmem>>) dst(%dma_wait3A_45 : memref<10240x128xf32, #tpu.memory_space<vmem_shared>>)
    %add3A_46 = arith.constant 0 : i32
    %add3A_47 = arith.addi %mul3A_4, %add3A_46 : i32
    %dma_wait3A_48 = tpu.memref_slice %arg4[%add3A_47] : memref<320000xi32, #tpu.memory_space<hbm>> -> memref<128xi32, #tpu.memory_space<hbm>>
    %dma_wait3A_49 = tpu.memref_slice %arg4[%add3A_47] : memref<320000xi32, #tpu.memory_space<hbm>> -> memref<128xi32, #tpu.memory_space<hbm>>
    tpu.wait_dma2 semaphore(%arg16 : memref<!tpu.dma_semaphore, #tpu.memory_space<semaphore_mem>>) src(%dma_wait3A_49 : memref<128xi32, #tpu.memory_space<hbm>>) dst(%arg8 : memref<128xi32, #tpu.memory_space<vmem>>)
    %dma_wait3A_50 = arith.constant 0 : i32
    %dma_wait3A_51 = tpu.memref_slice %arg7[%dma_wait3A_50] : memref<10000xi32, #tpu.memory_space<vmem>> -> memref<128xi32, #tpu.memory_space<vmem>>
    %dma_wait3A_52 = arith.constant 0 : i32
    %dma_wait3A_53 = arith.constant 0 : i32
    %dma_wait3A_54 = tpu.memref_slice %arg2[%dma_wait3A_52, %dma_wait3A_53] : memref<10000x128xf32, #tpu.memory_space<hbm>> -> memref<10000x128xf32, #tpu.memory_space<hbm>>
    tpu.wait_indirect_dma semaphore(%arg14 : memref<!tpu.dma_semaphore, #tpu.memory_space<semaphore_mem>>) src(%dma_wait3A_54 : memref<10000x128xf32, #tpu.memory_space<hbm>>) dst(%arg11 : memref<128x128xf32, #tpu.memory_space<vmem>>)
    %add3A_55 = arith.constant 9984 : i32
    %add3A_56 = arith.addi %mul3A_4, %add3A_55 : i32
    "tpu.region"() ({
      %run_scoped3A = tpu.sem_alloc : memref<!tpu.dma_semaphore, #tpu.memory_space<semaphore_mem>>
      %dma_start3A_81 = tpu.memref_slice %arg4[%add3A_56] : memref<320000xi32, #tpu.memory_space<hbm>> -> memref<16xi32, #tpu.memory_space<hbm>>
      %dma_start3A_82 = tpu.memref_slice %arg4[%add3A_56] : memref<320000xi32, #tpu.memory_space<hbm>> -> memref<16xi32, #tpu.memory_space<hbm>>
      tpu.enqueue_dma source(%dma_start3A_82 : memref<16xi32, #tpu.memory_space<hbm>>) target(%arg10 : memref<16xi32, #tpu.memory_space<vmem>>) target_semaphore(%run_scoped3A : memref<!tpu.dma_semaphore, #tpu.memory_space<semaphore_mem>>)
      %dma_wait3A_83 = tpu.memref_slice %arg4[%add3A_56] : memref<320000xi32, #tpu.memory_space<hbm>> -> memref<16xi32, #tpu.memory_space<hbm>>
      %dma_wait3A_84 = tpu.memref_slice %arg4[%add3A_56] : memref<320000xi32, #tpu.memory_space<hbm>> -> memref<16xi32, #tpu.memory_space<hbm>>
      tpu.wait_dma2 semaphore(%run_scoped3A : memref<!tpu.dma_semaphore, #tpu.memory_space<semaphore_mem>>) src(%dma_wait3A_84 : memref<16xi32, #tpu.memory_space<hbm>>) dst(%arg10 : memref<16xi32, #tpu.memory_space<vmem>>)
      tpu.yield
    }) : () -> ()
    %dma_start3A_57 = arith.constant 0 : i32
    %dma_start3A_58 = arith.constant 0 : i32
    %dma_start3A_59 = tpu.memref_slice %arg12[%dma_start3A_57, %dma_start3A_58] : memref<128x128xf32, #tpu.memory_space<vmem>> -> memref<16x128xf32, #tpu.memory_space<vmem>>
    %dma_start3A_60 = arith.constant 9984 : i32
    %dma_start3A_61 = tpu.memref_slice %arg7[%dma_start3A_60] : memref<10000xi32, #tpu.memory_space<vmem>> -> memref<16xi32, #tpu.memory_space<vmem>>
    %dma_start3A_62 = arith.constant 0 : i32
    %dma_start3A_63 = arith.constant 0 : i32
    %dma_start3A_64 = tpu.memref_slice %arg2[%dma_start3A_62, %dma_start3A_63] : memref<10000x128xf32, #tpu.memory_space<hbm>> -> memref<10000x128xf32, #tpu.memory_space<hbm>>
    tpu.enqueue_indirect_dma source(%dma_start3A_64 : memref<10000x128xf32, #tpu.memory_space<hbm>>) target(%dma_start3A_59 : memref<16x128xf32, #tpu.memory_space<vmem>>) offsets(%dma_start3A_61 : memref<16xi32, #tpu.memory_space<vmem>>) semaphore(%arg20 : memref<!tpu.dma_semaphore, #tpu.memory_space<semaphore_mem>>)
    %dma_wait3A_65 = arith.constant 0 : i32
    %dma_wait3A_66 = arith.constant 0 : i32
    %dma_wait3A_67 = tpu.memref_slice %arg12[%dma_wait3A_65, %dma_wait3A_66] : memref<128x128xf32, #tpu.memory_space<vmem>> -> memref<16x128xf32, #tpu.memory_space<vmem>>
    %dma_wait3A_68 = arith.constant 9984 : i32
    %dma_wait3A_69 = tpu.memref_slice %arg7[%dma_wait3A_68] : memref<10000xi32, #tpu.memory_space<vmem>> -> memref<16xi32, #tpu.memory_space<vmem>>
    %dma_wait3A_70 = arith.constant 0 : i32
    %dma_wait3A_71 = arith.constant 0 : i32
    %dma_wait3A_72 = tpu.memref_slice %arg2[%dma_wait3A_70, %dma_wait3A_71] : memref<10000x128xf32, #tpu.memory_space<hbm>> -> memref<10000x128xf32, #tpu.memory_space<hbm>>
    tpu.wait_indirect_dma semaphore(%arg20 : memref<!tpu.dma_semaphore, #tpu.memory_space<semaphore_mem>>) src(%dma_wait3A_72 : memref<10000x128xf32, #tpu.memory_space<hbm>>) dst(%dma_wait3A_67 : memref<16x128xf32, #tpu.memory_space<vmem>>)
    "tpu.region"() ({
      %run_scoped3A = tpu.sem_alloc : memref<!tpu.dma_semaphore, #tpu.memory_space<semaphore_mem>>
      %dma_start3A_81 = arith.constant 0 : i32
      %dma_start3A_82 = arith.constant 0 : i32
      %dma_start3A_83 = tpu.memref_slice %arg12[%dma_start3A_81, %dma_start3A_82] : memref<128x128xf32, #tpu.memory_space<vmem>> -> memref<16x128xf32, #tpu.memory_space<vmem>>
      %dma_start3A_84 = arith.constant 0 : i32
      %dma_start3A_85 = arith.constant 0 : i32
      %dma_start3A_86 = tpu.memref_slice %arg13[%dma_start3A_84, %dma_start3A_85] : memref<10240x128xf32, #tpu.memory_space<vmem_shared>> -> memref<10240x128xf32, #tpu.memory_space<vmem_shared>>
      tpu.enqueue_indirect_dma source(%dma_start3A_83 : memref<16x128xf32, #tpu.memory_space<vmem>>) target(%dma_start3A_86 : memref<10240x128xf32, #tpu.memory_space<vmem_shared>>) offsets(%arg10 : memref<16xi32, #tpu.memory_space<vmem>>) semaphore(%run_scoped3A : memref<!tpu.dma_semaphore, #tpu.memory_space<semaphore_mem>>) {add = true}
      %dma_wait3A_87 = arith.constant 0 : i32
      %dma_wait3A_88 = arith.constant 0 : i32
      %dma_wait3A_89 = tpu.memref_slice %arg12[%dma_wait3A_87, %dma_wait3A_88] : memref<128x128xf32, #tpu.memory_space<vmem>> -> memref<16x128xf32, #tpu.memory_space<vmem>>
      %dma_wait3A_90 = arith.constant 0 : i32
      %dma_wait3A_91 = arith.constant 0 : i32
      %dma_wait3A_92 = tpu.memref_slice %arg13[%dma_wait3A_90, %dma_wait3A_91] : memref<10240x128xf32, #tpu.memory_space<vmem_shared>> -> memref<10240x128xf32, #tpu.memory_space<vmem_shared>>
      tpu.wait_indirect_dma semaphore(%run_scoped3A : memref<!tpu.dma_semaphore, #tpu.memory_space<semaphore_mem>>) src(%dma_wait3A_89 : memref<16x128xf32, #tpu.memory_space<vmem>>) dst(%dma_wait3A_92 : memref<10240x128xf32, #tpu.memory_space<vmem_shared>>)
      tpu.yield
    }) : () -> ()
    %barrier3A_73 = arith.constant 0 : index
    tpu.barrier barrier_id(%barrier3A_73)
    %eq3A = arith.constant 0 : i32
    %eq3A_74 = arith.cmpi eq, %arg0, %eq3A : i32
    %convert_element_type3A = arith.extui %eq3A_74 : i1 to i32
    %cond3A = arith.constant 0 : i32
    %cond3A_75 = arith.cmpi ne, %convert_element_type3A, %cond3A : i32
    scf.if %cond3A_75 {
      "tpu.region"() ({
        %run_scoped3A = tpu.sem_alloc : memref<!tpu.dma_semaphore, #tpu.memory_space<semaphore_mem>>
        %dma_start3A_81 = arith.constant 0 : i32
        %dma_start3A_82 = tpu.memref_slice %arg5[%mul3A_2, %dma_start3A_81] : memref<10240x128xf32, #tpu.memory_space<hbm>> -> memref<640x128xf32, #tpu.memory_space<hbm>>
        %dma_start3A_83 = arith.constant 0 : i32
        %dma_start3A_84 = tpu.memref_slice %arg13[%mul3A_2, %dma_start3A_83] : memref<10240x128xf32, #tpu.memory_space<vmem_shared>> -> memref<640x128xf32, #tpu.memory_space<vmem_shared>>
        tpu.enqueue_dma source(%dma_start3A_84 : memref<640x128xf32, #tpu.memory_space<vmem_shared>>) target(%dma_start3A_82 : memref<640x128xf32, #tpu.memory_space<hbm>>) target_semaphore(%run_scoped3A : memref<!tpu.dma_semaphore, #tpu.memory_space<semaphore_mem>>)
        %dma_wait3A_85 = arith.constant 0 : i32
        %dma_wait3A_86 = tpu.memref_slice %arg5[%mul3A_2, %dma_wait3A_85] : memref<10240x128xf32, #tpu.memory_space<hbm>> -> memref<640x128xf32, #tpu.memory_space<hbm>>
        %dma_wait3A_87 = arith.constant 0 : i32
        %dma_wait3A_88 = tpu.memref_slice %arg13[%mul3A_2, %dma_wait3A_87] : memref<10240x128xf32, #tpu.memory_space<vmem_shared>> -> memref<640x128xf32, #tpu.memory_space<vmem_shared>>
        tpu.wait_dma2 semaphore(%run_scoped3A : memref<!tpu.dma_semaphore, #tpu.memory_space<semaphore_mem>>) src(%dma_wait3A_88 : memref<640x128xf32, #tpu.memory_space<vmem_shared>>) dst(%dma_wait3A_86 : memref<640x128xf32, #tpu.memory_space<hbm>>)
        tpu.yield
      }) : () -> ()
    } else {
    }
    %eq3A_76 = arith.constant 1 : i32
    %eq3A_77 = arith.cmpi eq, %arg0, %eq3A_76 : i32
    %convert_element_type3A_78 = arith.extui %eq3A_77 : i1 to i32
    %cond3A_79 = arith.constant 0 : i32
    %cond3A_80 = arith.cmpi ne, %convert_element_type3A_78, %cond3A_79 : i32
    scf.if %cond3A_80 {
      "tpu.region"() ({
        %run_scoped3A = tpu.sem_alloc : memref<!tpu.dma_semaphore, #tpu.memory_space<semaphore_mem>>
        %dma_start3A_81 = arith.constant 0 : i32
        %dma_start3A_82 = tpu.memref_slice %arg6[%mul3A_2, %dma_start3A_81] : memref<10240x128xf32, #tpu.memory_space<hbm>> -> memref<640x128xf32, #tpu.memory_space<hbm>>
        %dma_start3A_83 = arith.constant 0 : i32
        %dma_start3A_84 = tpu.memref_slice %arg13[%mul3A_2, %dma_start3A_83] : memref<10240x128xf32, #tpu.memory_space<vmem_shared>> -> memref<640x128xf32, #tpu.memory_space<vmem_shared>>
        tpu.enqueue_dma source(%dma_start3A_84 : memref<640x128xf32, #tpu.memory_space<vmem_shared>>) target(%dma_start3A_82 : memref<640x128xf32, #tpu.memory_space<hbm>>) target_semaphore(%run_scoped3A : memref<!tpu.dma_semaphore, #tpu.memory_space<semaphore_mem>>)
        %dma_wait3A_85 = arith.constant 0 : i32
        %dma_wait3A_86 = tpu.memref_slice %arg6[%mul3A_2, %dma_wait3A_85] : memref<10240x128xf32, #tpu.memory_space<hbm>> -> memref<640x128xf32, #tpu.memory_space<hbm>>
        %dma_wait3A_87 = arith.constant 0 : i32
        %dma_wait3A_88 = tpu.memref_slice %arg13[%mul3A_2, %dma_wait3A_87] : memref<10240x128xf32, #tpu.memory_space<vmem_shared>> -> memref<640x128xf32, #tpu.memory_space<vmem_shared>>
        tpu.wait_dma2 semaphore(%run_scoped3A : memref<!tpu.dma_semaphore, #tpu.memory_space<semaphore_mem>>) src(%dma_wait3A_88 : memref<640x128xf32, #tpu.memory_space<vmem_shared>>) dst(%dma_wait3A_86 : memref<640x128xf32, #tpu.memory_space<hbm>>)
        tpu.yield
      }) : () -> ()
    } else {
    }
    return
  }
}

#map = affine_map<(d0, d1) -> (0, 0)>
#map1 = affine_map<(d0, d1) -> (0)>
module attributes {stable_mosaic.version = 14 : i64} {
  func.func @body(%arg0: i32, %arg1: i32, %arg2: memref<2560x128xi32, #tpu.memory_space<hbm>>, %arg3: memref<10240xf32, #tpu.memory_space<hbm>>, %arg4: memref<10240xf32, #tpu.memory_space<hbm>>, %arg5: memref<10240xf32, #tpu.memory_space<hbm>>, %arg6: memref<128xf32, #tpu.memory_space<vmem>>, %arg7: memref<80x128xi32, #tpu.memory_space<vmem>>, %arg8: memref<10240xf32, #tpu.memory_space<vmem_shared>>, %arg9: memref<!tpu.dma_semaphore, #tpu.memory_space<semaphore_mem>>) attributes {dimension_semantics = [#tpu.dimension_semantics<core_parallel>, #tpu.dimension_semantics<subcore_parallel>], iteration_bounds = array<i64: 2, 16>, scalar_prefetch = 0 : i64, scratch_operands = 4 : i64, tpu.core_type = #tpu.core_type<sc_vector_subcore>, window_params = [{transform_indices = #map}, {transform_indices = #map1}, {transform_indices = #map1}, {transform_indices = #map1}]} {
    %mul3A = arith.constant 2 : i32
    %mul3A_0 = arith.muli %arg1, %mul3A : i32
    %add3A = arith.addi %mul3A_0, %arg0 : i32
    %mul3A_1 = arith.constant 640 : i32
    %mul3A_2 = arith.muli %arg1, %mul3A_1 : i32
    "tpu.region"() ({
      %run_scoped3A = tpu.sem_alloc : memref<!tpu.dma_semaphore, #tpu.memory_space<semaphore_mem>>
      %dma_start3A = tpu.memref_slice %arg8[%mul3A_2] : memref<10240xf32, #tpu.memory_space<vmem_shared>> -> memref<640xf32, #tpu.memory_space<vmem_shared>>
      %dma_start3A_64 = tpu.memref_slice %arg3[%mul3A_2] : memref<10240xf32, #tpu.memory_space<hbm>> -> memref<640xf32, #tpu.memory_space<hbm>>
      tpu.enqueue_dma source(%dma_start3A_64 : memref<640xf32, #tpu.memory_space<hbm>>) target(%dma_start3A : memref<640xf32, #tpu.memory_space<vmem_shared>>) target_semaphore(%run_scoped3A : memref<!tpu.dma_semaphore, #tpu.memory_space<semaphore_mem>>)
      %dma_wait3A = tpu.memref_slice %arg8[%mul3A_2] : memref<10240xf32, #tpu.memory_space<vmem_shared>> -> memref<640xf32, #tpu.memory_space<vmem_shared>>
      %dma_wait3A_65 = tpu.memref_slice %arg3[%mul3A_2] : memref<10240xf32, #tpu.memory_space<hbm>> -> memref<640xf32, #tpu.memory_space<hbm>>
      tpu.wait_dma2 semaphore(%run_scoped3A : memref<!tpu.dma_semaphore, #tpu.memory_space<semaphore_mem>>) src(%dma_wait3A_65 : memref<640xf32, #tpu.memory_space<hbm>>) dst(%dma_wait3A : memref<640xf32, #tpu.memory_space<vmem_shared>>)
      tpu.yield
    }) : () -> ()
    %broadcast_in_dim3A = arith.constant 1.000000e+00 : f32
    %broadcast_in_dim3A_3 = vector.broadcast %broadcast_in_dim3A : f32 to vector<16xf32>
    %swap3A = arith.constant 0 : index
    %swap3A_4 = tpu.vector_load %arg6[%swap3A] {strides = array<i32>} : memref<128xf32, #tpu.memory_space<vmem>>, vector<16xf32>,
    %swap3A_5 = vector.shape_cast %swap3A_4 : vector<16xf32> to vector<16xf32>
    %swap3A_6 = vector.shape_cast %broadcast_in_dim3A_3 : vector<16xf32> to vector<16xf32>
    tpu.vector_store %arg6[%swap3A], %swap3A_6 {strides = array<i32>} : memref<128xf32, #tpu.memory_space<vmem>>, vector<16xf32>,
    %broadcast_in_dim3A_7 = arith.constant 1.000000e+00 : f32
    %broadcast_in_dim3A_8 = vector.broadcast %broadcast_in_dim3A_7 : f32 to vector<16xf32>
    %swap3A_9 = arith.constant 16 : index
    %swap3A_10 = tpu.vector_load %arg6[%swap3A_9] {strides = array<i32>} : memref<128xf32, #tpu.memory_space<vmem>>, vector<16xf32>,
    %swap3A_11 = vector.shape_cast %swap3A_10 : vector<16xf32> to vector<16xf32>
    %swap3A_12 = vector.shape_cast %broadcast_in_dim3A_8 : vector<16xf32> to vector<16xf32>
    tpu.vector_store %arg6[%swap3A_9], %swap3A_12 {strides = array<i32>} : memref<128xf32, #tpu.memory_space<vmem>>, vector<16xf32>,
    %broadcast_in_dim3A_13 = arith.constant 1.000000e+00 : f32
    %broadcast_in_dim3A_14 = vector.broadcast %broadcast_in_dim3A_13 : f32 to vector<16xf32>
    %swap3A_15 = arith.constant 32 : index
    %swap3A_16 = tpu.vector_load %arg6[%swap3A_15] {strides = array<i32>} : memref<128xf32, #tpu.memory_space<vmem>>, vector<16xf32>,
    %swap3A_17 = vector.shape_cast %swap3A_16 : vector<16xf32> to vector<16xf32>
    %swap3A_18 = vector.shape_cast %broadcast_in_dim3A_14 : vector<16xf32> to vector<16xf32>
    tpu.vector_store %arg6[%swap3A_15], %swap3A_18 {strides = array<i32>} : memref<128xf32, #tpu.memory_space<vmem>>, vector<16xf32>,
    %broadcast_in_dim3A_19 = arith.constant 1.000000e+00 : f32
    %broadcast_in_dim3A_20 = vector.broadcast %broadcast_in_dim3A_19 : f32 to vector<16xf32>
    %swap3A_21 = arith.constant 48 : index
    %swap3A_22 = tpu.vector_load %arg6[%swap3A_21] {strides = array<i32>} : memref<128xf32, #tpu.memory_space<vmem>>, vector<16xf32>,
    %swap3A_23 = vector.shape_cast %swap3A_22 : vector<16xf32> to vector<16xf32>
    %swap3A_24 = vector.shape_cast %broadcast_in_dim3A_20 : vector<16xf32> to vector<16xf32>
    tpu.vector_store %arg6[%swap3A_21], %swap3A_24 {strides = array<i32>} : memref<128xf32, #tpu.memory_space<vmem>>, vector<16xf32>,
    %broadcast_in_dim3A_25 = arith.constant 1.000000e+00 : f32
    %broadcast_in_dim3A_26 = vector.broadcast %broadcast_in_dim3A_25 : f32 to vector<16xf32>
    %swap3A_27 = arith.constant 64 : index
    %swap3A_28 = tpu.vector_load %arg6[%swap3A_27] {strides = array<i32>} : memref<128xf32, #tpu.memory_space<vmem>>, vector<16xf32>,
    %swap3A_29 = vector.shape_cast %swap3A_28 : vector<16xf32> to vector<16xf32>
    %swap3A_30 = vector.shape_cast %broadcast_in_dim3A_26 : vector<16xf32> to vector<16xf32>
    tpu.vector_store %arg6[%swap3A_27], %swap3A_30 {strides = array<i32>} : memref<128xf32, #tpu.memory_space<vmem>>, vector<16xf32>,
    %broadcast_in_dim3A_31 = arith.constant 1.000000e+00 : f32
    %broadcast_in_dim3A_32 = vector.broadcast %broadcast_in_dim3A_31 : f32 to vector<16xf32>
    %swap3A_33 = arith.constant 80 : index
    %swap3A_34 = tpu.vector_load %arg6[%swap3A_33] {strides = array<i32>} : memref<128xf32, #tpu.memory_space<vmem>>, vector<16xf32>,
    %swap3A_35 = vector.shape_cast %swap3A_34 : vector<16xf32> to vector<16xf32>
    %swap3A_36 = vector.shape_cast %broadcast_in_dim3A_32 : vector<16xf32> to vector<16xf32>
    tpu.vector_store %arg6[%swap3A_33], %swap3A_36 {strides = array<i32>} : memref<128xf32, #tpu.memory_space<vmem>>, vector<16xf32>,
    %broadcast_in_dim3A_37 = arith.constant 1.000000e+00 : f32
    %broadcast_in_dim3A_38 = vector.broadcast %broadcast_in_dim3A_37 : f32 to vector<16xf32>
    %swap3A_39 = arith.constant 96 : index
    %swap3A_40 = tpu.vector_load %arg6[%swap3A_39] {strides = array<i32>} : memref<128xf32, #tpu.memory_space<vmem>>, vector<16xf32>,
    %swap3A_41 = vector.shape_cast %swap3A_40 : vector<16xf32> to vector<16xf32>
    %swap3A_42 = vector.shape_cast %broadcast_in_dim3A_38 : vector<16xf32> to vector<16xf32>
    tpu.vector_store %arg6[%swap3A_39], %swap3A_42 {strides = array<i32>} : memref<128xf32, #tpu.memory_space<vmem>>, vector<16xf32>,
    %broadcast_in_dim3A_43 = arith.constant 1.000000e+00 : f32
    %broadcast_in_dim3A_44 = vector.broadcast %broadcast_in_dim3A_43 : f32 to vector<16xf32>
    %swap3A_45 = arith.constant 112 : index
    %swap3A_46 = tpu.vector_load %arg6[%swap3A_45] {strides = array<i32>} : memref<128xf32, #tpu.memory_space<vmem>>, vector<16xf32>,
    %swap3A_47 = vector.shape_cast %swap3A_46 : vector<16xf32> to vector<16xf32>
    %swap3A_48 = vector.shape_cast %broadcast_in_dim3A_44 : vector<16xf32> to vector<16xf32>
    tpu.vector_store %arg6[%swap3A_45], %swap3A_48 {strides = array<i32>} : memref<128xf32, #tpu.memory_space<vmem>>, vector<16xf32>,
    %mul3A_49 = arith.constant 80 : i32
    %mul3A_50 = arith.muli %add3A, %mul3A_49 : i32
    "tpu.region"() ({
      %run_scoped3A = tpu.sem_alloc : memref<!tpu.dma_semaphore, #tpu.memory_space<semaphore_mem>>
      %dma_start3A = arith.constant 0 : i32
      %dma_start3A_64 = tpu.memref_slice %arg2[%mul3A_50, %dma_start3A] : memref<2560x128xi32, #tpu.memory_space<hbm>> -> memref<80x128xi32, #tpu.memory_space<hbm>>
      %dma_start3A_65 = arith.constant 0 : i32
      %dma_start3A_66 = tpu.memref_slice %arg2[%mul3A_50, %dma_start3A_65] : memref<2560x128xi32, #tpu.memory_space<hbm>> -> memref<80x128xi32, #tpu.memory_space<hbm>>
      tpu.enqueue_dma source(%dma_start3A_66 : memref<80x128xi32, #tpu.memory_space<hbm>>) target(%arg7 : memref<80x128xi32, #tpu.memory_space<vmem>>) target_semaphore(%run_scoped3A : memref<!tpu.dma_semaphore, #tpu.memory_space<semaphore_mem>>)
      %dma_wait3A = arith.constant 0 : i32
      %dma_wait3A_67 = tpu.memref_slice %arg2[%mul3A_50, %dma_wait3A] : memref<2560x128xi32, #tpu.memory_space<hbm>> -> memref<80x128xi32, #tpu.memory_space<hbm>>
      %dma_wait3A_68 = arith.constant 0 : i32
      %dma_wait3A_69 = tpu.memref_slice %arg2[%mul3A_50, %dma_wait3A_68] : memref<2560x128xi32, #tpu.memory_space<hbm>> -> memref<80x128xi32, #tpu.memory_space<hbm>>
      tpu.wait_dma2 semaphore(%run_scoped3A : memref<!tpu.dma_semaphore, #tpu.memory_space<semaphore_mem>>) src(%dma_wait3A_69 : memref<80x128xi32, #tpu.memory_space<hbm>>) dst(%arg7 : memref<80x128xi32, #tpu.memory_space<vmem>>)
      tpu.yield
    }) : () -> ()
    %barrier3A = arith.constant 0 : index
    tpu.barrier barrier_id(%barrier3A)
    %scan3A = arith.constant 0 : i32
    %scan3A_51 = arith.constant 0 : i32
    %scan3A_52 = arith.constant 10 : i32
    %scan3A_53 = arith.addi %scan3A_51, %scan3A_52 : i32
    %scan3A_54 = arith.constant 1 : i32
    scf.for %scan3A_64 = %scan3A_51 to %scan3A_53 step %scan3A_54  : i32 {
      %mul3A_65 = arith.constant 8 : i32
      %mul3A_66 = arith.muli %scan3A_64, %mul3A_65 : i32
      %add3A_67 = arith.constant 0 : i32
      %add3A_68 = arith.addi %mul3A_66, %add3A_67 : i32
      %dma_start3A = arith.constant 0 : i32
      %dma_start3A_69 = tpu.memref_slice %arg7[%add3A_68, %dma_start3A] : memref<80x128xi32, #tpu.memory_space<vmem>> -> memref<1x128xi32, #tpu.memory_space<vmem>>
      %dma_start3A_70 = tpu.memref_squeeze %dma_start3A_69 : memref<1x128xi32, #tpu.memory_space<vmem>> -> memref<128xi32, #tpu.memory_space<vmem>>
      %dma_start3A_71 = arith.constant 0 : i32
      %dma_start3A_72 = tpu.memref_slice %arg8[%dma_start3A_71] : memref<10240xf32, #tpu.memory_space<vmem_shared>> -> memref<10240xf32, #tpu.memory_space<vmem_shared>>
      tpu.enqueue_indirect_dma source(%arg6 : memref<128xf32, #tpu.memory_space<vmem>>) target(%dma_start3A_72 : memref<10240xf32, #tpu.memory_space<vmem_shared>>) offsets(%dma_start3A_70 : memref<128xi32, #tpu.memory_space<vmem>>) semaphore(%arg9 : memref<!tpu.dma_semaphore, #tpu.memory_space<semaphore_mem>>) {add = true}
      %mul3A_73 = arith.constant 8 : i32
      %mul3A_74 = arith.muli %scan3A_64, %mul3A_73 : i32
      %add3A_75 = arith.constant 1 : i32
      %add3A_76 = arith.addi %mul3A_74, %add3A_75 : i32
      %dma_start3A_77 = arith.constant 0 : i32
      %dma_start3A_78 = tpu.memref_slice %arg7[%add3A_76, %dma_start3A_77] : memref<80x128xi32, #tpu.memory_space<vmem>> -> memref<1x128xi32, #tpu.memory_space<vmem>>
      %dma_start3A_79 = tpu.memref_squeeze %dma_start3A_78 : memref<1x128xi32, #tpu.memory_space<vmem>> -> memref<128xi32, #tpu.memory_space<vmem>>
      %dma_start3A_80 = arith.constant 0 : i32
      %dma_start3A_81 = tpu.memref_slice %arg8[%dma_start3A_80] : memref<10240xf32, #tpu.memory_space<vmem_shared>> -> memref<10240xf32, #tpu.memory_space<vmem_shared>>
      tpu.enqueue_indirect_dma source(%arg6 : memref<128xf32, #tpu.memory_space<vmem>>) target(%dma_start3A_81 : memref<10240xf32, #tpu.memory_space<vmem_shared>>) offsets(%dma_start3A_79 : memref<128xi32, #tpu.memory_space<vmem>>) semaphore(%arg9 : memref<!tpu.dma_semaphore, #tpu.memory_space<semaphore_mem>>) {add = true}
      %mul3A_82 = arith.constant 8 : i32
      %mul3A_83 = arith.muli %scan3A_64, %mul3A_82 : i32
      %add3A_84 = arith.constant 2 : i32
      %add3A_85 = arith.addi %mul3A_83, %add3A_84 : i32
      %dma_start3A_86 = arith.constant 0 : i32
      %dma_start3A_87 = tpu.memref_slice %arg7[%add3A_85, %dma_start3A_86] : memref<80x128xi32, #tpu.memory_space<vmem>> -> memref<1x128xi32, #tpu.memory_space<vmem>>
      %dma_start3A_88 = tpu.memref_squeeze %dma_start3A_87 : memref<1x128xi32, #tpu.memory_space<vmem>> -> memref<128xi32, #tpu.memory_space<vmem>>
      %dma_start3A_89 = arith.constant 0 : i32
      %dma_start3A_90 = tpu.memref_slice %arg8[%dma_start3A_89] : memref<10240xf32, #tpu.memory_space<vmem_shared>> -> memref<10240xf32, #tpu.memory_space<vmem_shared>>
      tpu.enqueue_indirect_dma source(%arg6 : memref<128xf32, #tpu.memory_space<vmem>>) target(%dma_start3A_90 : memref<10240xf32, #tpu.memory_space<vmem_shared>>) offsets(%dma_start3A_88 : memref<128xi32, #tpu.memory_space<vmem>>) semaphore(%arg9 : memref<!tpu.dma_semaphore, #tpu.memory_space<semaphore_mem>>) {add = true}
      %mul3A_91 = arith.constant 8 : i32
      %mul3A_92 = arith.muli %scan3A_64, %mul3A_91 : i32
      %add3A_93 = arith.constant 3 : i32
      %add3A_94 = arith.addi %mul3A_92, %add3A_93 : i32
      %dma_start3A_95 = arith.constant 0 : i32
      %dma_start3A_96 = tpu.memref_slice %arg7[%add3A_94, %dma_start3A_95] : memref<80x128xi32, #tpu.memory_space<vmem>> -> memref<1x128xi32, #tpu.memory_space<vmem>>
      %dma_start3A_97 = tpu.memref_squeeze %dma_start3A_96 : memref<1x128xi32, #tpu.memory_space<vmem>> -> memref<128xi32, #tpu.memory_space<vmem>>
      %dma_start3A_98 = arith.constant 0 : i32
      %dma_start3A_99 = tpu.memref_slice %arg8[%dma_start3A_98] : memref<10240xf32, #tpu.memory_space<vmem_shared>> -> memref<10240xf32, #tpu.memory_space<vmem_shared>>
      tpu.enqueue_indirect_dma source(%arg6 : memref<128xf32, #tpu.memory_space<vmem>>) target(%dma_start3A_99 : memref<10240xf32, #tpu.memory_space<vmem_shared>>) offsets(%dma_start3A_97 : memref<128xi32, #tpu.memory_space<vmem>>) semaphore(%arg9 : memref<!tpu.dma_semaphore, #tpu.memory_space<semaphore_mem>>) {add = true}
      %mul3A_100 = arith.constant 8 : i32
      %mul3A_101 = arith.muli %scan3A_64, %mul3A_100 : i32
      %add3A_102 = arith.constant 4 : i32
      %add3A_103 = arith.addi %mul3A_101, %add3A_102 : i32
      %dma_start3A_104 = arith.constant 0 : i32
      %dma_start3A_105 = tpu.memref_slice %arg7[%add3A_103, %dma_start3A_104] : memref<80x128xi32, #tpu.memory_space<vmem>> -> memref<1x128xi32, #tpu.memory_space<vmem>>
      %dma_start3A_106 = tpu.memref_squeeze %dma_start3A_105 : memref<1x128xi32, #tpu.memory_space<vmem>> -> memref<128xi32, #tpu.memory_space<vmem>>
      %dma_start3A_107 = arith.constant 0 : i32
      %dma_start3A_108 = tpu.memref_slice %arg8[%dma_start3A_107] : memref<10240xf32, #tpu.memory_space<vmem_shared>> -> memref<10240xf32, #tpu.memory_space<vmem_shared>>
      tpu.enqueue_indirect_dma source(%arg6 : memref<128xf32, #tpu.memory_space<vmem>>) target(%dma_start3A_108 : memref<10240xf32, #tpu.memory_space<vmem_shared>>) offsets(%dma_start3A_106 : memref<128xi32, #tpu.memory_space<vmem>>) semaphore(%arg9 : memref<!tpu.dma_semaphore, #tpu.memory_space<semaphore_mem>>) {add = true}
      %mul3A_109 = arith.constant 8 : i32
      %mul3A_110 = arith.muli %scan3A_64, %mul3A_109 : i32
      %add3A_111 = arith.constant 5 : i32
      %add3A_112 = arith.addi %mul3A_110, %add3A_111 : i32
      %dma_start3A_113 = arith.constant 0 : i32
      %dma_start3A_114 = tpu.memref_slice %arg7[%add3A_112, %dma_start3A_113] : memref<80x128xi32, #tpu.memory_space<vmem>> -> memref<1x128xi32, #tpu.memory_space<vmem>>
      %dma_start3A_115 = tpu.memref_squeeze %dma_start3A_114 : memref<1x128xi32, #tpu.memory_space<vmem>> -> memref<128xi32, #tpu.memory_space<vmem>>
      %dma_start3A_116 = arith.constant 0 : i32
      %dma_start3A_117 = tpu.memref_slice %arg8[%dma_start3A_116] : memref<10240xf32, #tpu.memory_space<vmem_shared>> -> memref<10240xf32, #tpu.memory_space<vmem_shared>>
      tpu.enqueue_indirect_dma source(%arg6 : memref<128xf32, #tpu.memory_space<vmem>>) target(%dma_start3A_117 : memref<10240xf32, #tpu.memory_space<vmem_shared>>) offsets(%dma_start3A_115 : memref<128xi32, #tpu.memory_space<vmem>>) semaphore(%arg9 : memref<!tpu.dma_semaphore, #tpu.memory_space<semaphore_mem>>) {add = true}
      %mul3A_118 = arith.constant 8 : i32
      %mul3A_119 = arith.muli %scan3A_64, %mul3A_118 : i32
      %add3A_120 = arith.constant 6 : i32
      %add3A_121 = arith.addi %mul3A_119, %add3A_120 : i32
      %dma_start3A_122 = arith.constant 0 : i32
      %dma_start3A_123 = tpu.memref_slice %arg7[%add3A_121, %dma_start3A_122] : memref<80x128xi32, #tpu.memory_space<vmem>> -> memref<1x128xi32, #tpu.memory_space<vmem>>
      %dma_start3A_124 = tpu.memref_squeeze %dma_start3A_123 : memref<1x128xi32, #tpu.memory_space<vmem>> -> memref<128xi32, #tpu.memory_space<vmem>>
      %dma_start3A_125 = arith.constant 0 : i32
      %dma_start3A_126 = tpu.memref_slice %arg8[%dma_start3A_125] : memref<10240xf32, #tpu.memory_space<vmem_shared>> -> memref<10240xf32, #tpu.memory_space<vmem_shared>>
      tpu.enqueue_indirect_dma source(%arg6 : memref<128xf32, #tpu.memory_space<vmem>>) target(%dma_start3A_126 : memref<10240xf32, #tpu.memory_space<vmem_shared>>) offsets(%dma_start3A_124 : memref<128xi32, #tpu.memory_space<vmem>>) semaphore(%arg9 : memref<!tpu.dma_semaphore, #tpu.memory_space<semaphore_mem>>) {add = true}
      %mul3A_127 = arith.constant 8 : i32
      %mul3A_128 = arith.muli %scan3A_64, %mul3A_127 : i32
      %add3A_129 = arith.constant 7 : i32
      %add3A_130 = arith.addi %mul3A_128, %add3A_129 : i32
      %dma_start3A_131 = arith.constant 0 : i32
      %dma_start3A_132 = tpu.memref_slice %arg7[%add3A_130, %dma_start3A_131] : memref<80x128xi32, #tpu.memory_space<vmem>> -> memref<1x128xi32, #tpu.memory_space<vmem>>
      %dma_start3A_133 = tpu.memref_squeeze %dma_start3A_132 : memref<1x128xi32, #tpu.memory_space<vmem>> -> memref<128xi32, #tpu.memory_space<vmem>>
      %dma_start3A_134 = arith.constant 0 : i32
      %dma_start3A_135 = tpu.memref_slice %arg8[%dma_start3A_134] : memref<10240xf32, #tpu.memory_space<vmem_shared>> -> memref<10240xf32, #tpu.memory_space<vmem_shared>>
      tpu.enqueue_indirect_dma source(%arg6 : memref<128xf32, #tpu.memory_space<vmem>>) target(%dma_start3A_135 : memref<10240xf32, #tpu.memory_space<vmem_shared>>) offsets(%dma_start3A_133 : memref<128xi32, #tpu.memory_space<vmem>>) semaphore(%arg9 : memref<!tpu.dma_semaphore, #tpu.memory_space<semaphore_mem>>) {add = true}
      %mul3A_136 = arith.constant 8 : i32
      %mul3A_137 = arith.muli %scan3A_64, %mul3A_136 : i32
      %add3A_138 = arith.constant 0 : i32
      %add3A_139 = arith.addi %mul3A_137, %add3A_138 : i32
      %dma_wait3A = arith.constant 0 : i32
      %dma_wait3A_140 = tpu.memref_slice %arg7[%add3A_139, %dma_wait3A] : memref<80x128xi32, #tpu.memory_space<vmem>> -> memref<1x128xi32, #tpu.memory_space<vmem>>
      %dma_wait3A_141 = tpu.memref_squeeze %dma_wait3A_140 : memref<1x128xi32, #tpu.memory_space<vmem>> -> memref<128xi32, #tpu.memory_space<vmem>>
      %dma_wait3A_142 = arith.constant 0 : i32
      %dma_wait3A_143 = tpu.memref_slice %arg8[%dma_wait3A_142] : memref<10240xf32, #tpu.memory_space<vmem_shared>> -> memref<10240xf32, #tpu.memory_space<vmem_shared>>
      tpu.wait_indirect_dma semaphore(%arg9 : memref<!tpu.dma_semaphore, #tpu.memory_space<semaphore_mem>>) src(%arg6 : memref<128xf32, #tpu.memory_space<vmem>>) dst(%dma_wait3A_143 : memref<10240xf32, #tpu.memory_space<vmem_shared>>)
      %mul3A_144 = arith.constant 8 : i32
      %mul3A_145 = arith.muli %scan3A_64, %mul3A_144 : i32
      %add3A_146 = arith.constant 1 : i32
      %add3A_147 = arith.addi %mul3A_145, %add3A_146 : i32
      %dma_wait3A_148 = arith.constant 0 : i32
      %dma_wait3A_149 = tpu.memref_slice %arg7[%add3A_147, %dma_wait3A_148] : memref<80x128xi32, #tpu.memory_space<vmem>> -> memref<1x128xi32, #tpu.memory_space<vmem>>
      %dma_wait3A_150 = tpu.memref_squeeze %dma_wait3A_149 : memref<1x128xi32, #tpu.memory_space<vmem>> -> memref<128xi32, #tpu.memory_space<vmem>>
      %dma_wait3A_151 = arith.constant 0 : i32
      %dma_wait3A_152 = tpu.memref_slice %arg8[%dma_wait3A_151] : memref<10240xf32, #tpu.memory_space<vmem_shared>> -> memref<10240xf32, #tpu.memory_space<vmem_shared>>
      tpu.wait_indirect_dma semaphore(%arg9 : memref<!tpu.dma_semaphore, #tpu.memory_space<semaphore_mem>>) src(%arg6 : memref<128xf32, #tpu.memory_space<vmem>>) dst(%dma_wait3A_152 : memref<10240xf32, #tpu.memory_space<vmem_shared>>)
      %mul3A_153 = arith.constant 8 : i32
      %mul3A_154 = arith.muli %scan3A_64, %mul3A_153 : i32
      %add3A_155 = arith.constant 2 : i32
      %add3A_156 = arith.addi %mul3A_154, %add3A_155 : i32
      %dma_wait3A_157 = arith.constant 0 : i32
      %dma_wait3A_158 = tpu.memref_slice %arg7[%add3A_156, %dma_wait3A_157] : memref<80x128xi32, #tpu.memory_space<vmem>> -> memref<1x128xi32, #tpu.memory_space<vmem>>
      %dma_wait3A_159 = tpu.memref_squeeze %dma_wait3A_158 : memref<1x128xi32, #tpu.memory_space<vmem>> -> memref<128xi32, #tpu.memory_space<vmem>>
      %dma_wait3A_160 = arith.constant 0 : i32
      %dma_wait3A_161 = tpu.memref_slice %arg8[%dma_wait3A_160] : memref<10240xf32, #tpu.memory_space<vmem_shared>> -> memref<10240xf32, #tpu.memory_space<vmem_shared>>
      tpu.wait_indirect_dma semaphore(%arg9 : memref<!tpu.dma_semaphore, #tpu.memory_space<semaphore_mem>>) src(%arg6 : memref<128xf32, #tpu.memory_space<vmem>>) dst(%dma_wait3A_161 : memref<10240xf32, #tpu.memory_space<vmem_shared>>)
      %mul3A_162 = arith.constant 8 : i32
      %mul3A_163 = arith.muli %scan3A_64, %mul3A_162 : i32
      %add3A_164 = arith.constant 3 : i32
      %add3A_165 = arith.addi %mul3A_163, %add3A_164 : i32
      %dma_wait3A_166 = arith.constant 0 : i32
      %dma_wait3A_167 = tpu.memref_slice %arg7[%add3A_165, %dma_wait3A_166] : memref<80x128xi32, #tpu.memory_space<vmem>> -> memref<1x128xi32, #tpu.memory_space<vmem>>
      %dma_wait3A_168 = tpu.memref_squeeze %dma_wait3A_167 : memref<1x128xi32, #tpu.memory_space<vmem>> -> memref<128xi32, #tpu.memory_space<vmem>>
      %dma_wait3A_169 = arith.constant 0 : i32
      %dma_wait3A_170 = tpu.memref_slice %arg8[%dma_wait3A_169] : memref<10240xf32, #tpu.memory_space<vmem_shared>> -> memref<10240xf32, #tpu.memory_space<vmem_shared>>
      tpu.wait_indirect_dma semaphore(%arg9 : memref<!tpu.dma_semaphore, #tpu.memory_space<semaphore_mem>>) src(%arg6 : memref<128xf32, #tpu.memory_space<vmem>>) dst(%dma_wait3A_170 : memref<10240xf32, #tpu.memory_space<vmem_shared>>)
      %mul3A_171 = arith.constant 8 : i32
      %mul3A_172 = arith.muli %scan3A_64, %mul3A_171 : i32
      %add3A_173 = arith.constant 4 : i32
      %add3A_174 = arith.addi %mul3A_172, %add3A_173 : i32
      %dma_wait3A_175 = arith.constant 0 : i32
      %dma_wait3A_176 = tpu.memref_slice %arg7[%add3A_174, %dma_wait3A_175] : memref<80x128xi32, #tpu.memory_space<vmem>> -> memref<1x128xi32, #tpu.memory_space<vmem>>
      %dma_wait3A_177 = tpu.memref_squeeze %dma_wait3A_176 : memref<1x128xi32, #tpu.memory_space<vmem>> -> memref<128xi32, #tpu.memory_space<vmem>>
      %dma_wait3A_178 = arith.constant 0 : i32
      %dma_wait3A_179 = tpu.memref_slice %arg8[%dma_wait3A_178] : memref<10240xf32, #tpu.memory_space<vmem_shared>> -> memref<10240xf32, #tpu.memory_space<vmem_shared>>
      tpu.wait_indirect_dma semaphore(%arg9 : memref<!tpu.dma_semaphore, #tpu.memory_space<semaphore_mem>>) src(%arg6 : memref<128xf32, #tpu.memory_space<vmem>>) dst(%dma_wait3A_179 : memref<10240xf32, #tpu.memory_space<vmem_shared>>)
      %mul3A_180 = arith.constant 8 : i32
      %mul3A_181 = arith.muli %scan3A_64, %mul3A_180 : i32
      %add3A_182 = arith.constant 5 : i32
      %add3A_183 = arith.addi %mul3A_181, %add3A_182 : i32
      %dma_wait3A_184 = arith.constant 0 : i32
      %dma_wait3A_185 = tpu.memref_slice %arg7[%add3A_183, %dma_wait3A_184] : memref<80x128xi32, #tpu.memory_space<vmem>> -> memref<1x128xi32, #tpu.memory_space<vmem>>
      %dma_wait3A_186 = tpu.memref_squeeze %dma_wait3A_185 : memref<1x128xi32, #tpu.memory_space<vmem>> -> memref<128xi32, #tpu.memory_space<vmem>>
      %dma_wait3A_187 = arith.constant 0 : i32
      %dma_wait3A_188 = tpu.memref_slice %arg8[%dma_wait3A_187] : memref<10240xf32, #tpu.memory_space<vmem_shared>> -> memref<10240xf32, #tpu.memory_space<vmem_shared>>
      tpu.wait_indirect_dma semaphore(%arg9 : memref<!tpu.dma_semaphore, #tpu.memory_space<semaphore_mem>>) src(%arg6 : memref<128xf32, #tpu.memory_space<vmem>>) dst(%dma_wait3A_188 : memref<10240xf32, #tpu.memory_space<vmem_shared>>)
      %mul3A_189 = arith.constant 8 : i32
      %mul3A_190 = arith.muli %scan3A_64, %mul3A_189 : i32
      %add3A_191 = arith.constant 6 : i32
      %add3A_192 = arith.addi %mul3A_190, %add3A_191 : i32
      %dma_wait3A_193 = arith.constant 0 : i32
      %dma_wait3A_194 = tpu.memref_slice %arg7[%add3A_192, %dma_wait3A_193] : memref<80x128xi32, #tpu.memory_space<vmem>> -> memref<1x128xi32, #tpu.memory_space<vmem>>
      %dma_wait3A_195 = tpu.memref_squeeze %dma_wait3A_194 : memref<1x128xi32, #tpu.memory_space<vmem>> -> memref<128xi32, #tpu.memory_space<vmem>>
      %dma_wait3A_196 = arith.constant 0 : i32
      %dma_wait3A_197 = tpu.memref_slice %arg8[%dma_wait3A_196] : memref<10240xf32, #tpu.memory_space<vmem_shared>> -> memref<10240xf32, #tpu.memory_space<vmem_shared>>
      tpu.wait_indirect_dma semaphore(%arg9 : memref<!tpu.dma_semaphore, #tpu.memory_space<semaphore_mem>>) src(%arg6 : memref<128xf32, #tpu.memory_space<vmem>>) dst(%dma_wait3A_197 : memref<10240xf32, #tpu.memory_space<vmem_shared>>)
      %mul3A_198 = arith.constant 8 : i32
      %mul3A_199 = arith.muli %scan3A_64, %mul3A_198 : i32
      %add3A_200 = arith.constant 7 : i32
      %add3A_201 = arith.addi %mul3A_199, %add3A_200 : i32
      %dma_wait3A_202 = arith.constant 0 : i32
      %dma_wait3A_203 = tpu.memref_slice %arg7[%add3A_201, %dma_wait3A_202] : memref<80x128xi32, #tpu.memory_space<vmem>> -> memref<1x128xi32, #tpu.memory_space<vmem>>
      %dma_wait3A_204 = tpu.memref_squeeze %dma_wait3A_203 : memref<1x128xi32, #tpu.memory_space<vmem>> -> memref<128xi32, #tpu.memory_space<vmem>>
      %dma_wait3A_205 = arith.constant 0 : i32
      %dma_wait3A_206 = tpu.memref_slice %arg8[%dma_wait3A_205] : memref<10240xf32, #tpu.memory_space<vmem_shared>> -> memref<10240xf32, #tpu.memory_space<vmem_shared>>
      tpu.wait_indirect_dma semaphore(%arg9 : memref<!tpu.dma_semaphore, #tpu.memory_space<semaphore_mem>>) src(%arg6 : memref<128xf32, #tpu.memory_space<vmem>>) dst(%dma_wait3A_206 : memref<10240xf32, #tpu.memory_space<vmem_shared>>)
    }
    %scan3A_55 = arith.constant 10 : i32
    %barrier3A_56 = arith.constant 0 : index
    tpu.barrier barrier_id(%barrier3A_56)
    %eq3A = arith.constant 0 : i32
    %eq3A_57 = arith.cmpi eq, %arg0, %eq3A : i32
    %convert_element_type3A = arith.extui %eq3A_57 : i1 to i32
    %cond3A = arith.constant 0 : i32
    %cond3A_58 = arith.cmpi ne, %convert_element_type3A, %cond3A : i32
    scf.if %cond3A_58 {
      "tpu.region"() ({
        %run_scoped3A = tpu.sem_alloc : memref<!tpu.dma_semaphore, #tpu.memory_space<semaphore_mem>>
        %dma_start3A = tpu.memref_slice %arg4[%mul3A_2] : memref<10240xf32, #tpu.memory_space<hbm>> -> memref<640xf32, #tpu.memory_space<hbm>>
        %dma_start3A_64 = tpu.memref_slice %arg8[%mul3A_2] : memref<10240xf32, #tpu.memory_space<vmem_shared>> -> memref<640xf32, #tpu.memory_space<vmem_shared>>
        tpu.enqueue_dma source(%dma_start3A_64 : memref<640xf32, #tpu.memory_space<vmem_shared>>) target(%dma_start3A : memref<640xf32, #tpu.memory_space<hbm>>) target_semaphore(%run_scoped3A : memref<!tpu.dma_semaphore, #tpu.memory_space<semaphore_mem>>)
        %dma_wait3A = tpu.memref_slice %arg4[%mul3A_2] : memref<10240xf32, #tpu.memory_space<hbm>> -> memref<640xf32, #tpu.memory_space<hbm>>
        %dma_wait3A_65 = tpu.memref_slice %arg8[%mul3A_2] : memref<10240xf32, #tpu.memory_space<vmem_shared>> -> memref<640xf32, #tpu.memory_space<vmem_shared>>
        tpu.wait_dma2 semaphore(%run_scoped3A : memref<!tpu.dma_semaphore, #tpu.memory_space<semaphore_mem>>) src(%dma_wait3A_65 : memref<640xf32, #tpu.memory_space<vmem_shared>>) dst(%dma_wait3A : memref<640xf32, #tpu.memory_space<hbm>>)
        tpu.yield
      }) : () -> ()
    } else {
    }
    %eq3A_59 = arith.constant 1 : i32
    %eq3A_60 = arith.cmpi eq, %arg0, %eq3A_59 : i32
    %convert_element_type3A_61 = arith.extui %eq3A_60 : i1 to i32
    %cond3A_62 = arith.constant 0 : i32
    %cond3A_63 = arith.cmpi ne, %convert_element_type3A_61, %cond3A_62 : i32
    scf.if %cond3A_63 {
      "tpu.region"() ({
        %run_scoped3A = tpu.sem_alloc : memref<!tpu.dma_semaphore, #tpu.memory_space<semaphore_mem>>
        %dma_start3A = tpu.memref_slice %arg5[%mul3A_2] : memref<10240xf32, #tpu.memory_space<hbm>> -> memref<640xf32, #tpu.memory_space<hbm>>
        %dma_start3A_64 = tpu.memref_slice %arg8[%mul3A_2] : memref<10240xf32, #tpu.memory_space<vmem_shared>> -> memref<640xf32, #tpu.memory_space<vmem_shared>>
        tpu.enqueue_dma source(%dma_start3A_64 : memref<640xf32, #tpu.memory_space<vmem_shared>>) target(%dma_start3A : memref<640xf32, #tpu.memory_space<hbm>>) target_semaphore(%run_scoped3A : memref<!tpu.dma_semaphore, #tpu.memory_space<semaphore_mem>>)
        %dma_wait3A = tpu.memref_slice %arg5[%mul3A_2] : memref<10240xf32, #tpu.memory_space<hbm>> -> memref<640xf32, #tpu.memory_space<hbm>>
        %dma_wait3A_65 = tpu.memref_slice %arg8[%mul3A_2] : memref<10240xf32, #tpu.memory_space<vmem_shared>> -> memref<640xf32, #tpu.memory_space<vmem_shared>>
        tpu.wait_dma2 semaphore(%run_scoped3A : memref<!tpu.dma_semaphore, #tpu.memory_space<semaphore_mem>>) src(%dma_wait3A_65 : memref<640xf32, #tpu.memory_space<vmem_shared>>) dst(%dma_wait3A : memref<640xf32, #tpu.memory_space<hbm>>)
        tpu.yield
      }) : () -> ()
    } else {
    }
    return
  }
}

#map = affine_map<(d0, d1) -> (0, 0)>
#map1 = affine_map<(d0, d1) -> (0)>
module attributes {stable_mosaic.version = 14 : i64} {
  func.func @body(%arg0: i32, %arg1: i32, %arg2: memref<10000x128xf32, #tpu.memory_space<hbm>>, %arg3: memref<320000xi32, #tpu.memory_space<hbm>>, %arg4: memref<320000xi32, #tpu.memory_space<hbm>>, %arg5: memref<10240x128xf32, #tpu.memory_space<hbm>>, %arg6: memref<10240x128xf32, #tpu.memory_space<hbm>>, %arg7: memref<10000xi32, #tpu.memory_space<vmem>>, %arg8: memref<128xi32, #tpu.memory_space<vmem>>, %arg9: memref<128xi32, #tpu.memory_space<vmem>>, %arg10: memref<16xi32, #tpu.memory_space<vmem>>, %arg11: memref<128x128xf32, #tpu.memory_space<vmem>>, %arg12: memref<128x128xf32, #tpu.memory_space<vmem>>, %arg13: memref<10240x128xf32, #tpu.memory_space<vmem_shared>>, %arg14: memref<!tpu.dma_semaphore, #tpu.memory_space<semaphore_mem>>, %arg15: memref<!tpu.dma_semaphore, #tpu.memory_space<semaphore_mem>>, %arg16: memref<!tpu.dma_semaphore, #tpu.memory_space<semaphore_mem>>, %arg17: memref<!tpu.dma_semaphore, #tpu.memory_space<semaphore_mem>>, %arg18: memref<!tpu.dma_semaphore, #tpu.memory_space<semaphore_mem>>, %arg19: memref<!tpu.dma_semaphore, #tpu.memory_space<semaphore_mem>>, %arg20: memref<!tpu.dma_semaphore, #tpu.memory_space<semaphore_mem>>) attributes {dimension_semantics = [#tpu.dimension_semantics<core_parallel>, #tpu.dimension_semantics<subcore_parallel>], iteration_bounds = array<i64: 2, 16>, scalar_prefetch = 0 : i64, scratch_operands = 14 : i64, tpu.core_type = #tpu.core_type<sc_vector_subcore>, window_params = [{transform_indices = #map}, {transform_indices = #map1}, {transform_indices = #map1}, {transform_indices = #map}, {transform_indices = #map}]} {
    %mul3A = arith.constant 2 : i32
    %mul3A_0 = arith.muli %arg1, %mul3A : i32
    %add3A = arith.addi %mul3A_0, %arg0 : i32
    %mul3A_1 = arith.constant 640 : i32
    %mul3A_2 = arith.muli %arg1, %mul3A_1 : i32
    %mul3A_3 = arith.constant 10000 : i32
    %mul3A_4 = arith.muli %add3A, %mul3A_3 : i32
    %scan3A = arith.constant 0 : i32
    %scan3A_5 = arith.constant 0 : i32
    %scan3A_6 = arith.constant 128 : i32
    %scan3A_7 = arith.addi %scan3A_5, %scan3A_6 : i32
    %scan3A_8 = arith.constant 1 : i32
    scf.for %scan3A_81 = %scan3A_5 to %scan3A_7 step %scan3A_8  : i32 {
      %broadcast_in_dim3A = arith.constant 0.000000e+00 : f32
      %broadcast_in_dim3A_82 = vector.broadcast %broadcast_in_dim3A : f32 to vector<16xf32>
      %swap3A = arith.index_cast %scan3A_81 : i32 to index
      %swap3A_83 = arith.constant 0 : index
      %swap3A_84 = tpu.vector_load %arg11[%swap3A, %swap3A_83] {strides = array<i32>} : memref<128x128xf32, #tpu.memory_space<vmem>>, vector<1x16xf32>,
      %swap3A_85 = vector.shape_cast %swap3A_84 : vector<1x16xf32> to vector<16xf32>
      %swap3A_86 = vector.shape_cast %broadcast_in_dim3A_82 : vector<16xf32> to vector<1x16xf32>
      tpu.vector_store %arg11[%swap3A, %swap3A_83], %swap3A_86 {strides = array<i32>} : memref<128x128xf32, #tpu.memory_space<vmem>>, vector<1x16xf32>,
      %broadcast_in_dim3A_87 = arith.constant 0.000000e+00 : f32
      %broadcast_in_dim3A_88 = vector.broadcast %broadcast_in_dim3A_87 : f32 to vector<16xf32>
      %swap3A_89 = arith.index_cast %scan3A_81 : i32 to index
      %swap3A_90 = arith.constant 16 : index
      %swap3A_91 = tpu.vector_load %arg11[%swap3A_89, %swap3A_90] {strides = array<i32>} : memref<128x128xf32, #tpu.memory_space<vmem>>, vector<1x16xf32>,
      %swap3A_92 = vector.shape_cast %swap3A_91 : vector<1x16xf32> to vector<16xf32>
      %swap3A_93 = vector.shape_cast %broadcast_in_dim3A_88 : vector<16xf32> to vector<1x16xf32>
      tpu.vector_store %arg11[%swap3A_89, %swap3A_90], %swap3A_93 {strides = array<i32>} : memref<128x128xf32, #tpu.memory_space<vmem>>, vector<1x16xf32>,
      %broadcast_in_dim3A_94 = arith.constant 0.000000e+00 : f32
      %broadcast_in_dim3A_95 = vector.broadcast %broadcast_in_dim3A_94 : f32 to vector<16xf32>
      %swap3A_96 = arith.index_cast %scan3A_81 : i32 to index
      %swap3A_97 = arith.constant 32 : index
      %swap3A_98 = tpu.vector_load %arg11[%swap3A_96, %swap3A_97] {strides = array<i32>} : memref<128x128xf32, #tpu.memory_space<vmem>>, vector<1x16xf32>,
      %swap3A_99 = vector.shape_cast %swap3A_98 : vector<1x16xf32> to vector<16xf32>
      %swap3A_100 = vector.shape_cast %broadcast_in_dim3A_95 : vector<16xf32> to vector<1x16xf32>
      tpu.vector_store %arg11[%swap3A_96, %swap3A_97], %swap3A_100 {strides = array<i32>} : memref<128x128xf32, #tpu.memory_space<vmem>>, vector<1x16xf32>,
      %broadcast_in_dim3A_101 = arith.constant 0.000000e+00 : f32
      %broadcast_in_dim3A_102 = vector.broadcast %broadcast_in_dim3A_101 : f32 to vector<16xf32>
      %swap3A_103 = arith.index_cast %scan3A_81 : i32 to index
      %swap3A_104 = arith.constant 48 : index
      %swap3A_105 = tpu.vector_load %arg11[%swap3A_103, %swap3A_104] {strides = array<i32>} : memref<128x128xf32, #tpu.memory_space<vmem>>, vector<1x16xf32>,
      %swap3A_106 = vector.shape_cast %swap3A_105 : vector<1x16xf32> to vector<16xf32>
      %swap3A_107 = vector.shape_cast %broadcast_in_dim3A_102 : vector<16xf32> to vector<1x16xf32>
      tpu.vector_store %arg11[%swap3A_103, %swap3A_104], %swap3A_107 {strides = array<i32>} : memref<128x128xf32, #tpu.memory_space<vmem>>, vector<1x16xf32>,
      %broadcast_in_dim3A_108 = arith.constant 0.000000e+00 : f32
      %broadcast_in_dim3A_109 = vector.broadcast %broadcast_in_dim3A_108 : f32 to vector<16xf32>
      %swap3A_110 = arith.index_cast %scan3A_81 : i32 to index
      %swap3A_111 = arith.constant 64 : index
      %swap3A_112 = tpu.vector_load %arg11[%swap3A_110, %swap3A_111] {strides = array<i32>} : memref<128x128xf32, #tpu.memory_space<vmem>>, vector<1x16xf32>,
      %swap3A_113 = vector.shape_cast %swap3A_112 : vector<1x16xf32> to vector<16xf32>
      %swap3A_114 = vector.shape_cast %broadcast_in_dim3A_109 : vector<16xf32> to vector<1x16xf32>
      tpu.vector_store %arg11[%swap3A_110, %swap3A_111], %swap3A_114 {strides = array<i32>} : memref<128x128xf32, #tpu.memory_space<vmem>>, vector<1x16xf32>,
      %broadcast_in_dim3A_115 = arith.constant 0.000000e+00 : f32
      %broadcast_in_dim3A_116 = vector.broadcast %broadcast_in_dim3A_115 : f32 to vector<16xf32>
      %swap3A_117 = arith.index_cast %scan3A_81 : i32 to index
      %swap3A_118 = arith.constant 80 : index
      %swap3A_119 = tpu.vector_load %arg11[%swap3A_117, %swap3A_118] {strides = array<i32>} : memref<128x128xf32, #tpu.memory_space<vmem>>, vector<1x16xf32>,
      %swap3A_120 = vector.shape_cast %swap3A_119 : vector<1x16xf32> to vector<16xf32>
      %swap3A_121 = vector.shape_cast %broadcast_in_dim3A_116 : vector<16xf32> to vector<1x16xf32>
      tpu.vector_store %arg11[%swap3A_117, %swap3A_118], %swap3A_121 {strides = array<i32>} : memref<128x128xf32, #tpu.memory_space<vmem>>, vector<1x16xf32>,
      %broadcast_in_dim3A_122 = arith.constant 0.000000e+00 : f32
      %broadcast_in_dim3A_123 = vector.broadcast %broadcast_in_dim3A_122 : f32 to vector<16xf32>
      %swap3A_124 = arith.index_cast %scan3A_81 : i32 to index
      %swap3A_125 = arith.constant 96 : index
      %swap3A_126 = tpu.vector_load %arg11[%swap3A_124, %swap3A_125] {strides = array<i32>} : memref<128x128xf32, #tpu.memory_space<vmem>>, vector<1x16xf32>,
      %swap3A_127 = vector.shape_cast %swap3A_126 : vector<1x16xf32> to vector<16xf32>
      %swap3A_128 = vector.shape_cast %broadcast_in_dim3A_123 : vector<16xf32> to vector<1x16xf32>
      tpu.vector_store %arg11[%swap3A_124, %swap3A_125], %swap3A_128 {strides = array<i32>} : memref<128x128xf32, #tpu.memory_space<vmem>>, vector<1x16xf32>,
      %broadcast_in_dim3A_129 = arith.constant 0.000000e+00 : f32
      %broadcast_in_dim3A_130 = vector.broadcast %broadcast_in_dim3A_129 : f32 to vector<16xf32>
      %swap3A_131 = arith.index_cast %scan3A_81 : i32 to index
      %swap3A_132 = arith.constant 112 : index
      %swap3A_133 = tpu.vector_load %arg11[%swap3A_131, %swap3A_132] {strides = array<i32>} : memref<128x128xf32, #tpu.memory_space<vmem>>, vector<1x16xf32>,
      %swap3A_134 = vector.shape_cast %swap3A_133 : vector<1x16xf32> to vector<16xf32>
      %swap3A_135 = vector.shape_cast %broadcast_in_dim3A_130 : vector<16xf32> to vector<1x16xf32>
      tpu.vector_store %arg11[%swap3A_131, %swap3A_132], %swap3A_135 {strides = array<i32>} : memref<128x128xf32, #tpu.memory_space<vmem>>, vector<1x16xf32>,
    }
    %scan3A_9 = arith.constant 128 : i32
    %mul3A_10 = arith.constant 640 : i32
    %mul3A_11 = arith.muli %arg1, %mul3A_10 : i32
    %add3A_12 = arith.constant 0 : i32
    %add3A_13 = arith.addi %mul3A_11, %add3A_12 : i32
    "tpu.region"() ({
      %run_scoped3A = tpu.sem_alloc : memref<!tpu.dma_semaphore, #tpu.memory_space<semaphore_mem>>
      %dma_start3A_81 = arith.constant 0 : i32
      %dma_start3A_82 = tpu.memref_slice %arg13[%add3A_13, %dma_start3A_81] : memref<10240x128xf32, #tpu.memory_space<vmem_shared>> -> memref<128x128xf32, #tpu.memory_space<vmem_shared>>
      %dma_start3A_83 = arith.constant 0 : i32
      %dma_start3A_84 = tpu.memref_slice %arg13[%add3A_13, %dma_start3A_83] : memref<10240x128xf32, #tpu.memory_space<vmem_shared>> -> memref<128x128xf32, #tpu.memory_space<vmem_shared>>
      tpu.enqueue_dma source(%arg11 : memref<128x128xf32, #tpu.memory_space<vmem>>) target(%dma_start3A_84 : memref<128x128xf32, #tpu.memory_space<vmem_shared>>) target_semaphore(%run_scoped3A : memref<!tpu.dma_semaphore, #tpu.memory_space<semaphore_mem>>)
      %dma_wait3A_85 = arith.constant 0 : i32
      %dma_wait3A_86 = tpu.memref_slice %arg13[%add3A_13, %dma_wait3A_85] : memref<10240x128xf32, #tpu.memory_space<vmem_shared>> -> memref<128x128xf32, #tpu.memory_space<vmem_shared>>
      %dma_wait3A_87 = arith.constant 0 : i32
      %dma_wait3A_88 = tpu.memref_slice %arg13[%add3A_13, %dma_wait3A_87] : memref<10240x128xf32, #tpu.memory_space<vmem_shared>> -> memref<128x128xf32, #tpu.memory_space<vmem_shared>>
      tpu.wait_dma2 semaphore(%run_scoped3A : memref<!tpu.dma_semaphore, #tpu.memory_space<semaphore_mem>>) src(%arg11 : memref<128x128xf32, #tpu.memory_space<vmem>>) dst(%dma_wait3A_88 : memref<128x128xf32, #tpu.memory_space<vmem_shared>>)
      tpu.yield
    }) : () -> ()
    %mul3A_14 = arith.constant 640 : i32
    %mul3A_15 = arith.muli %arg1, %mul3A_14 : i32
    %add3A_16 = arith.constant 128 : i32
    %add3A_17 = arith.addi %mul3A_15, %add3A_16 : i32
    "tpu.region"() ({
      %run_scoped3A = tpu.sem_alloc : memref<!tpu.dma_semaphore, #tpu.memory_space<semaphore_mem>>
      %dma_start3A_81 = arith.constant 0 : i32
      %dma_start3A_82 = tpu.memref_slice %arg13[%add3A_17, %dma_start3A_81] : memref<10240x128xf32, #tpu.memory_space<vmem_shared>> -> memref<128x128xf32, #tpu.memory_space<vmem_shared>>
      %dma_start3A_83 = arith.constant 0 : i32
      %dma_start3A_84 = tpu.memref_slice %arg13[%add3A_17, %dma_start3A_83] : memref<10240x128xf32, #tpu.memory_space<vmem_shared>> -> memref<128x128xf32, #tpu.memory_space<vmem_shared>>
      tpu.enqueue_dma source(%arg11 : memref<128x128xf32, #tpu.memory_space<vmem>>) target(%dma_start3A_84 : memref<128x128xf32, #tpu.memory_space<vmem_shared>>) target_semaphore(%run_scoped3A : memref<!tpu.dma_semaphore, #tpu.memory_space<semaphore_mem>>)
      %dma_wait3A_85 = arith.constant 0 : i32
      %dma_wait3A_86 = tpu.memref_slice %arg13[%add3A_17, %dma_wait3A_85] : memref<10240x128xf32, #tpu.memory_space<vmem_shared>> -> memref<128x128xf32, #tpu.memory_space<vmem_shared>>
      %dma_wait3A_87 = arith.constant 0 : i32
      %dma_wait3A_88 = tpu.memref_slice %arg13[%add3A_17, %dma_wait3A_87] : memref<10240x128xf32, #tpu.memory_space<vmem_shared>> -> memref<128x128xf32, #tpu.memory_space<vmem_shared>>
      tpu.wait_dma2 semaphore(%run_scoped3A : memref<!tpu.dma_semaphore, #tpu.memory_space<semaphore_mem>>) src(%arg11 : memref<128x128xf32, #tpu.memory_space<vmem>>) dst(%dma_wait3A_88 : memref<128x128xf32, #tpu.memory_space<vmem_shared>>)
      tpu.yield
    }) : () -> ()
    %mul3A_18 = arith.constant 640 : i32
    %mul3A_19 = arith.muli %arg1, %mul3A_18 : i32
    %add3A_20 = arith.constant 256 : i32
    %add3A_21 = arith.addi %mul3A_19, %add3A_20 : i32
    "tpu.region"() ({
      %run_scoped3A = tpu.sem_alloc : memref<!tpu.dma_semaphore, #tpu.memory_space<semaphore_mem>>
      %dma_start3A_81 = arith.constant 0 : i32
      %dma_start3A_82 = tpu.memref_slice %arg13[%add3A_21, %dma_start3A_81] : memref<10240x128xf32, #tpu.memory_space<vmem_shared>> -> memref<128x128xf32, #tpu.memory_space<vmem_shared>>
      %dma_start3A_83 = arith.constant 0 : i32
      %dma_start3A_84 = tpu.memref_slice %arg13[%add3A_21, %dma_start3A_83] : memref<10240x128xf32, #tpu.memory_space<vmem_shared>> -> memref<128x128xf32, #tpu.memory_space<vmem_shared>>
      tpu.enqueue_dma source(%arg11 : memref<128x128xf32, #tpu.memory_space<vmem>>) target(%dma_start3A_84 : memref<128x128xf32, #tpu.memory_space<vmem_shared>>) target_semaphore(%run_scoped3A : memref<!tpu.dma_semaphore, #tpu.memory_space<semaphore_mem>>)
      %dma_wait3A_85 = arith.constant 0 : i32
      %dma_wait3A_86 = tpu.memref_slice %arg13[%add3A_21, %dma_wait3A_85] : memref<10240x128xf32, #tpu.memory_space<vmem_shared>> -> memref<128x128xf32, #tpu.memory_space<vmem_shared>>
      %dma_wait3A_87 = arith.constant 0 : i32
      %dma_wait3A_88 = tpu.memref_slice %arg13[%add3A_21, %dma_wait3A_87] : memref<10240x128xf32, #tpu.memory_space<vmem_shared>> -> memref<128x128xf32, #tpu.memory_space<vmem_shared>>
      tpu.wait_dma2 semaphore(%run_scoped3A : memref<!tpu.dma_semaphore, #tpu.memory_space<semaphore_mem>>) src(%arg11 : memref<128x128xf32, #tpu.memory_space<vmem>>) dst(%dma_wait3A_88 : memref<128x128xf32, #tpu.memory_space<vmem_shared>>)
      tpu.yield
    }) : () -> ()
    %mul3A_22 = arith.constant 640 : i32
    %mul3A_23 = arith.muli %arg1, %mul3A_22 : i32
    %add3A_24 = arith.constant 384 : i32
    %add3A_25 = arith.addi %mul3A_23, %add3A_24 : i32
    "tpu.region"() ({
      %run_scoped3A = tpu.sem_alloc : memref<!tpu.dma_semaphore, #tpu.memory_space<semaphore_mem>>
      %dma_start3A_81 = arith.constant 0 : i32
      %dma_start3A_82 = tpu.memref_slice %arg13[%add3A_25, %dma_start3A_81] : memref<10240x128xf32, #tpu.memory_space<vmem_shared>> -> memref<128x128xf32, #tpu.memory_space<vmem_shared>>
      %dma_start3A_83 = arith.constant 0 : i32
      %dma_start3A_84 = tpu.memref_slice %arg13[%add3A_25, %dma_start3A_83] : memref<10240x128xf32, #tpu.memory_space<vmem_shared>> -> memref<128x128xf32, #tpu.memory_space<vmem_shared>>
      tpu.enqueue_dma source(%arg11 : memref<128x128xf32, #tpu.memory_space<vmem>>) target(%dma_start3A_84 : memref<128x128xf32, #tpu.memory_space<vmem_shared>>) target_semaphore(%run_scoped3A : memref<!tpu.dma_semaphore, #tpu.memory_space<semaphore_mem>>)
      %dma_wait3A_85 = arith.constant 0 : i32
      %dma_wait3A_86 = tpu.memref_slice %arg13[%add3A_25, %dma_wait3A_85] : memref<10240x128xf32, #tpu.memory_space<vmem_shared>> -> memref<128x128xf32, #tpu.memory_space<vmem_shared>>
      %dma_wait3A_87 = arith.constant 0 : i32
      %dma_wait3A_88 = tpu.memref_slice %arg13[%add3A_25, %dma_wait3A_87] : memref<10240x128xf32, #tpu.memory_space<vmem_shared>> -> memref<128x128xf32, #tpu.memory_space<vmem_shared>>
      tpu.wait_dma2 semaphore(%run_scoped3A : memref<!tpu.dma_semaphore, #tpu.memory_space<semaphore_mem>>) src(%arg11 : memref<128x128xf32, #tpu.memory_space<vmem>>) dst(%dma_wait3A_88 : memref<128x128xf32, #tpu.memory_space<vmem_shared>>)
      tpu.yield
    }) : () -> ()
    %mul3A_26 = arith.constant 640 : i32
    %mul3A_27 = arith.muli %arg1, %mul3A_26 : i32
    %add3A_28 = arith.constant 512 : i32
    %add3A_29 = arith.addi %mul3A_27, %add3A_28 : i32
    "tpu.region"() ({
      %run_scoped3A = tpu.sem_alloc : memref<!tpu.dma_semaphore, #tpu.memory_space<semaphore_mem>>
      %dma_start3A_81 = arith.constant 0 : i32
      %dma_start3A_82 = tpu.memref_slice %arg13[%add3A_29, %dma_start3A_81] : memref<10240x128xf32, #tpu.memory_space<vmem_shared>> -> memref<128x128xf32, #tpu.memory_space<vmem_shared>>
      %dma_start3A_83 = arith.constant 0 : i32
      %dma_start3A_84 = tpu.memref_slice %arg13[%add3A_29, %dma_start3A_83] : memref<10240x128xf32, #tpu.memory_space<vmem_shared>> -> memref<128x128xf32, #tpu.memory_space<vmem_shared>>
      tpu.enqueue_dma source(%arg11 : memref<128x128xf32, #tpu.memory_space<vmem>>) target(%dma_start3A_84 : memref<128x128xf32, #tpu.memory_space<vmem_shared>>) target_semaphore(%run_scoped3A : memref<!tpu.dma_semaphore, #tpu.memory_space<semaphore_mem>>)
      %dma_wait3A_85 = arith.constant 0 : i32
      %dma_wait3A_86 = tpu.memref_slice %arg13[%add3A_29, %dma_wait3A_85] : memref<10240x128xf32, #tpu.memory_space<vmem_shared>> -> memref<128x128xf32, #tpu.memory_space<vmem_shared>>
      %dma_wait3A_87 = arith.constant 0 : i32
      %dma_wait3A_88 = tpu.memref_slice %arg13[%add3A_29, %dma_wait3A_87] : memref<10240x128xf32, #tpu.memory_space<vmem_shared>> -> memref<128x128xf32, #tpu.memory_space<vmem_shared>>
      tpu.wait_dma2 semaphore(%run_scoped3A : memref<!tpu.dma_semaphore, #tpu.memory_space<semaphore_mem>>) src(%arg11 : memref<128x128xf32, #tpu.memory_space<vmem>>) dst(%dma_wait3A_88 : memref<128x128xf32, #tpu.memory_space<vmem_shared>>)
      tpu.yield
    }) : () -> ()
    "tpu.region"() ({
      %run_scoped3A = tpu.sem_alloc : memref<!tpu.dma_semaphore, #tpu.memory_space<semaphore_mem>>
      %dma_start3A_81 = tpu.memref_slice %arg3[%mul3A_4] : memref<320000xi32, #tpu.memory_space<hbm>> -> memref<10000xi32, #tpu.memory_space<hbm>>
      %dma_start3A_82 = tpu.memref_slice %arg3[%mul3A_4] : memref<320000xi32, #tpu.memory_space<hbm>> -> memref<10000xi32, #tpu.memory_space<hbm>>
      tpu.enqueue_dma source(%dma_start3A_82 : memref<10000xi32, #tpu.memory_space<hbm>>) target(%arg7 : memref<10000xi32, #tpu.memory_space<vmem>>) target_semaphore(%run_scoped3A : memref<!tpu.dma_semaphore, #tpu.memory_space<semaphore_mem>>)
      %dma_wait3A_83 = tpu.memref_slice %arg3[%mul3A_4] : memref<320000xi32, #tpu.memory_space<hbm>> -> memref<10000xi32, #tpu.memory_space<hbm>>
      %dma_wait3A_84 = tpu.memref_slice %arg3[%mul3A_4] : memref<320000xi32, #tpu.memory_space<hbm>> -> memref<10000xi32, #tpu.memory_space<hbm>>
      tpu.wait_dma2 semaphore(%run_scoped3A : memref<!tpu.dma_semaphore, #tpu.memory_space<semaphore_mem>>) src(%dma_wait3A_84 : memref<10000xi32, #tpu.memory_space<hbm>>) dst(%arg7 : memref<10000xi32, #tpu.memory_space<vmem>>)
      tpu.yield
    }) : () -> ()
    %barrier3A = arith.constant 0 : index
    tpu.barrier barrier_id(%barrier3A)
    %dma_start3A = arith.constant 0 : i32
    %dma_start3A_30 = tpu.memref_slice %arg7[%dma_start3A] : memref<10000xi32, #tpu.memory_space<vmem>> -> memref<128xi32, #tpu.memory_space<vmem>>
    %dma_start3A_31 = arith.constant 0 : i32
    %dma_start3A_32 = arith.constant 0 : i32
    %dma_start3A_33 = tpu.memref_slice %arg2[%dma_start3A_31, %dma_start3A_32] : memref<10000x128xf32, #tpu.memory_space<hbm>> -> memref<10000x128xf32, #tpu.memory_space<hbm>>
    tpu.enqueue_indirect_dma source(%dma_start3A_33 : memref<10000x128xf32, #tpu.memory_space<hbm>>) target(%arg11 : memref<128x128xf32, #tpu.memory_space<vmem>>) offsets(%dma_start3A_30 : memref<128xi32, #tpu.memory_space<vmem>>) semaphore(%arg14 : memref<!tpu.dma_semaphore, #tpu.memory_space<semaphore_mem>>)
    %add3A_34 = arith.constant 0 : i32
    %add3A_35 = arith.addi %mul3A_4, %add3A_34 : i32
    %dma_start3A_36 = tpu.memref_slice %arg4[%add3A_35] : memref<320000xi32, #tpu.memory_space<hbm>> -> memref<128xi32, #tpu.memory_space<hbm>>
    %dma_start3A_37 = tpu.memref_slice %arg4[%add3A_35] : memref<320000xi32, #tpu.memory_space<hbm>> -> memref<128xi32, #tpu.memory_space<hbm>>
    tpu.enqueue_dma source(%dma_start3A_37 : memref<128xi32, #tpu.memory_space<hbm>>) target(%arg8 : memref<128xi32, #tpu.memory_space<vmem>>) target_semaphore(%arg16 : memref<!tpu.dma_semaphore, #tpu.memory_space<semaphore_mem>>)
    %scan3A_38 = arith.constant 0 : i32
    %scan3A_39 = arith.constant 0 : i32
    %scan3A_40 = arith.constant 39 : i32
    %scan3A_41 = arith.addi %scan3A_39, %scan3A_40 : i32
    %scan3A_42 = arith.constant 1 : i32
    scf.for %scan3A_81 = %scan3A_39 to %scan3A_41 step %scan3A_42  : i32 {
      %mul3A_82 = arith.constant 2 : i32
      %mul3A_83 = arith.muli %scan3A_81, %mul3A_82 : i32
      %add3A_84 = arith.constant 0 : i32
      %add3A_85 = arith.addi %mul3A_83, %add3A_84 : i32
      %add3A_86 = arith.constant 1 : i32
      %add3A_87 = arith.addi %add3A_85, %add3A_86 : i32
      %rem3A = arith.constant 78 : i32
      %rem3A_88 = arith.remsi %add3A_87, %rem3A : i32
      %gt3A = arith.constant 0 : i32
      %gt3A_89 = arith.cmpi sgt, %add3A_85, %gt3A : i32
      %convert_element_type3A_90 = arith.extui %gt3A_89 : i1 to i32
      %cond3A_91 = arith.constant 0 : i32
      %cond3A_92 = arith.cmpi ne, %convert_element_type3A_90, %cond3A_91 : i32
      scf.if %cond3A_92 {
        %dma_wait3A_156 = arith.constant 0 : i32
        %dma_wait3A_157 = arith.constant 0 : i32
        %dma_wait3A_158 = tpu.memref_slice %arg13[%dma_wait3A_156, %dma_wait3A_157] : memref<10240x128xf32, #tpu.memory_space<vmem_shared>> -> memref<10240x128xf32, #tpu.memory_space<vmem_shared>>
        tpu.wait_indirect_dma semaphore(%arg19 : memref<!tpu.dma_semaphore, #tpu.memory_space<semaphore_mem>>) src(%arg12 : memref<128x128xf32, #tpu.memory_space<vmem>>) dst(%dma_wait3A_158 : memref<10240x128xf32, #tpu.memory_space<vmem_shared>>)
      } else {
      }
      %mul3A_93 = arith.constant 128 : i32
      %mul3A_94 = arith.muli %rem3A_88, %mul3A_93 : i32
      %dma_start3A_95 = tpu.memref_slice %arg7[%mul3A_94] : memref<10000xi32, #tpu.memory_space<vmem>> -> memref<128xi32, #tpu.memory_space<vmem>>
      %dma_start3A_96 = arith.constant 0 : i32
      %dma_start3A_97 = arith.constant 0 : i32
      %dma_start3A_98 = tpu.memref_slice %arg2[%dma_start3A_96, %dma_start3A_97] : memref<10000x128xf32, #tpu.memory_space<hbm>> -> memref<10000x128xf32, #tpu.memory_space<hbm>>
      tpu.enqueue_indirect_dma source(%dma_start3A_98 : memref<10000x128xf32, #tpu.memory_space<hbm>>) target(%arg12 : memref<128x128xf32, #tpu.memory_space<vmem>>) offsets(%dma_start3A_95 : memref<128xi32, #tpu.memory_space<vmem>>) semaphore(%arg15 : memref<!tpu.dma_semaphore, #tpu.memory_space<semaphore_mem>>)
      %mul3A_99 = arith.constant 128 : i32
      %mul3A_100 = arith.muli %rem3A_88, %mul3A_99 : i32
      %add3A_101 = arith.addi %mul3A_4, %mul3A_100 : i32
      %dma_start3A_102 = tpu.memref_slice %arg4[%add3A_101] : memref<320000xi32, #tpu.memory_space<hbm>> -> memref<128xi32, #tpu.memory_space<hbm>>
      %dma_start3A_103 = tpu.memref_slice %arg4[%add3A_101] : memref<320000xi32, #tpu.memory_space<hbm>> -> memref<128xi32, #tpu.memory_space<hbm>>
      tpu.enqueue_dma source(%dma_start3A_103 : memref<128xi32, #tpu.memory_space<hbm>>) target(%arg9 : memref<128xi32, #tpu.memory_space<vmem>>) target_semaphore(%arg17 : memref<!tpu.dma_semaphore, #tpu.memory_space<semaphore_mem>>)
      %mul3A_104 = arith.constant 128 : i32
      %mul3A_105 = arith.muli %add3A_85, %mul3A_104 : i32
      %add3A_106 = arith.addi %mul3A_4, %mul3A_105 : i32
      %dma_wait3A_107 = tpu.memref_slice %arg4[%add3A_106] : memref<320000xi32, #tpu.memory_space<hbm>> -> memref<128xi32, #tpu.memory_space<hbm>>
      %dma_wait3A_108 = tpu.memref_slice %arg4[%add3A_106] : memref<320000xi32, #tpu.memory_space<hbm>> -> memref<128xi32, #tpu.memory_space<hbm>>
      tpu.wait_dma2 semaphore(%arg16 : memref<!tpu.dma_semaphore, #tpu.memory_space<semaphore_mem>>) src(%dma_wait3A_108 : memref<128xi32, #tpu.memory_space<hbm>>) dst(%arg8 : memref<128xi32, #tpu.memory_space<vmem>>)
      %mul3A_109 = arith.constant 128 : i32
      %mul3A_110 = arith.muli %add3A_85, %mul3A_109 : i32
      %dma_wait3A_111 = tpu.memref_slice %arg7[%mul3A_110] : memref<10000xi32, #tpu.memory_space<vmem>> -> memref<128xi32, #tpu.memory_space<vmem>>
      %dma_wait3A_112 = arith.constant 0 : i32
      %dma_wait3A_113 = arith.constant 0 : i32
      %dma_wait3A_114 = tpu.memref_slice %arg2[%dma_wait3A_112, %dma_wait3A_113] : memref<10000x128xf32, #tpu.memory_space<hbm>> -> memref<10000x128xf32, #tpu.memory_space<hbm>>
      tpu.wait_indirect_dma semaphore(%arg14 : memref<!tpu.dma_semaphore, #tpu.memory_space<semaphore_mem>>) src(%dma_wait3A_114 : memref<10000x128xf32, #tpu.memory_space<hbm>>) dst(%arg11 : memref<128x128xf32, #tpu.memory_space<vmem>>)
      %dma_start3A_115 = arith.constant 0 : i32
      %dma_start3A_116 = arith.constant 0 : i32
      %dma_start3A_117 = tpu.memref_slice %arg13[%dma_start3A_115, %dma_start3A_116] : memref<10240x128xf32, #tpu.memory_space<vmem_shared>> -> memref<10240x128xf32, #tpu.memory_space<vmem_shared>>
      tpu.enqueue_indirect_dma source(%arg11 : memref<128x128xf32, #tpu.memory_space<vmem>>) target(%dma_start3A_117 : memref<10240x128xf32, #tpu.memory_space<vmem_shared>>) offsets(%arg8 : memref<128xi32, #tpu.memory_space<vmem>>) semaphore(%arg18 : memref<!tpu.dma_semaphore, #tpu.memory_space<semaphore_mem>>) {add = true}
      %mul3A_118 = arith.constant 2 : i32
      %mul3A_119 = arith.muli %scan3A_81, %mul3A_118 : i32
      %add3A_120 = arith.constant 1 : i32
      %add3A_121 = arith.addi %mul3A_119, %add3A_120 : i32
      %add3A_122 = arith.constant 1 : i32
      %add3A_123 = arith.addi %add3A_121, %add3A_122 : i32
      %rem3A_124 = arith.constant 78 : i32
      %rem3A_125 = arith.remsi %add3A_123, %rem3A_124 : i32
      %gt3A_126 = arith.constant 0 : i32
      %gt3A_127 = arith.cmpi sgt, %add3A_121, %gt3A_126 : i32
      %convert_element_type3A_128 = arith.extui %gt3A_127 : i1 to i32
      %cond3A_129 = arith.constant 0 : i32
      %cond3A_130 = arith.cmpi ne, %convert_element_type3A_128, %cond3A_129 : i32
      scf.if %cond3A_130 {
        %dma_wait3A_156 = arith.constant 0 : i32
        %dma_wait3A_157 = arith.constant 0 : i32
        %dma_wait3A_158 = tpu.memref_slice %arg13[%dma_wait3A_156, %dma_wait3A_157] : memref<10240x128xf32, #tpu.memory_space<vmem_shared>> -> memref<10240x128xf32, #tpu.memory_space<vmem_shared>>
        tpu.wait_indirect_dma semaphore(%arg18 : memref<!tpu.dma_semaphore, #tpu.memory_space<semaphore_mem>>) src(%arg11 : memref<128x128xf32, #tpu.memory_space<vmem>>) dst(%dma_wait3A_158 : memref<10240x128xf32, #tpu.memory_space<vmem_shared>>)
      } else {
      }
      %mul3A_131 = arith.constant 128 : i32
      %mul3A_132 = arith.muli %rem3A_125, %mul3A_131 : i32
      %dma_start3A_133 = tpu.memref_slice %arg7[%mul3A_132] : memref<10000xi32, #tpu.memory_space<vmem>> -> memref<128xi32, #tpu.memory_space<vmem>>
      %dma_start3A_134 = arith.constant 0 : i32
      %dma_start3A_135 = arith.constant 0 : i32
      %dma_start3A_136 = tpu.memref_slice %arg2[%dma_start3A_134, %dma_start3A_135] : memref<10000x128xf32, #tpu.memory_space<hbm>> -> memref<10000x128xf32, #tpu.memory_space<hbm>>
      tpu.enqueue_indirect_dma source(%dma_start3A_136 : memref<10000x128xf32, #tpu.memory_space<hbm>>) target(%arg11 : memref<128x128xf32, #tpu.memory_space<vmem>>) offsets(%dma_start3A_133 : memref<128xi32, #tpu.memory_space<vmem>>) semaphore(%arg14 : memref<!tpu.dma_semaphore, #tpu.memory_space<semaphore_mem>>)
      %mul3A_137 = arith.constant 128 : i32
      %mul3A_138 = arith.muli %rem3A_125, %mul3A_137 : i32
      %add3A_139 = arith.addi %mul3A_4, %mul3A_138 : i32
      %dma_start3A_140 = tpu.memref_slice %arg4[%add3A_139] : memref<320000xi32, #tpu.memory_space<hbm>> -> memref<128xi32, #tpu.memory_space<hbm>>
      %dma_start3A_141 = tpu.memref_slice %arg4[%add3A_139] : memref<320000xi32, #tpu.memory_space<hbm>> -> memref<128xi32, #tpu.memory_space<hbm>>
      tpu.enqueue_dma source(%dma_start3A_141 : memref<128xi32, #tpu.memory_space<hbm>>) target(%arg8 : memref<128xi32, #tpu.memory_space<vmem>>) target_semaphore(%arg16 : memref<!tpu.dma_semaphore, #tpu.memory_space<semaphore_mem>>)
      %mul3A_142 = arith.constant 128 : i32
      %mul3A_143 = arith.muli %add3A_121, %mul3A_142 : i32
      %add3A_144 = arith.addi %mul3A_4, %mul3A_143 : i32
      %dma_wait3A_145 = tpu.memref_slice %arg4[%add3A_144] : memref<320000xi32, #tpu.memory_space<hbm>> -> memref<128xi32, #tpu.memory_space<hbm>>
      %dma_wait3A_146 = tpu.memref_slice %arg4[%add3A_144] : memref<320000xi32, #tpu.memory_space<hbm>> -> memref<128xi32, #tpu.memory_space<hbm>>
      tpu.wait_dma2 semaphore(%arg17 : memref<!tpu.dma_semaphore, #tpu.memory_space<semaphore_mem>>) src(%dma_wait3A_146 : memref<128xi32, #tpu.memory_space<hbm>>) dst(%arg9 : memref<128xi32, #tpu.memory_space<vmem>>)
      %mul3A_147 = arith.constant 128 : i32
      %mul3A_148 = arith.muli %add3A_121, %mul3A_147 : i32
      %dma_wait3A_149 = tpu.memref_slice %arg7[%mul3A_148] : memref<10000xi32, #tpu.memory_space<vmem>> -> memref<128xi32, #tpu.memory_space<vmem>>
      %dma_wait3A_150 = arith.constant 0 : i32
      %dma_wait3A_151 = arith.constant 0 : i32
      %dma_wait3A_152 = tpu.memref_slice %arg2[%dma_wait3A_150, %dma_wait3A_151] : memref<10000x128xf32, #tpu.memory_space<hbm>> -> memref<10000x128xf32, #tpu.memory_space<hbm>>
      tpu.wait_indirect_dma semaphore(%arg15 : memref<!tpu.dma_semaphore, #tpu.memory_space<semaphore_mem>>) src(%dma_wait3A_152 : memref<10000x128xf32, #tpu.memory_space<hbm>>) dst(%arg12 : memref<128x128xf32, #tpu.memory_space<vmem>>)
      %dma_start3A_153 = arith.constant 0 : i32
      %dma_start3A_154 = arith.constant 0 : i32
      %dma_start3A_155 = tpu.memref_slice %arg13[%dma_start3A_153, %dma_start3A_154] : memref<10240x128xf32, #tpu.memory_space<vmem_shared>> -> memref<10240x128xf32, #tpu.memory_space<vmem_shared>>
      tpu.enqueue_indirect_dma source(%arg12 : memref<128x128xf32, #tpu.memory_space<vmem>>) target(%dma_start3A_155 : memref<10240x128xf32, #tpu.memory_space<vmem_shared>>) offsets(%arg9 : memref<128xi32, #tpu.memory_space<vmem>>) semaphore(%arg19 : memref<!tpu.dma_semaphore, #tpu.memory_space<semaphore_mem>>) {add = true}
    }
    %scan3A_43 = arith.constant 39 : i32
    %dma_wait3A = arith.constant 0 : i32
    %dma_wait3A_44 = arith.constant 0 : i32
    %dma_wait3A_45 = tpu.memref_slice %arg13[%dma_wait3A, %dma_wait3A_44] : memref<10240x128xf32, #tpu.memory_space<vmem_shared>> -> memref<10240x128xf32, #tpu.memory_space<vmem_shared>>
    tpu.wait_indirect_dma semaphore(%arg19 : memref<!tpu.dma_semaphore, #tpu.memory_space<semaphore_mem>>) src(%arg12 : memref<128x128xf32, #tpu.memory_space<vmem>>) dst(%dma_wait3A_45 : memref<10240x128xf32, #tpu.memory_space<vmem_shared>>)
    %add3A_46 = arith.constant 0 : i32
    %add3A_47 = arith.addi %mul3A_4, %add3A_46 : i32
    %dma_wait3A_48 = tpu.memref_slice %arg4[%add3A_47] : memref<320000xi32, #tpu.memory_space<hbm>> -> memref<128xi32, #tpu.memory_space<hbm>>
    %dma_wait3A_49 = tpu.memref_slice %arg4[%add3A_47] : memref<320000xi32, #tpu.memory_space<hbm>> -> memref<128xi32, #tpu.memory_space<hbm>>
    tpu.wait_dma2 semaphore(%arg16 : memref<!tpu.dma_semaphore, #tpu.memory_space<semaphore_mem>>) src(%dma_wait3A_49 : memref<128xi32, #tpu.memory_space<hbm>>) dst(%arg8 : memref<128xi32, #tpu.memory_space<vmem>>)
    %dma_wait3A_50 = arith.constant 0 : i32
    %dma_wait3A_51 = tpu.memref_slice %arg7[%dma_wait3A_50] : memref<10000xi32, #tpu.memory_space<vmem>> -> memref<128xi32, #tpu.memory_space<vmem>>
    %dma_wait3A_52 = arith.constant 0 : i32
    %dma_wait3A_53 = arith.constant 0 : i32
    %dma_wait3A_54 = tpu.memref_slice %arg2[%dma_wait3A_52, %dma_wait3A_53] : memref<10000x128xf32, #tpu.memory_space<hbm>> -> memref<10000x128xf32, #tpu.memory_space<hbm>>
    tpu.wait_indirect_dma semaphore(%arg14 : memref<!tpu.dma_semaphore, #tpu.memory_space<semaphore_mem>>) src(%dma_wait3A_54 : memref<10000x128xf32, #tpu.memory_space<hbm>>) dst(%arg11 : memref<128x128xf32, #tpu.memory_space<vmem>>)
    %add3A_55 = arith.constant 9984 : i32
    %add3A_56 = arith.addi %mul3A_4, %add3A_55 : i32
    "tpu.region"() ({
      %run_scoped3A = tpu.sem_alloc : memref<!tpu.dma_semaphore, #tpu.memory_space<semaphore_mem>>
      %dma_start3A_81 = tpu.memref_slice %arg4[%add3A_56] : memref<320000xi32, #tpu.memory_space<hbm>> -> memref<16xi32, #tpu.memory_space<hbm>>
      %dma_start3A_82 = tpu.memref_slice %arg4[%add3A_56] : memref<320000xi32, #tpu.memory_space<hbm>> -> memref<16xi32, #tpu.memory_space<hbm>>
      tpu.enqueue_dma source(%dma_start3A_82 : memref<16xi32, #tpu.memory_space<hbm>>) target(%arg10 : memref<16xi32, #tpu.memory_space<vmem>>) target_semaphore(%run_scoped3A : memref<!tpu.dma_semaphore, #tpu.memory_space<semaphore_mem>>)
      %dma_wait3A_83 = tpu.memref_slice %arg4[%add3A_56] : memref<320000xi32, #tpu.memory_space<hbm>> -> memref<16xi32, #tpu.memory_space<hbm>>
      %dma_wait3A_84 = tpu.memref_slice %arg4[%add3A_56] : memref<320000xi32, #tpu.memory_space<hbm>> -> memref<16xi32, #tpu.memory_space<hbm>>
      tpu.wait_dma2 semaphore(%run_scoped3A : memref<!tpu.dma_semaphore, #tpu.memory_space<semaphore_mem>>) src(%dma_wait3A_84 : memref<16xi32, #tpu.memory_space<hbm>>) dst(%arg10 : memref<16xi32, #tpu.memory_space<vmem>>)
      tpu.yield
    }) : () -> ()
    %dma_start3A_57 = arith.constant 0 : i32
    %dma_start3A_58 = arith.constant 0 : i32
    %dma_start3A_59 = tpu.memref_slice %arg12[%dma_start3A_57, %dma_start3A_58] : memref<128x128xf32, #tpu.memory_space<vmem>> -> memref<16x128xf32, #tpu.memory_space<vmem>>
    %dma_start3A_60 = arith.constant 9984 : i32
    %dma_start3A_61 = tpu.memref_slice %arg7[%dma_start3A_60] : memref<10000xi32, #tpu.memory_space<vmem>> -> memref<16xi32, #tpu.memory_space<vmem>>
    %dma_start3A_62 = arith.constant 0 : i32
    %dma_start3A_63 = arith.constant 0 : i32
    %dma_start3A_64 = tpu.memref_slice %arg2[%dma_start3A_62, %dma_start3A_63] : memref<10000x128xf32, #tpu.memory_space<hbm>> -> memref<10000x128xf32, #tpu.memory_space<hbm>>
    tpu.enqueue_indirect_dma source(%dma_start3A_64 : memref<10000x128xf32, #tpu.memory_space<hbm>>) target(%dma_start3A_59 : memref<16x128xf32, #tpu.memory_space<vmem>>) offsets(%dma_start3A_61 : memref<16xi32, #tpu.memory_space<vmem>>) semaphore(%arg20 : memref<!tpu.dma_semaphore, #tpu.memory_space<semaphore_mem>>)
    %dma_wait3A_65 = arith.constant 0 : i32
    %dma_wait3A_66 = arith.constant 0 : i32
    %dma_wait3A_67 = tpu.memref_slice %arg12[%dma_wait3A_65, %dma_wait3A_66] : memref<128x128xf32, #tpu.memory_space<vmem>> -> memref<16x128xf32, #tpu.memory_space<vmem>>
    %dma_wait3A_68 = arith.constant 9984 : i32
    %dma_wait3A_69 = tpu.memref_slice %arg7[%dma_wait3A_68] : memref<10000xi32, #tpu.memory_space<vmem>> -> memref<16xi32, #tpu.memory_space<vmem>>
    %dma_wait3A_70 = arith.constant 0 : i32
    %dma_wait3A_71 = arith.constant 0 : i32
    %dma_wait3A_72 = tpu.memref_slice %arg2[%dma_wait3A_70, %dma_wait3A_71] : memref<10000x128xf32, #tpu.memory_space<hbm>> -> memref<10000x128xf32, #tpu.memory_space<hbm>>
    tpu.wait_indirect_dma semaphore(%arg20 : memref<!tpu.dma_semaphore, #tpu.memory_space<semaphore_mem>>) src(%dma_wait3A_72 : memref<10000x128xf32, #tpu.memory_space<hbm>>) dst(%dma_wait3A_67 : memref<16x128xf32, #tpu.memory_space<vmem>>)
    "tpu.region"() ({
      %run_scoped3A = tpu.sem_alloc : memref<!tpu.dma_semaphore, #tpu.memory_space<semaphore_mem>>
      %dma_start3A_81 = arith.constant 0 : i32
      %dma_start3A_82 = arith.constant 0 : i32
      %dma_start3A_83 = tpu.memref_slice %arg12[%dma_start3A_81, %dma_start3A_82] : memref<128x128xf32, #tpu.memory_space<vmem>> -> memref<16x128xf32, #tpu.memory_space<vmem>>
      %dma_start3A_84 = arith.constant 0 : i32
      %dma_start3A_85 = arith.constant 0 : i32
      %dma_start3A_86 = tpu.memref_slice %arg13[%dma_start3A_84, %dma_start3A_85] : memref<10240x128xf32, #tpu.memory_space<vmem_shared>> -> memref<10240x128xf32, #tpu.memory_space<vmem_shared>>
      tpu.enqueue_indirect_dma source(%dma_start3A_83 : memref<16x128xf32, #tpu.memory_space<vmem>>) target(%dma_start3A_86 : memref<10240x128xf32, #tpu.memory_space<vmem_shared>>) offsets(%arg10 : memref<16xi32, #tpu.memory_space<vmem>>) semaphore(%run_scoped3A : memref<!tpu.dma_semaphore, #tpu.memory_space<semaphore_mem>>) {add = true}
      %dma_wait3A_87 = arith.constant 0 : i32
      %dma_wait3A_88 = arith.constant 0 : i32
      %dma_wait3A_89 = tpu.memref_slice %arg12[%dma_wait3A_87, %dma_wait3A_88] : memref<128x128xf32, #tpu.memory_space<vmem>> -> memref<16x128xf32, #tpu.memory_space<vmem>>
      %dma_wait3A_90 = arith.constant 0 : i32
      %dma_wait3A_91 = arith.constant 0 : i32
      %dma_wait3A_92 = tpu.memref_slice %arg13[%dma_wait3A_90, %dma_wait3A_91] : memref<10240x128xf32, #tpu.memory_space<vmem_shared>> -> memref<10240x128xf32, #tpu.memory_space<vmem_shared>>
      tpu.wait_indirect_dma semaphore(%run_scoped3A : memref<!tpu.dma_semaphore, #tpu.memory_space<semaphore_mem>>) src(%dma_wait3A_89 : memref<16x128xf32, #tpu.memory_space<vmem>>) dst(%dma_wait3A_92 : memref<10240x128xf32, #tpu.memory_space<vmem_shared>>)
      tpu.yield
    }) : () -> ()
    %barrier3A_73 = arith.constant 0 : index
    tpu.barrier barrier_id(%barrier3A_73)
    %eq3A = arith.constant 0 : i32
    %eq3A_74 = arith.cmpi eq, %arg0, %eq3A : i32
    %convert_element_type3A = arith.extui %eq3A_74 : i1 to i32
    %cond3A = arith.constant 0 : i32
    %cond3A_75 = arith.cmpi ne, %convert_element_type3A, %cond3A : i32
    scf.if %cond3A_75 {
      "tpu.region"() ({
        %run_scoped3A = tpu.sem_alloc : memref<!tpu.dma_semaphore, #tpu.memory_space<semaphore_mem>>
        %dma_start3A_81 = arith.constant 0 : i32
        %dma_start3A_82 = tpu.memref_slice %arg5[%mul3A_2, %dma_start3A_81] : memref<10240x128xf32, #tpu.memory_space<hbm>> -> memref<640x128xf32, #tpu.memory_space<hbm>>
        %dma_start3A_83 = arith.constant 0 : i32
        %dma_start3A_84 = tpu.memref_slice %arg13[%mul3A_2, %dma_start3A_83] : memref<10240x128xf32, #tpu.memory_space<vmem_shared>> -> memref<640x128xf32, #tpu.memory_space<vmem_shared>>
        tpu.enqueue_dma source(%dma_start3A_84 : memref<640x128xf32, #tpu.memory_space<vmem_shared>>) target(%dma_start3A_82 : memref<640x128xf32, #tpu.memory_space<hbm>>) target_semaphore(%run_scoped3A : memref<!tpu.dma_semaphore, #tpu.memory_space<semaphore_mem>>)
        %dma_wait3A_85 = arith.constant 0 : i32
        %dma_wait3A_86 = tpu.memref_slice %arg5[%mul3A_2, %dma_wait3A_85] : memref<10240x128xf32, #tpu.memory_space<hbm>> -> memref<640x128xf32, #tpu.memory_space<hbm>>
        %dma_wait3A_87 = arith.constant 0 : i32
        %dma_wait3A_88 = tpu.memref_slice %arg13[%mul3A_2, %dma_wait3A_87] : memref<10240x128xf32, #tpu.memory_space<vmem_shared>> -> memref<640x128xf32, #tpu.memory_space<vmem_shared>>
        tpu.wait_dma2 semaphore(%run_scoped3A : memref<!tpu.dma_semaphore, #tpu.memory_space<semaphore_mem>>) src(%dma_wait3A_88 : memref<640x128xf32, #tpu.memory_space<vmem_shared>>) dst(%dma_wait3A_86 : memref<640x128xf32, #tpu.memory_space<hbm>>)
        tpu.yield
      }) : () -> ()
    } else {
    }
    %eq3A_76 = arith.constant 1 : i32
    %eq3A_77 = arith.cmpi eq, %arg0, %eq3A_76 : i32
    %convert_element_type3A_78 = arith.extui %eq3A_77 : i1 to i32
    %cond3A_79 = arith.constant 0 : i32
    %cond3A_80 = arith.cmpi ne, %convert_element_type3A_78, %cond3A_79 : i32
    scf.if %cond3A_80 {
      "tpu.region"() ({
        %run_scoped3A = tpu.sem_alloc : memref<!tpu.dma_semaphore, #tpu.memory_space<semaphore_mem>>
        %dma_start3A_81 = arith.constant 0 : i32
        %dma_start3A_82 = tpu.memref_slice %arg6[%mul3A_2, %dma_start3A_81] : memref<10240x128xf32, #tpu.memory_space<hbm>> -> memref<640x128xf32, #tpu.memory_space<hbm>>
        %dma_start3A_83 = arith.constant 0 : i32
        %dma_start3A_84 = tpu.memref_slice %arg13[%mul3A_2, %dma_start3A_83] : memref<10240x128xf32, #tpu.memory_space<vmem_shared>> -> memref<640x128xf32, #tpu.memory_space<vmem_shared>>
        tpu.enqueue_dma source(%dma_start3A_84 : memref<640x128xf32, #tpu.memory_space<vmem_shared>>) target(%dma_start3A_82 : memref<640x128xf32, #tpu.memory_space<hbm>>) target_semaphore(%run_scoped3A : memref<!tpu.dma_semaphore, #tpu.memory_space<semaphore_mem>>)
        %dma_wait3A_85 = arith.constant 0 : i32
        %dma_wait3A_86 = tpu.memref_slice %arg6[%mul3A_2, %dma_wait3A_85] : memref<10240x128xf32, #tpu.memory_space<hbm>> -> memref<640x128xf32, #tpu.memory_space<hbm>>
        %dma_wait3A_87 = arith.constant 0 : i32
        %dma_wait3A_88 = tpu.memref_slice %arg13[%mul3A_2, %dma_wait3A_87] : memref<10240x128xf32, #tpu.memory_space<vmem_shared>> -> memref<640x128xf32, #tpu.memory_space<vmem_shared>>
        tpu.wait_dma2 semaphore(%run_scoped3A : memref<!tpu.dma_semaphore, #tpu.memory_space<semaphore_mem>>) src(%dma_wait3A_88 : memref<640x128xf32, #tpu.memory_space<vmem_shared>>) dst(%dma_wait3A_86 : memref<640x128xf32, #tpu.memory_space<hbm>>)
        tpu.yield
      }) : () -> ()
    } else {
    }
    return
  }
}

module attributes {stable_mosaic.version = 14 : i64} {
  func.func @body(%arg0: i32, %arg1: memref<2000x1xf32, #tpu.memory_space<vmem>>, %arg2: memref<2000x1xf32, #tpu.memory_space<vmem>>, %arg3: memref<2000x128xf32, #tpu.memory_space<vmem>>, %arg4: memref<2000x1xf32, #tpu.memory_space<vmem>>, %arg5: memref<2000x128xf32, #tpu.memory_space<vmem>>) attributes {dimension_semantics = [#tpu.dimension_semantics<arbitrary>], iteration_bounds = array<i64: 5>, scalar_prefetch = 0 : i64, scratch_operands = 0 : i64, tpu.core_type = #tpu.core_type<tc>, window_params = [{transform_indices = @transform_0, window_bounds = array<i64: 2000, 1>}, {transform_indices = @transform_1, window_bounds = array<i64: 2000, 1>}, {transform_indices = @transform_2, window_bounds = array<i64: 2000, 128>}, {transform_indices = @transform_3, window_bounds = array<i64: 2000, 1>}, {transform_indices = @transform_4, window_bounds = array<i64: 2000, 128>}]} {
    %get3A = arith.constant 0 : index
    %get3A_0 = arith.constant 0 : index
    %get3A_1 = vector.load %arg1[%get3A, %get3A_0] : memref<2000x1xf32, #tpu.memory_space<vmem>>, vector<2000x1xf32>
    %get3A_2 = arith.constant 0 : index
    %get3A_3 = arith.constant 0 : index
    %get3A_4 = vector.load %arg2[%get3A_2, %get3A_3] : memref<2000x1xf32, #tpu.memory_space<vmem>>, vector<2000x1xf32>
    %add3A = arith.addf %get3A_1, %get3A_4 : vector<2000x1xf32>
    %gt3A = arith.constant 0.000000e+00 : f32
    %gt3A_5 = vector.broadcast %gt3A : f32 to vector<2000x1xf32>
    %gt3A_6 = arith.cmpf ogt, %add3A, %gt3A_5 : vector<2000x1xf32>
    %rsqrt3A = math.rsqrt %add3A : vector<2000x1xf32>
    %jit3A = arith.constant 0.000000e+00 : f32
    %broadcast_in_dim3A = vector.broadcast %jit3A : f32 to vector<2000x1xf32>
    %select_n3A = arith.select %gt3A_6, %rsqrt3A, %broadcast_in_dim3A : vector<2000x1xi1>, vector<2000x1xf32>
    %swap3A = arith.constant 0 : index
    %swap3A_7 = arith.constant 0 : index
    %swap3A_8 = vector.load %arg4[%swap3A, %swap3A_7] : memref<2000x1xf32, #tpu.memory_space<vmem>>, vector<2000x1xf32>
    tpu.vector_store %arg4[%swap3A, %swap3A_7], %select_n3A {strides = array<i32>} : memref<2000x1xf32, #tpu.memory_space<vmem>>, vector<2000x1xf32>,
    %get3A_9 = arith.constant 0 : index
    %get3A_10 = arith.constant 0 : index
    %get3A_11 = vector.load %arg3[%get3A_9, %get3A_10] : memref<2000x128xf32, #tpu.memory_space<vmem>>, vector<2000x128xf32>
    %mul3A = vector.broadcast %select_n3A : vector<2000x1xf32> to vector<2000x128xf32>
    %mul3A_12 = arith.mulf %get3A_11, %mul3A : vector<2000x128xf32>
    %swap3A_13 = arith.constant 0 : index
    %swap3A_14 = arith.constant 0 : index
    %swap3A_15 = vector.load %arg5[%swap3A_13, %swap3A_14] : memref<2000x128xf32, #tpu.memory_space<vmem>>, vector<2000x128xf32>
    tpu.vector_store %arg5[%swap3A_13, %swap3A_14], %mul3A_12 {strides = array<i32>} : memref<2000x128xf32, #tpu.memory_space<vmem>>, vector<2000x128xf32>,
    return
  }
  func.func @transform_0(%arg0: i32) -> (i32, i32) {
    %c0_i32 = arith.constant 0 : i32
    %c0_i32_0 = arith.constant 0 : i32
    return %arg0, %c0_i32 : i32, i32
  }
  func.func @transform_1(%arg0: i32) -> (i32, i32) {
    %c0_i32 = arith.constant 0 : i32
    %c0_i32_0 = arith.constant 0 : i32
    return %arg0, %c0_i32 : i32, i32
  }
  func.func @transform_2(%arg0: i32) -> (i32, i32) {
    %c0_i32 = arith.constant 0 : i32
    %c0_i32_0 = arith.constant 0 : i32
    return %arg0, %c0_i32 : i32, i32
  }
  func.func @transform_3(%arg0: i32) -> (i32, i32) {
    %c0_i32 = arith.constant 0 : i32
    %c0_i32_0 = arith.constant 0 : i32
    return %arg0, %c0_i32 : i32, i32
  }
  func.func @transform_4(%arg0: i32) -> (i32, i32) {
    %c0_i32 = arith.constant 0 : i32
    %c0_i32_0 = arith.constant 0 : i32
    return %arg0, %c0_i32 : i32, i32
  }
}

module attributes {stable_mosaic.version = 14 : i64} {
  func.func @body(%arg0: i32, %arg1: memref<2000x128xf32, #tpu.memory_space<vmem>>, %arg2: memref<2000x128xf32, #tpu.memory_space<vmem>>, %arg3: memref<2000x1xf32, #tpu.memory_space<vmem>>, %arg4: memref<2000x128xf32, #tpu.memory_space<vmem>>) attributes {dimension_semantics = [#tpu.dimension_semantics<arbitrary>], iteration_bounds = array<i64: 5>, scalar_prefetch = 0 : i64, scratch_operands = 0 : i64, tpu.core_type = #tpu.core_type<tc>, window_params = [{transform_indices = @transform_0, window_bounds = array<i64: 2000, 128>}, {transform_indices = @transform_1, window_bounds = array<i64: 2000, 128>}, {transform_indices = @transform_2, window_bounds = array<i64: 2000, 1>}, {transform_indices = @transform_3, window_bounds = array<i64: 2000, 128>}]} {
    %get3A = arith.constant 0 : index
    %get3A_0 = arith.constant 0 : index
    %get3A_1 = vector.load %arg3[%get3A, %get3A_0] : memref<2000x1xf32, #tpu.memory_space<vmem>>, vector<2000x1xf32>
    %get3A_2 = arith.constant 0 : index
    %get3A_3 = arith.constant 0 : index
    %get3A_4 = vector.load %arg1[%get3A_2, %get3A_3] : memref<2000x128xf32, #tpu.memory_space<vmem>>, vector<2000x128xf32>
    %get3A_5 = arith.constant 0 : index
    %get3A_6 = arith.constant 0 : index
    %get3A_7 = vector.load %arg2[%get3A_5, %get3A_6] : memref<2000x128xf32, #tpu.memory_space<vmem>>, vector<2000x128xf32>
    %add3A = arith.addf %get3A_4, %get3A_7 : vector<2000x128xf32>
    %mul3A = arith.mulf %get3A_1, %get3A_1 : vector<2000x1xf32>
    %mul3A_8 = vector.broadcast %mul3A : vector<2000x1xf32> to vector<2000x128xf32>
    %mul3A_9 = arith.mulf %add3A, %mul3A_8 : vector<2000x128xf32>
    %swap3A = arith.constant 0 : index
    %swap3A_10 = arith.constant 0 : index
    %swap3A_11 = vector.load %arg4[%swap3A, %swap3A_10] : memref<2000x128xf32, #tpu.memory_space<vmem>>, vector<2000x128xf32>
    tpu.vector_store %arg4[%swap3A, %swap3A_10], %mul3A_9 {strides = array<i32>} : memref<2000x128xf32, #tpu.memory_space<vmem>>, vector<2000x128xf32>,
    return
  }
  func.func @transform_0(%arg0: i32) -> (i32, i32) {
    %c0_i32 = arith.constant 0 : i32
    %c0_i32_0 = arith.constant 0 : i32
    return %arg0, %c0_i32 : i32, i32
  }
  func.func @transform_1(%arg0: i32) -> (i32, i32) {
    %c0_i32 = arith.constant 0 : i32
    %c0_i32_0 = arith.constant 0 : i32
    return %arg0, %c0_i32 : i32, i32
  }
  func.func @transform_2(%arg0: i32) -> (i32, i32) {
    %c0_i32 = arith.constant 0 : i32
    %c0_i32_0 = arith.constant 0 : i32
    return %arg0, %c0_i32 : i32, i32
  }
  func.func @transform_3(%arg0: i32) -> (i32, i32) {
    %c0_i32 = arith.constant 0 : i32
    %c0_i32_0 = arith.constant 0 : i32
    return %arg0, %c0_i32 : i32, i32
  }
}

module attributes {stable_mosaic.version = 14 : i64} {
  func.func @body(%arg0: i32, %arg1: memref<2000x128xf32, #tpu.memory_space<vmem>>, %arg2: memref<2000x128xf32, #tpu.memory_space<vmem>>, %arg3: memref<2000x1xf32, #tpu.memory_space<vmem>>, %arg4: memref<128x128xf32, #tpu.memory_space<vmem>>, %arg5: memref<1x128xf32, #tpu.memory_space<vmem>>, %arg6: memref<2000x128xf32, #tpu.memory_space<vmem>>) attributes {dimension_semantics = [#tpu.dimension_semantics<arbitrary>], iteration_bounds = array<i64: 5>, scalar_prefetch = 0 : i64, scratch_operands = 0 : i64, tpu.core_type = #tpu.core_type<tc>, window_params = [{transform_indices = @transform_0, window_bounds = array<i64: 2000, 128>}, {transform_indices = @transform_1, window_bounds = array<i64: 2000, 128>}, {transform_indices = @transform_2, window_bounds = array<i64: 2000, 1>}, {pipeline_mode = #tpu.pipeline_mode<synchronous>, transform_indices = @transform_3, window_bounds = array<i64: 128, 128>}, {pipeline_mode = #tpu.pipeline_mode<synchronous>, transform_indices = @transform_4, window_bounds = array<i64: 1, 128>}, {transform_indices = @transform_5, window_bounds = array<i64: 2000, 128>}]} {
    %get3A = arith.constant 0 : index
    %get3A_0 = arith.constant 0 : index
    %get3A_1 = vector.load %arg1[%get3A, %get3A_0] : memref<2000x128xf32, #tpu.memory_space<vmem>>, vector<2000x128xf32>
    %get3A_2 = arith.constant 0 : index
    %get3A_3 = arith.constant 0 : index
    %get3A_4 = vector.load %arg2[%get3A_2, %get3A_3] : memref<2000x128xf32, #tpu.memory_space<vmem>>, vector<2000x128xf32>
    %add3A = arith.addf %get3A_1, %get3A_4 : vector<2000x128xf32>
    %get3A_5 = arith.constant 0 : index
    %get3A_6 = arith.constant 0 : index
    %get3A_7 = vector.load %arg3[%get3A_5, %get3A_6] : memref<2000x1xf32, #tpu.memory_space<vmem>>, vector<2000x1xf32>
    %mul3A = vector.broadcast %get3A_7 : vector<2000x1xf32> to vector<2000x128xf32>
    %mul3A_8 = arith.mulf %add3A, %mul3A : vector<2000x128xf32>
    %get3A_9 = arith.constant 0 : index
    %get3A_10 = arith.constant 0 : index
    %get3A_11 = vector.load %arg4[%get3A_9, %get3A_10] : memref<128x128xf32, #tpu.memory_space<vmem>>, vector<128x128xf32>
    %dot_general3A = arith.constant dense<0.000000e+00> : vector<2000x128xf32>
    %dot_general3A_12 = tpu.matmul %mul3A_8, %get3A_11, %dot_general3A {dimension_numbers = #tpu.dot_dimension_numbers<[1], [1], [0], [0], [0, 0, 1, 0], [], []>, transpose_lhs_hint = false} : vector<2000x128xf32>, vector<128x128xf32>, vector<2000x128xf32> -> vector<2000x128xf32>
    %get3A_13 = arith.constant 0 : index
    %get3A_14 = arith.constant 0 : index
    %get3A_15 = vector.load %arg5[%get3A_13, %get3A_14] : memref<1x128xf32, #tpu.memory_space<vmem>>, vector<1x128xf32>
    %add3A_16 = vector.broadcast %get3A_15 : vector<1x128xf32> to vector<2000x128xf32>
    %add3A_17 = arith.addf %dot_general3A_12, %add3A_16 : vector<2000x128xf32>
    %swap3A = arith.constant 0 : index
    %swap3A_18 = arith.constant 0 : index
    %swap3A_19 = vector.load %arg6[%swap3A, %swap3A_18] : memref<2000x128xf32, #tpu.memory_space<vmem>>, vector<2000x128xf32>
    tpu.vector_store %arg6[%swap3A, %swap3A_18], %add3A_17 {strides = array<i32>} : memref<2000x128xf32, #tpu.memory_space<vmem>>, vector<2000x128xf32>,
    return
  }
  func.func @transform_0(%arg0: i32) -> (i32, i32) {
    %c0_i32 = arith.constant 0 : i32
    %c0_i32_0 = arith.constant 0 : i32
    return %arg0, %c0_i32 : i32, i32
  }
  func.func @transform_1(%arg0: i32) -> (i32, i32) {
    %c0_i32 = arith.constant 0 : i32
    %c0_i32_0 = arith.constant 0 : i32
    return %arg0, %c0_i32 : i32, i32
  }
  func.func @transform_2(%arg0: i32) -> (i32, i32) {
    %c0_i32 = arith.constant 0 : i32
    %c0_i32_0 = arith.constant 0 : i32
    return %arg0, %c0_i32 : i32, i32
  }
  func.func @transform_3(%arg0: i32) -> (i32, i32) {
    %c0_i32 = arith.constant 0 : i32
    %c0_i32_0 = arith.constant 0 : i32
    %c0_i32_1 = arith.constant 0 : i32
    return %c0_i32, %c0_i32_0 : i32, i32
  }
  func.func @transform_4(%arg0: i32) -> (i32, i32) {
    %c0_i32 = arith.constant 0 : i32
    %c0_i32_0 = arith.constant 0 : i32
    %c0_i32_1 = arith.constant 0 : i32
    return %c0_i32, %c0_i32_0 : i32, i32
  }
  func.func @transform_5(%arg0: i32) -> (i32, i32) {
    %c0_i32 = arith.constant 0 : i32
    %c0_i32_0 = arith.constant 0 : i32
    return %arg0, %c0_i32 : i32, i32
  }
}

</mosaic_0001>

<sc_bundles>
// kernel: kernel.11.cloned.1.call-start
scs
__scs_entry_jumppad:
0x0: {  	(pc) =	sbr.rel $0x88, $3  }
0x1: {  	(tag) =	ssettag $0x0;
	lr =	simm.s32 $0x1  }
0x2: {  	[smem:$0x3F9D] =	sst lr;
	_ =	strace $0xD0000000  }
0x3: {  	_ = 	snop  }
0x4: {  	_ = 	snop  }
0x5: {  	_ = 	snop  }
0x6: {  	_ = 	snop  }
0x7: {  	_ = 	snop  }
__scs_overlays_trampoline_lowered:
0x8: {  	[smem:$0x3FAC] =	sst s0  }
0x9: {  	[smem:$0x3FAD] =	sst s1  }
0xa: {  	[smem:$0x3FAE] =	sst s2  }
0xb: {  	[smem:$0x3FAF] =	sst s3  }
0xc: {  	[smem:$0x3FB0] =	sst s4  }
0xd: {  	[smem:$0x3FB1] =	sst s5  }
0xe: {  	[smem:$0x3FB2] =	sst s6  }
0xf: {  	[smem:$0x3FB3] =	sst s7  }
0x10: {  	[smem:$0x3FB4] =	sst s8  }
0x11: {  	[smem:$0x3FB5] =	sst s9;
	s0 =	simm.s32 @!p0 $0x0  }
0x12: {  	s1 =	sld [smem:$0x3F9B];
	s0 =	simm.s32 @p0 $0x1  }
0x13: {  	[smem:$0x3FB6] =	sst s0;
	s0 =	simm.s32 @!p1 $0x0  }
0x14: {  	s2 =	sld [smem:$0x3F9A];
	s0 =	simm.s32 @p1 $0x1  }
0x15: {  	[smem:$0x3FB7] =	sst s0;
	s0 =	simm.s32 @!p2 $0x0  }
0x16: {  	s3 =	sld [smem:$0x3FDB];
	s0 =	simm.s32 @p2 $0x1  }
0x17: {  	s4 =	simm.s32 $0x1BF5;
	[smem:$0x3FB9] =	sst s0  }
0x18: {  	s0 =	sld [smem:$0x3F9C];
	_ =	swait.ge [sflag:s4], $0x0  }
0x19: {  	s7 =	sld [smem:$0x3F9D]  }
0x1a: {  	s8 =	sadd.s32 $0xFFFFE003, lr  }
0x1b: {  	s9 =	sadd.s32 $0xFFFFFEF7, lr;
	s5 =	simm.s32 $0xFFFFFFFF;
	p2 =	slt.u32 s8, $0xFFFFF086  }
0x1c: {  	p1 =	slt.u32 s9, $0xF7A;
	s5 =	simm.s32 @!p2 $0x0  }
0x1d: {  	s5 =	simm.s32 @p1 $0x1;
	p0 =	seq.s32 s7, s2  }
0x1e: {  	s7 =	smul.u32 @!p0 $0xF7A, s2;
	p2 =	seq.s32 @!p0 s5, $0x0  }
0x1f: {  	s9 =	smul.u32 $0xF7A, s1;
	s8 =	simm.s32 @!p0 $0x1BF5;
	p2 =	por !p2, p0  }
0x20: {  	[sflag:s8] =	ssyncset.s32 @!p0 $0xFFFFF086;
	s6 =	sadd.s32 @!p0 s3, s7;
	s7 =	simm.s32 @!p0 $0x108  }
0x21: {  	s3 =	sadd.s32 s3, s9;
	s6 =	sadd.s32 @!p0 $0x88, s6;
	s7 =	simm.s32 @p2 $0x1082  }
0x22: {  	[simem:s7], [sflag:s8] =	dma.local @!p0 [hbm:s6], $0xF7A  }
0x23: {  	s9 =	sor.u32 $0xD0000000, s2;
	s6 =	simm.s32 $0x108;
	_ =	swait.ge @!p0 [sflag:s8], $0x0  }
0x24: {  	s3 =	sadd.s32 $0x88, s3;
	s6 =	simm.s32 @!p1 $0x1082;
	[sflag:s4] =	ssyncset.s32 $0xFFFFF086  }
0x25: {  	[simem:s6], [sflag:s4] =	dma.local [hbm:s3], $0xF7A  }
0x26: {  	[smem:$0x3F9D] =	sst s1;
	(tag) =	ssettag s2;
	_ =	strace s9  }
0x27: {  	s1 =	sld [smem:$0x3FAD]  }
0x28: {  	s2 =	sld [smem:$0x3FAE]  }
0x29: {  	s4 =	sld [smem:$0x3FB0]  }
0x2a: {  	p0 =	seq.s32 s5, $0x0;
	s5 =	sld [smem:$0x3FB1]  }
0x2b: {  	s6 =	sld [smem:$0x3FB2]  }
0x2c: {  	s7 =	sld [smem:$0x3FB3]  }
0x2d: {  	s3 =	simm.s32 $0x108;
	s8 =	sld [smem:$0x3FB4]  }
0x2e: {  	s3 =	simm.s32 @!p0 $0x1082;
	s9 =	sld [smem:$0x3FB5]  }
0x2f: {  	lr =	sadd.s32 s0, s3;
	s0 =	sld [smem:$0x3FAC]  }
0x30: {  	s3 =	sld [smem:$0x3FAF]  }
0x31: {  	[smem:$0x3FB8] =	sst s10  }
0x32: {  	s10 =	sld [smem:$0x3FB6];
	_ =	sdelay $0x3  }
0x33: {  	p0 =	seq.s32 s10, $0x1;
	s10 =	sld [smem:$0x3FB8];
	_ =	sdelay $0x3  }
0x34: {  	[smem:$0x3FB8] =	sst s10  }
0x35: {  	s10 =	sld [smem:$0x3FB7];
	_ =	sdelay $0x3  }
0x36: {  	p1 =	seq.s32 s10, $0x1;
	s10 =	sld [smem:$0x3FB8];
	_ =	sdelay $0x3  }
0x37: {  	[smem:$0x3FB8] =	sst s10  }
0x38: {  	s10 =	sld [smem:$0x3FB9]  }
0x39: {  	_ = 	snop;
	(pc) =	sbr.ind lr, $3  }
0x3a: {  	_ = 	snop  }
0x3b: {  	_ = 	snop  }
0x3c: {  	p2 =	seq.s32 s10, $0x1;
	s10 =	sld [smem:$0x3FB8]  }
0x3d: {  	_ =	shalt  }
0x3e: {  	_ =	shalt  }
0x3f: {  	_ =	shalt  }
0x40: {  	_ =	shalt  }
0x41: {  	_ =	shalt  }
0x42: {  	_ =	shalt  }
0x43: {  	_ =	shalt  }
0x44: {  	_ =	shalt  }
0x45: {  	_ =	shalt  }
0x46: {  	_ =	shalt  }
0x47: {  	_ =	shalt  }
0x48: {  	_ =	shalt  }
0x49: {  	_ =	shalt  }
0x4a: {  	_ =	shalt  }
0x4b: {  	_ =	shalt  }
0x4c: {  	_ =	shalt  }
0x4d: {  	_ =	shalt  }
0x4e: {  	_ =	shalt  }
0x4f: {  	_ =	shalt  }
0x50: {  	_ =	shalt  }
0x51: {  	_ =	shalt  }
0x52: {  	_ =	shalt  }
0x53: {  	_ =	shalt  }
0x54: {  	_ =	shalt  }
0x55: {  	_ =	shalt  }
0x56: {  	_ =	shalt  }
0x57: {  	_ =	shalt  }
0x58: {  	_ =	shalt  }
0x59: {  	_ =	shalt  }
0x5a: {  	_ =	shalt  }
0x5b: {  	_ =	shalt  }
0x5c: {  	_ =	shalt  }
0x5d: {  	_ =	shalt  }
0x5e: {  	_ =	shalt  }
0x5f: {  	_ =	shalt  }
0x60: {  	_ =	shalt  }
0x61: {  	_ =	shalt  }
0x62: {  	_ =	shalt  }
0x63: {  	_ =	shalt  }
0x64: {  	_ =	shalt  }
0x65: {  	_ =	shalt  }
0x66: {  	_ =	shalt  }
0x67: {  	_ =	shalt  }
0x68: {  	_ =	shalt  }
0x69: {  	_ =	shalt  }
0x6a: {  	_ =	shalt  }
0x6b: {  	_ =	shalt  }
0x6c: {  	_ =	shalt  }
0x6d: {  	_ =	shalt  }
0x6e: {  	_ =	shalt  }
0x6f: {  	_ =	shalt  }
0x70: {  	_ =	shalt  }
0x71: {  	_ =	shalt  }
0x72: {  	_ =	shalt  }
0x73: {  	_ =	shalt  }
0x74: {  	_ =	shalt  }
0x75: {  	_ =	shalt  }
0x76: {  	_ =	shalt  }
0x77: {  	_ =	shalt  }
0x78: {  	_ =	shalt  }
0x79: {  	_ =	shalt  }
0x7a: {  	_ =	shalt  }
0x7b: {  	_ =	shalt  }
0x7c: {  	_ =	shalt  }
0x7d: {  	_ =	shalt  }
0x7e: {  	_ =	shalt  }
0x7f: {  	_ =	shalt  }
0x80: {  	_ =	shalt  }
0x81: {  	_ =	shalt  }
0x82: {  	_ =	shalt  }
0x83: {  	_ =	shalt  }
0x84: {  	_ =	shalt  }
0x85: {  	_ =	shalt  }
0x86: {  	_ =	shalt  }
0x87: {  	_ =	shalt  }
.Lfunc_end0:
.L_simem_size_0:
called_computation.1_lowered:
.L_overlay_start_0:
0x88: {  	s2 =	sld [smem:$0x3FD9]  }
0x89: {  	s3 =	sld [smem:$0x3FFE];
	_ =	sdelay $0x1  }
0x8a: {  	s1 =	srdreg.scid  }
0x8b: {  	s0 =	sand.u32 $0x1, s1  }
0x8c: {  	s17 =	sshll.u32 s0, $0xA;
	s2 =	sadd.s32 s3, s2  }
0x8d: {  	s2 =	sadd.s32 s2, s17  }
0x8e: {  	[smem:$0x3FC4] =	sst s2  }
0x8f: {  	_ = 	snop  }
0x90: {  	s2 =	sld [smem:$0x3FD0];
	(tm) =	ssettm $0x1  }
0x91: {  	s18 =	sld [smem:$0x3FFB];
	_ =	sdelay $0x3  }
0x92: {  	_ =	strace s18  }
0x93: {  	s3 =	sld [smem:$0x3FFC];
	_ =	sdelay $0x3  }
0x94: {  	_ =	strace s3  }
0x95: {  	s3 =	sld [smem:$0x3FFD];
	_ =	sdelay $0x3  }
0x96: {  	_ =	strace s3  }
0x97: {  	_ =	strace $0x8FFFFFFF  }
0x98: {  	s19 =	sld [smem:$0x3FDB];
	_ =	sdelay $0x1  }
0x99: {  	s4 =	simm.s32 $_scs_section_size  }
0x9a: {  	s5 =	simm.s32 $_size__tile_overlayer_lowered;
	s6 =	simm.s32 $_tile_overlayer_lowered  }
0x9b: {  	s22 =	simm.s32 $0x1BFF;
	s21 =	sshll.u32 s6, $0x1;
	s3 =	sadd.s32 s4, s19  }
0x9c: {  	s7 =	simm.s32 $0x0;
	s20 =	sshll.u32 s5, $0x1;
	s5 =	sadd.s32 s21, s3  }
0x9d: {  	[timem:s7], [sflag:s22] =	dma.local [hbm:s5], s20  }
0x9e: {  	_ =	swait.ge [sflag:s22], s20  }
0x9f: {  	s4 =	ssub.s32 $0x0, s20;
	[sflag:s22] =	ssyncset.done $0x0  }
0xa0: {  	[sflag:s22] =	ssyncadd.s32 s4;
	_ =	sdelay $0x1  }
0xa1: {  	s23 =	simm.s32 $0x1B8B  }
0xa2: {  	_ =	swait.ge [sflag:s23], $0x1  }
0xa3: {  	[sflag:s23] =	ssyncset.done $0x0  }
0xa4: {  	s25 =	simm.s32 $0x1B8E;
	s24 =	sld [smem:$0x3FFE];
	[sflag:s23] =	ssyncadd.s32 $0xFFFFFFFF  }
0xa5: {  	s26 =	simm.s32 $execute0_lowered;
	[smem:$0x3FD2] =	sst s25  }
0xa6: {  	s5 =	sshll.u32 s26, $0x1;
	_ =	strace $0x80000049;
	[dreg:$0x1] =	wrdreg $0xFFFFFFFF  }
0xa7: {  	s28 =	simm.s32 $_size_execute0_lowered;
	s3 =	sadd.s32 s3, s5;
	[dreg:$0x0] =	wrdreg $0x0  }
0xa8: {  	s5 =	sshll.u32 s28, $0x1;
	[dreg:$0x2] =	wrdreg s3  }
0xa9: {  	[dreg:$0x3] =	wrdreg s5  }
0xaa: {  	[dreg:$0x4] =	wrdreg $0xC0  }
0xab: {  	_ =	task [dreg:s7], $0x5FFFF  }
0xac: {  	[dreg:$0x1] =	wrdreg $0xFFFFFFFF  }
0xad: {  	[dreg:$0x0] =	wrdreg $0x60  }
0xae: {  	[dreg:$0x2] =	wrdreg s2  }
0xaf: {  	[dreg:$0x3] =	wrdreg s24  }
0xb0: {  	[dreg:$0x4] =	wrdreg $0xA9000  }
0xb1: {  	[dreg:$0x5] =	wrdreg $0x9  }
0xb2: {  	_ =	task.clear_ibuf [dreg:s7], $0x6FFFF;
	_ =	strace $0x90000049  }
0xb3: {  	s29 =	simm.s32 $0x9;
	_ =	strace $0x8000004B  }
0xb4: {  	_ =	swait.ge [sflag:s29], $0x1  }
0xb5: {  	[sflag:s29] =	ssyncadd.s32 $0xFFFFFFFF  }
0xb6: {  	_ =	strace $0x9000004B  }
0xb7: {  	_ =	sfence  }
0xb8: {  	s30 =	sld [smem:$0x0];
	_ =	sdelay $0x2  }
0xb9: {  	s31 =	sshll.u32 s1, $0xD;
	s1 =	sshrl.u32 s1, $0x2  }
0xba: {  	s3 =	sand.u32 $0x4000, s31;
	s1 =	sadd.s32 s1, s30  }
0xbb: {  	s0 =	sor.u32 s3, s0;
	s1 =	sshll.u32 s1, $0x11  }
0xbc: {  	s0 =	sor.u32 s1, s0  }
0xbd: {  	s0 =	sadd.s32 $0x8F2B, s0  }
0xbe: {  	[sflag:s0] =	ssyncadd.remote.s32 $0x1  }
0xbf: {  	_ =	sfence.sel $0xFFFF  }
0xc0: {  	[dreg:$0x0] =	wrdreg $0xFFFFFFFF;
	(pc) =	sbr.abs _section_cstart, $3  }
0xc1: {  	[dreg:$0x1] =	wrdreg $0xFFFFFFFF  }
0xc2: {  	_ =	task.clear_ibuf [dreg:s7], $0x2FFFF;
	_ =	strace $0x9FFFFFFF  }
0xc3: {  	(tm) =	ssettm $0x7FFFFFFF  }
tec
execute0_lowered:
.L_overlay_start_1:
0x0: {  	(tag) =	ssettag $0x1  }
0x1: {  	s1 =	rddreg [dreg:$0x0];
	s0 =	srdreg.scid  }
0x2: {  	s12 =	stileid.u32;
	s2 =	rddreg [dreg:$0x1]  }
0x3: {  	s3 =	rddreg [dreg:$0x2];
	s28 =	simm.s32 $0x1;
	s29 =	simm.s32 $0x5  }
0x4: {  	s31 =	simm.s32 $0x4;
	s30 =	simm.s32 $0x2880;
	s6 =	smul.u32 $0x50000, s12  }
0x5: {  	s0 =	sand.u32 $0x1, s0;
	s4 =	sshll.u32 s12, $0x1;
	s21 =	smul.u32 $0x2800, s12  }
0x6: {  	s24 =	smul.u32 $0x4E20, s12;
	s5 =	sor.u32 s0, s4;
	s4 =	simm.s32 $0x0  }
0x7: {  	s17 =	ssub.s32 $0x2, s0;
	p0 =	seq.s32 s0, $0x1;
	s0 =	smul.u32 $0x2710, s0  }
0x8: {  	s11 =	sadd.s32 $0xCC00, s2;
	s5 =	smul.u32 $0x2710, s5;
	[smem:$0x7FF] =	sst s4  }
0x9: {  	s9 =	sshrl.u32 s17, $0x1;
	s6 =	sshrl.u32 s6, $0x2;
	_ =	strace $0x8000004A  }
0xa: {  	s9 =	ssub.s32 s17, s9;
	s0 =	sadd.s32 s0, s24;
	s24 =	simm.s32 $0x6900  }
0xb: {  	s7 =	sshrl.u32 s5, $0x3;
	s5 =	sadd.s32 s6, s3;
	s25 =	smax.u32 s9, $0x1  }
0xc: {  	s8 =	sadd.s32 s7, s2;
	s6 =	sadd.s32 $0x4000, s5;
	[dreg:$0xa] =	wrdreg s25  }
0xd: {  	s18 =	sadd.s32 $0x8000, s5;
	s19 =	sadd.s32 $0xC000, s5;
	[dreg:$0x4] =	wrdreg s6  }
0xe: {  	s20 =	sadd.s32 $0x10000, s5;
	s10 =	sadd.s32 s11, s7;
	[dreg:$0x5] =	wrdreg s18  }
0xf: {  	s7 =	sadd.s32 $0x200, s0;
	s0 =	sadd.s32 $0x180, s0;
	[dreg:$0x6] =	wrdreg s19  }
0x10: {  	s25 =	simm.s32 $0x2800;
	[dreg:$0x7] =	wrdreg s20;
	s22 =	sadd.s32 $0x2E00, s8  }
0x11: {  	s23 =	sadd.s32 $0x4E0, s10;
	s14 =	sadd.s32 $0x10, s10;
	s15 =	sadd.s32 $0x20, s10  }
0x12: {  	s8 =	simm.s32 $0x3EA00;
	s16 =	sadd.s32 $0x4D0, s10;
	s26 =	sshrl.u32 s7, $0x3  }
0x13: {  	s0 =	sshrl.u32 s0, $0x3;
	s20 =	simm.s32 $0x2900;
	[dreg:$0x8] =	wrdreg s22  }
0x14: {  	s6 =	simm.s32 $0x10;
	s7 =	simm.s32 $0x7;
	[dreg:$0x9] =	wrdreg s23  }
0x15: {  	s8 =	simm.s32 @!p0 $0x16A00;
	s18 =	sadd.s32 s26, s11;
	s19 =	sadd.s32 s0, s11  }
0x16: {  	s22 =	simm.s32 $0x80;
	s23 =	simm.s32 $0x2780;
	s26 =	simm.s32 $0x3  }
0x17: {  	s0 =	simm.s32 $0x6;
	s2 =	sadd.s32 s8, s2;
	s8 =	simm.s32 $0x0  }
0x18: {  	v0 =	vimm.f32 $0.0e+00;
	s17 =	sadd.s32 s2, s21;
	s21 =	simm.s32 $0x8;
	s2 =	simm.s32 $0x2  }
.LBB2_1:
0x19: {  	s9 =	simm.s32 $0x0;
	s11 =	simm.s32 $0x200  }
.LBB2_2:
0x1a: {  	p0 =	sne.s32 s11, $0xFE00;
	[tilespmem:s9+$0x2970] =	vst v0  }
0x1b: {  	[tilespmem:s9+$0x2900] =	vst v0  }
0x1c: {  	[tilespmem:s9+$0x2910] =	vst v0  }
.Ltmp0:
0x1d: {  	[tilespmem:s9+$0x2920] =	vst v0;
	(pc) =	sbr.rel @p0 .LBB2_2-.Ltmp0, $4  }
0x1e: {  	[tilespmem:s9+$0x2930] =	vst v0  }
0x1f: {  	[tilespmem:s9+$0x2940] =	vst v0  }
0x20: {  	[tilespmem:s9+$0x2950] =	vst v0  }
0x21: {  	[tilespmem:s9+$0x2960] =	vst v0;
	s9 =	sshra.s32 s11, $0x2;
	s11 =	sadd.s32 $0x200, s11  }
0x22: {  	[tilespmem:s9+$0x2970] =	vst v0  }
0x23: {  	[tilespmem:s9+$0x2900] =	vst v0  }
0x24: {  	[tilespmem:s9+$0x2910] =	vst v0  }
0x25: {  	[tilespmem:s9+$0x2920] =	vst v0  }
0x26: {  	[tilespmem:s9+$0x2930] =	vst v0  }
0x27: {  	[tilespmem:s9+$0x2940] =	vst v0  }
0x28: {  	[tilespmem:s9+$0x2950] =	vst v0  }
0x29: {  	[tilespmem:s9+$0x2960] =	vst v0  }
0x2a: {  	[spmem:s5] =	stream.linear.scatter [tilespmem:s20], [sflag:$0x8], $0x4000, $0x38;
	[tilespmem:$0x1E900] =	vst v63  }
0x2b: {  	_ =	swait.ge [sflag:s21], $0x4000  }
0x2c: {  	[sflag:s21] =	ssyncset.done $0x0  }
0x2d: {  	s12 =	rddreg [dreg:$0x4];
	[sflag:s21] =	ssyncadd.s32 $0xFFFFC000  }
0x2e: {  	[spmem:s12] =	stream.linear.scatter [tilespmem:s20], [sflag:$0x8], $0x4000, $0x38;
	[tilespmem:$0x1E900] =	vst v63  }
0x2f: {  	_ =	swait.ge [sflag:s21], $0x4000  }
0x30: {  	[sflag:s21] =	ssyncset.done $0x0  }
0x31: {  	s13 =	rddreg [dreg:$0x5];
	[sflag:s21] =	ssyncadd.s32 $0xFFFFC000  }
0x32: {  	[spmem:s13] =	stream.linear.scatter [tilespmem:s20], [sflag:$0x8], $0x4000, $0x38;
	[tilespmem:$0x1E900] =	vst v63  }
0x33: {  	_ =	swait.ge [sflag:s21], $0x4000  }
0x34: {  	[sflag:s21] =	ssyncset.done $0x0  }
0x35: {  	s11 =	rddreg [dreg:$0x6];
	[sflag:s21] =	ssyncadd.s32 $0xFFFFC000  }
0x36: {  	[spmem:s11] =	stream.linear.scatter [tilespmem:s20], [sflag:$0x8], $0x4000, $0x38;
	[tilespmem:$0x1E900] =	vst v63  }
0x37: {  	_ =	swait.ge [sflag:s21], $0x4000  }
0x38: {  	[sflag:s21] =	ssyncset.done $0x0  }
0x39: {  	s12 =	rddreg [dreg:$0x7];
	[sflag:s21] =	ssyncadd.s32 $0xFFFFC000  }
0x3a: {  	[spmem:s12] =	stream.linear.scatter [tilespmem:s20], [sflag:$0x8], $0x4000, $0x38;
	[tilespmem:$0x1E900] =	vst v63  }
0x3b: {  	_ =	swait.ge [sflag:s21], $0x4000  }
0x3c: {  	[sflag:s21] =	ssyncset.done $0x0  }
0x3d: {  	s13 =	simm.s32 $0x0;
	s11 =	rddreg [dreg:$0x8];
	[sflag:s21] =	ssyncadd.s32 $0xFFFFC000  }
0x3e: {  	[tilespmem:s13], [sflag:$0x8] =	stream.linear.gather [hbm4b:s11+s13], $0x2710, $0x38;
	[tilespmem:$0x1E900] =	vst v63  }
0x3f: {  	_ =	swait.ge [sflag:s21], $0x2710  }
0x40: {  	[sflag:s21] =	ssyncset.done $0x0  }
0x41: {  	[sflag:s21] =	ssyncadd.s32 $0xFFFFD8F0  }
0x42: {  	[bflag:$0x0] =	sbarrier.arrive $0xFFFF  }
0x43: {  	[tilespmem:s20], [sflag:$0x1] =	stream.indirect.gather [hbm4b:s1+s22], $0x80, s13, s22, $0xb8;
	[tilespmem:$0x1E900] =	vst v63  }
0x44: {  	_ = 	snop  }
0x45: {  	[tilespmem:s23], [sflag:$0x3] =	stream.linear.gather [hbm4b:s10+s13], $0x80, $0x38;
	[tilespmem:$0x1E900] =	vst v63  }
0x46: {  	_ = 	snop  }
0x47: {  	[tilespmem:s24], [sflag:$0x2] =	stream.indirect.gather [hbm4b:s1+s22], $0x80, s22, s22, $0xb8;
	[tilespmem:$0x1E900] =	vst v63  }
0x48: {  	_ = 	snop  }
0x49: {  	[tilespmem:s25], [sflag:$0x4] =	stream.linear.gather [hbm4b:s14+s13], $0x80, $0x38;
	[tilespmem:$0x1E900] =	vst v63  }
0x4a: {  	_ =	swait.ge [sflag:s26], $0x80  }
0x4b: {  	[sflag:s26] =	ssyncset.done $0x0  }
0x4c: {  	[sflag:s26] =	ssyncadd.s32 $0xFFFFFF80  }
0x4d: {  	_ =	swait.ge [sflag:s28], $0x4000  }
0x4e: {  	[sflag:s28] =	ssyncset.done $0x0  }
0x4f: {  	[sflag:s28] =	ssyncadd.s32 $0xFFFFC000  }
0x50: {  	[spmem:s3] =	stream.indirect.scatter.add.f32 [tilespmem:s20], [sflag:$0x5], $0x80, s23, s22, $0xb8;
	[tilespmem:$0x1E900] =	vst v63  }
0x51: {  	_ =	swait.ge [sflag:s29], $0x4000  }
0x52: {  	[sflag:s29] =	ssyncset.done $0x0  }
0x53: {  	s12 =	simm.s32 $0x100;
	[sflag:s29] =	ssyncadd.s32 $0xFFFFC000  }
0x54: {  	[tilespmem:s20], [sflag:$0x1] =	stream.indirect.gather [hbm4b:s1+s22], $0x80, s12, s22, $0xb8;
	[tilespmem:$0x1E900] =	vst v63  }
0x55: {  	_ = 	snop  }
0x56: {  	[tilespmem:s23], [sflag:$0x3] =	stream.linear.gather [hbm4b:s15+s13], $0x80, $0x38;
	[tilespmem:$0x1E900] =	vst v63  }
0x57: {  	_ =	swait.ge [sflag:s31], $0x80  }
0x58: {  	[sflag:s31] =	ssyncset.done $0x0  }
0x59: {  	[sflag:s31] =	ssyncadd.s32 $0xFFFFFF80  }
0x5a: {  	_ =	swait.ge [sflag:s2], $0x4000  }
0x5b: {  	[sflag:s2] =	ssyncset.done $0x0  }
0x5c: {  	[sflag:s2] =	ssyncadd.s32 $0xFFFFC000  }
0x5d: {  	[spmem:s3] =	stream.indirect.scatter.add.f32 [tilespmem:s24], [sflag:$0x6], $0x80, s25, s22, $0xb8;
	[tilespmem:$0x1E900] =	vst v63  }
0x5e: {  	_ =	swait.ge [sflag:s0], $0x4000  }
0x5f: {  	[sflag:s0] =	ssyncset.done $0x0  }
0x60: {  	s13 =	simm.s32 $0x180;
	[sflag:s0] =	ssyncadd.s32 $0xFFFFC000  }
0x61: {  	[tilespmem:s24], [sflag:$0x2] =	stream.indirect.gather [hbm4b:s1+s22], $0x80, s13, s22, $0xb8;
	[tilespmem:$0x1E900] =	vst v63  }
0x62: {  	s11 =	sadd.s32 $0x0, s19  }
0x63: {  	[tilespmem:s25], [sflag:$0x4] =	stream.linear.gather [hbm4b:s11+s4], $0x80, $0x38;
	[tilespmem:$0x1E900] =	vst v63  }
0x64: {  	_ =	swait.ge [sflag:s26], $0x80  }
0x65: {  	[sflag:s26] =	ssyncset.done $0x0  }
0x66: {  	[sflag:s26] =	ssyncadd.s32 $0xFFFFFF80  }
0x67: {  	_ =	swait.ge [sflag:s28], $0x4000  }
0x68: {  	[sflag:s28] =	ssyncset.done $0x0  }
0x69: {  	[sflag:s28] =	ssyncadd.s32 $0xFFFFC000  }
0x6a: {  	[spmem:s3] =	stream.indirect.scatter.add.f32 [tilespmem:s20], [sflag:$0x5], $0x80, s23, s22, $0xb8;
	[tilespmem:$0x1E900] =	vst v63  }
0x6b: {  	_ =	swait.ge [sflag:s29], $0x4000  }
0x6c: {  	[sflag:s29] =	ssyncset.done $0x0  }
0x6d: {  	s12 =	simm.s32 $0x200;
	[sflag:s29] =	ssyncadd.s32 $0xFFFFC000  }
0x6e: {  	[tilespmem:s20], [sflag:$0x1] =	stream.indirect.gather [hbm4b:s1+s22], $0x80, s12, s22, $0xb8;
	[tilespmem:$0x1E900] =	vst v63  }
0x6f: {  	s13 =	sadd.s32 $0x0, s18  }
0x70: {  	[tilespmem:s23], [sflag:$0x3] =	stream.linear.gather [hbm4b:s13+s4], $0x80, $0x38;
	[tilespmem:$0x1E900] =	vst v63  }
0x71: {  	_ =	swait.ge [sflag:s31], $0x80  }
0x72: {  	[sflag:s31] =	ssyncset.done $0x0  }
0x73: {  	[sflag:s31] =	ssyncadd.s32 $0xFFFFFF80  }
0x74: {  	_ =	swait.ge [sflag:s2], $0x4000  }
0x75: {  	[sflag:s2] =	ssyncset.done $0x0  }
0x76: {  	s9 =	simm.s32 $0x20;
	s11 =	simm.s32 $0x300;
	[sflag:s2] =	ssyncadd.s32 $0xFFFFC000  }
.LBB2_4:
0x77: {  	[spmem:s3] =	stream.indirect.scatter.add.f32 [tilespmem:s24], [sflag:$0x6], $0x80, s25, s22, $0xb8;
	[tilespmem:$0x1E900] =	vst v63  }
0x78: {  	s12 =	smov.u32 s9  }
0x79: {  	p0 =	sne.s32 s9, $0x480;
	s9 =	sadd.s32 $0x20, s9;
	_ =	swait.ge [sflag:s0], $0x4000  }
0x7a: {  	[sflag:s0] =	ssyncset.done $0x0  }
0x7b: {  	s13 =	sadd.s32 $0xFFFFFF80, s11;
	[sflag:s0] =	ssyncadd.s32 $0xFFFFC000  }
0x7c: {  	[tilespmem:s24], [sflag:$0x2] =	stream.indirect.gather [hbm4b:s1+s22], $0x80, s13, s22, $0xb8;
	[tilespmem:$0x1E900] =	vst v63  }
0x7d: {  	s13 =	sadd.s32 s12, s19  }
0x7e: {  	[tilespmem:s25], [sflag:$0x4] =	stream.linear.gather [hbm4b:s13+s4], $0x80, $0x38;
	[tilespmem:$0x1E900] =	vst v63  }
0x7f: {  	_ =	swait.ge [sflag:s26], $0x80  }
0x80: {  	[sflag:s26] =	ssyncset.done $0x0  }
0x81: {  	[sflag:s26] =	ssyncadd.s32 $0xFFFFFF80  }
0x82: {  	_ =	swait.ge [sflag:s28], $0x4000  }
0x83: {  	[sflag:s28] =	ssyncset.done $0x0  }
0x84: {  	[sflag:s28] =	ssyncadd.s32 $0xFFFFC000  }
0x85: {  	[spmem:s3] =	stream.indirect.scatter.add.f32 [tilespmem:s20], [sflag:$0x5], $0x80, s23, s22, $0xb8;
	[tilespmem:$0x1E900] =	vst v63  }
0x86: {  	_ =	swait.ge [sflag:s29], $0x4000  }
0x87: {  	[sflag:s29] =	ssyncset.done $0x0  }
0x88: {  	[sflag:s29] =	ssyncadd.s32 $0xFFFFC000  }
0x89: {  	[tilespmem:s20], [sflag:$0x1] =	stream.indirect.gather [hbm4b:s1+s22], $0x80, s11, s22, $0xb8;
	[tilespmem:$0x1E900] =	vst v63  }
0x8a: {  	s12 =	sadd.s32 s12, s18  }
0x8b: {  	[tilespmem:s23], [sflag:$0x3] =	stream.linear.gather [hbm4b:s12+s4], $0x80, $0x38;
	[tilespmem:$0x1E900] =	vst v63  }
0x8c: {  	_ =	swait.ge [sflag:s31], $0x80  }
.Ltmp1:
0x8d: {  	[sflag:s31] =	ssyncset.done $0x0;
	(pc) =	sbr.rel @p0 .LBB2_4-.Ltmp1, $4  }
0x8e: {  	[sflag:s31] =	ssyncadd.s32 $0xFFFFFF80  }
0x8f: {  	_ =	swait.ge [sflag:s2], $0x4000  }
0x90: {  	[sflag:s2] =	ssyncset.done $0x0  }
0x91: {  	s11 =	sadd.s32 $0x100, s11;
	[sflag:s2] =	ssyncadd.s32 $0xFFFFC000  }
0x92: {  	[spmem:s3] =	stream.indirect.scatter.add.f32 [tilespmem:s24], [sflag:$0x6], $0x80, s25, s22, $0xb8;
	[tilespmem:$0x1E900] =	vst v63  }
0x93: {  	_ =	swait.ge [sflag:s0], $0x4000  }
0x94: {  	[sflag:s0] =	ssyncset.done $0x0  }
0x95: {  	s9 =	simm.s32 $0x2680;
	[sflag:s0] =	ssyncadd.s32 $0xFFFFC000  }
0x96: {  	[tilespmem:s24], [sflag:$0x2] =	stream.indirect.gather [hbm4b:s1+s22], $0x80, s9, s22, $0xb8;
	[tilespmem:$0x1E900] =	vst v63  }
0x97: {  	_ = 	snop  }
0x98: {  	[tilespmem:s25], [sflag:$0x4] =	stream.linear.gather [hbm4b:s16+s4], $0x80, $0x38;
	[tilespmem:$0x1E900] =	vst v63  }
0x99: {  	_ =	swait.ge [sflag:s26], $0x80  }
0x9a: {  	[sflag:s26] =	ssyncset.done $0x0  }
0x9b: {  	[sflag:s26] =	ssyncadd.s32 $0xFFFFFF80  }
0x9c: {  	_ =	swait.ge [sflag:s28], $0x4000  }
0x9d: {  	[sflag:s28] =	ssyncset.done $0x0  }
0x9e: {  	[sflag:s28] =	ssyncadd.s32 $0xFFFFC000  }
0x9f: {  	[spmem:s3] =	stream.indirect.scatter.add.f32 [tilespmem:s20], [sflag:$0x5], $0x80, s23, s22, $0xb8;
	[tilespmem:$0x1E900] =	vst v63  }
0xa0: {  	_ =	swait.ge [sflag:s29], $0x4000  }
0xa1: {  	[sflag:s29] =	ssyncset.done $0x0  }
0xa2: {  	[sflag:s29] =	ssyncadd.s32 $0xFFFFC000  }
0xa3: {  	[tilespmem:s20], [sflag:$0x1] =	stream.indirect.gather [hbm4b:s1+s22], $0x80, s4, s22, $0xb8;
	[tilespmem:$0x1E900] =	vst v63  }
0xa4: {  	_ = 	snop  }
0xa5: {  	[tilespmem:s23], [sflag:$0x3] =	stream.linear.gather [hbm4b:s10+s4], $0x80, $0x38;
	[tilespmem:$0x1E900] =	vst v63  }
0xa6: {  	_ =	swait.ge [sflag:s31], $0x80  }
0xa7: {  	[sflag:s31] =	ssyncset.done $0x0  }
0xa8: {  	[sflag:s31] =	ssyncadd.s32 $0xFFFFFF80  }
0xa9: {  	_ =	swait.ge [sflag:s2], $0x4000  }
0xaa: {  	[sflag:s2] =	ssyncset.done $0x0  }
0xab: {  	[sflag:s2] =	ssyncadd.s32 $0xFFFFC000  }
0xac: {  	[spmem:s3] =	stream.indirect.scatter.add.f32 [tilespmem:s24], [sflag:$0x6], $0x80, s25, s22, $0xb8;
	[tilespmem:$0x1E900] =	vst v63  }
0xad: {  	_ =	swait.ge [sflag:s0], $0x4000  }
0xae: {  	[sflag:s0] =	ssyncset.done $0x0  }
0xaf: {  	[sflag:s0] =	ssyncadd.s32 $0xFFFFC000  }
0xb0: {  	_ =	swait.ge [sflag:s26], $0x80  }
0xb1: {  	[sflag:s26] =	ssyncset.done $0x0  }
0xb2: {  	[sflag:s26] =	ssyncadd.s32 $0xFFFFFF80  }
0xb3: {  	_ =	swait.ge [sflag:s28], $0x4000  }
0xb4: {  	[sflag:s28] =	ssyncset.done $0x0  }
0xb5: {  	s13 =	rddreg [dreg:$0x9];
	[sflag:s28] =	ssyncadd.s32 $0xFFFFC000  }
0xb6: {  	[tilespmem:s30], [sflag:$0x8] =	stream.linear.gather [hbm4b:s13+s4], $0x10, $0x38;
	[tilespmem:$0x1E900] =	vst v63  }
0xb7: {  	_ =	swait.ge [sflag:s21], $0x10  }
0xb8: {  	[sflag:s21] =	ssyncset.done $0x0  }
0xb9: {  	s11 =	simm.s32 $0x2700;
	[sflag:s21] =	ssyncadd.s32 $0xFFFFFFF0  }
0xba: {  	[tilespmem:s24], [sflag:$0x7] =	stream.indirect.gather [hbm4b:s1+s6], $0x80, s11, s6, $0xb8;
	[tilespmem:$0x1E900] =	vst v63  }
0xbb: {  	_ =	swait.ge [sflag:s7], $0x800  }
0xbc: {  	[sflag:s7] =	ssyncset.done $0x0  }
0xbd: {  	[sflag:s7] =	ssyncadd.s32 $0xFFFFF800  }
0xbe: {  	[spmem:s3] =	stream.indirect.scatter.add.f32 [tilespmem:s24], [sflag:$0x8], $0x80, s30, s6, $0xb8;
	[tilespmem:$0x1E900] =	vst v63  }
0xbf: {  	_ =	swait.ge [sflag:s21], $0x800  }
0xc0: {  	s12 =	stileid.u32;
	[sflag:s21] =	ssyncset.done $0x0  }
0xc1: {  	s9 =	sshll.u32 s12, $0x6;
	[sflag:s21] =	ssyncadd.s32 $0xFFFFF800  }
0xc2: {  	s9 =	sor.u32 $0x1C08, s9;
	s11 =	sshrl.u32 s5, $0x3;
	[bflag:$0x0] =	sbarrier.arrive $0xFFFF  }
0xc3: {  	[hbm:s17], [sflag:s9] =	dma.local [spmem:s11], $0x2800  }
0xc4: {  	_ =	swait.ge [sflag:s21], $0x2800  }
0xc5: {  	s8 =	sadd.s32 $0x1, s8;
	s13 =	rddreg [dreg:$0xa]  }
0xc6: {  	p0 =	sne.s32 s8, s13  }
.Ltmp2:
0xc7: {  	_ = 	snop;
	(pc) =	sbr.rel @p0 .LBB2_1-.Ltmp2, $3  }
0xc8: {  	_ =	sdelay $0x1  }
0xc9: {  	[sflag:s21] =	ssyncset.done $0x0  }
0xca: {  	[sflag:s21] =	ssyncadd.s32 $0xFFFFD800  }
0xcb: {  	_ =	sfence.sel $0x180000  }
0xcc: {  	[bflag:$0x0] =	sbarrier.arrive $0xFFFF  }
0xcd: {  	_ =	strace $0x9000004A  }
0xce: {  	s0 =	stileid.u32;
	[bflag:$0x2] =	sbarrier.arrive $0xFFFF  }
0xcf: {  	p0 =	sne.s32 s0, $0x0;
	s0 =	rddreg [dreg:$0x3]  }
0xd0: {  	s0 =	sadd.s32 @!p0 $0x100000, s0  }
0xd1: {  	[sflag:s0] =	ssyncadd.tile.s32 @!p0 $0x1;
	_ =	shalt  }
.Lfunc_end2:
_tile_overlayer_lowered:
.L_overlay_start_2:
0xd2: {  	(tag) =	ssettag $0x2  }
0xd3: {  	s0 =	rddreg [dreg:$0x0];
	s2 =	stileid.u32  }
0xd4: {  	s1 =	rddreg [dreg:$0x1];
	p0 =	sne.s32 s2, $0x0  }
0xd5: {  	s3 =	rddreg [dreg:$0x2];
	[bflag:$0x3] =	sbarrier.arrive $0xFFFF;
	s2 =	simm.s32 @!p0 $0x1C08  }
0xd6: {  	[timem:s3], [sflag:s2] =	dma.local @!p0 [hbm:s0], s1  }
0xd7: {  	s0 =	simm.s32 @!p0 $0x8  }
0xd8: {  	_ =	swait.ge @!p0 [sflag:s0], s1  }
0xd9: {  	s1 =	ssub.s32 @!p0 $0x0, s1;
	[sflag:s0] =	ssyncset.done @!p0 $0x0  }
0xda: {  	[sflag:s0] =	ssyncadd.s32 @!p0 s1  }
0xdb: {  	[bflag:$0x3] =	sbarrier.arrive $0xFFFF  }
0xdc: {  	_ =	shalt  }

// kernel: kernel.14.cloned.1.call-start
scs
__scs_entry_jumppad:
0x0: {  	(pc) =	sbr.rel $0x88, $3  }
0x1: {  	(tag) =	ssettag $0x0;
	lr =	simm.s32 $0x1  }
0x2: {  	[smem:$0x3F9D] =	sst lr;
	_ =	strace $0xD0000000  }
0x3: {  	_ = 	snop  }
0x4: {  	_ = 	snop  }
0x5: {  	_ = 	snop  }
0x6: {  	_ = 	snop  }
0x7: {  	_ = 	snop  }
__scs_overlays_trampoline_lowered:
0x8: {  	[smem:$0x3FAC] =	sst s0  }
0x9: {  	[smem:$0x3FAD] =	sst s1  }
0xa: {  	[smem:$0x3FAE] =	sst s2  }
0xb: {  	[smem:$0x3FAF] =	sst s3  }
0xc: {  	[smem:$0x3FB0] =	sst s4  }
0xd: {  	[smem:$0x3FB1] =	sst s5  }
0xe: {  	[smem:$0x3FB2] =	sst s6  }
0xf: {  	[smem:$0x3FB3] =	sst s7  }
0x10: {  	[smem:$0x3FB4] =	sst s8  }
0x11: {  	[smem:$0x3FB5] =	sst s9;
	s0 =	simm.s32 @!p0 $0x0  }
0x12: {  	s1 =	sld [smem:$0x3F9B];
	s0 =	simm.s32 @p0 $0x1  }
0x13: {  	[smem:$0x3FB6] =	sst s0;
	s0 =	simm.s32 @!p1 $0x0  }
0x14: {  	s2 =	sld [smem:$0x3F9A];
	s0 =	simm.s32 @p1 $0x1  }
0x15: {  	[smem:$0x3FB7] =	sst s0;
	s0 =	simm.s32 @!p2 $0x0  }
0x16: {  	s3 =	sld [smem:$0x3FDB];
	s0 =	simm.s32 @p2 $0x1  }
0x17: {  	s4 =	simm.s32 $0x1BF5;
	[smem:$0x3FB9] =	sst s0  }
0x18: {  	s0 =	sld [smem:$0x3F9C];
	_ =	swait.ge [sflag:s4], $0x0  }
0x19: {  	s7 =	sld [smem:$0x3F9D]  }
0x1a: {  	s8 =	sadd.s32 $0xFFFFE003, lr  }
0x1b: {  	s9 =	sadd.s32 $0xFFFFFEF7, lr;
	s5 =	simm.s32 $0xFFFFFFFF;
	p2 =	slt.u32 s8, $0xFFFFF086  }
0x1c: {  	p1 =	slt.u32 s9, $0xF7A;
	s5 =	simm.s32 @!p2 $0x0  }
0x1d: {  	s5 =	simm.s32 @p1 $0x1;
	p0 =	seq.s32 s7, s2  }
0x1e: {  	s7 =	smul.u32 @!p0 $0xF7A, s2;
	p2 =	seq.s32 @!p0 s5, $0x0  }
0x1f: {  	s9 =	smul.u32 $0xF7A, s1;
	s8 =	simm.s32 @!p0 $0x1BF5;
	p2 =	por !p2, p0  }
0x20: {  	[sflag:s8] =	ssyncset.s32 @!p0 $0xFFFFF086;
	s6 =	sadd.s32 @!p0 s3, s7;
	s7 =	simm.s32 @!p0 $0x108  }
0x21: {  	s3 =	sadd.s32 s3, s9;
	s6 =	sadd.s32 @!p0 $0x88, s6;
	s7 =	simm.s32 @p2 $0x1082  }
0x22: {  	[simem:s7], [sflag:s8] =	dma.local @!p0 [hbm:s6], $0xF7A  }
0x23: {  	s9 =	sor.u32 $0xD0000000, s2;
	s6 =	simm.s32 $0x108;
	_ =	swait.ge @!p0 [sflag:s8], $0x0  }
0x24: {  	s3 =	sadd.s32 $0x88, s3;
	s6 =	simm.s32 @!p1 $0x1082;
	[sflag:s4] =	ssyncset.s32 $0xFFFFF086  }
0x25: {  	[simem:s6], [sflag:s4] =	dma.local [hbm:s3], $0xF7A  }
0x26: {  	[smem:$0x3F9D] =	sst s1;
	(tag) =	ssettag s2;
	_ =	strace s9  }
0x27: {  	s1 =	sld [smem:$0x3FAD]  }
0x28: {  	s2 =	sld [smem:$0x3FAE]  }
0x29: {  	s4 =	sld [smem:$0x3FB0]  }
0x2a: {  	p0 =	seq.s32 s5, $0x0;
	s5 =	sld [smem:$0x3FB1]  }
0x2b: {  	s6 =	sld [smem:$0x3FB2]  }
0x2c: {  	s7 =	sld [smem:$0x3FB3]  }
0x2d: {  	s3 =	simm.s32 $0x108;
	s8 =	sld [smem:$0x3FB4]  }
0x2e: {  	s3 =	simm.s32 @!p0 $0x1082;
	s9 =	sld [smem:$0x3FB5]  }
0x2f: {  	lr =	sadd.s32 s0, s3;
	s0 =	sld [smem:$0x3FAC]  }
0x30: {  	s3 =	sld [smem:$0x3FAF]  }
0x31: {  	[smem:$0x3FB8] =	sst s10  }
0x32: {  	s10 =	sld [smem:$0x3FB6];
	_ =	sdelay $0x3  }
0x33: {  	p0 =	seq.s32 s10, $0x1;
	s10 =	sld [smem:$0x3FB8];
	_ =	sdelay $0x3  }
0x34: {  	[smem:$0x3FB8] =	sst s10  }
0x35: {  	s10 =	sld [smem:$0x3FB7];
	_ =	sdelay $0x3  }
0x36: {  	p1 =	seq.s32 s10, $0x1;
	s10 =	sld [smem:$0x3FB8];
	_ =	sdelay $0x3  }
0x37: {  	[smem:$0x3FB8] =	sst s10  }
0x38: {  	s10 =	sld [smem:$0x3FB9]  }
0x39: {  	_ = 	snop;
	(pc) =	sbr.ind lr, $3  }
0x3a: {  	_ = 	snop  }
0x3b: {  	_ = 	snop  }
0x3c: {  	p2 =	seq.s32 s10, $0x1;
	s10 =	sld [smem:$0x3FB8]  }
0x3d: {  	_ =	shalt  }
0x3e: {  	_ =	shalt  }
0x3f: {  	_ =	shalt  }
0x40: {  	_ =	shalt  }
0x41: {  	_ =	shalt  }
0x42: {  	_ =	shalt  }
0x43: {  	_ =	shalt  }
0x44: {  	_ =	shalt  }
0x45: {  	_ =	shalt  }
0x46: {  	_ =	shalt  }
0x47: {  	_ =	shalt  }
0x48: {  	_ =	shalt  }
0x49: {  	_ =	shalt  }
0x4a: {  	_ =	shalt  }
0x4b: {  	_ =	shalt  }
0x4c: {  	_ =	shalt  }
0x4d: {  	_ =	shalt  }
0x4e: {  	_ =	shalt  }
0x4f: {  	_ =	shalt  }
0x50: {  	_ =	shalt  }
0x51: {  	_ =	shalt  }
0x52: {  	_ =	shalt  }
0x53: {  	_ =	shalt  }
0x54: {  	_ =	shalt  }
0x55: {  	_ =	shalt  }
0x56: {  	_ =	shalt  }
0x57: {  	_ =	shalt  }
0x58: {  	_ =	shalt  }
0x59: {  	_ =	shalt  }
0x5a: {  	_ =	shalt  }
0x5b: {  	_ =	shalt  }
0x5c: {  	_ =	shalt  }
0x5d: {  	_ =	shalt  }
0x5e: {  	_ =	shalt  }
0x5f: {  	_ =	shalt  }
0x60: {  	_ =	shalt  }
0x61: {  	_ =	shalt  }
0x62: {  	_ =	shalt  }
0x63: {  	_ =	shalt  }
0x64: {  	_ =	shalt  }
0x65: {  	_ =	shalt  }
0x66: {  	_ =	shalt  }
0x67: {  	_ =	shalt  }
0x68: {  	_ =	shalt  }
0x69: {  	_ =	shalt  }
0x6a: {  	_ =	shalt  }
0x6b: {  	_ =	shalt  }
0x6c: {  	_ =	shalt  }
0x6d: {  	_ =	shalt  }
0x6e: {  	_ =	shalt  }
0x6f: {  	_ =	shalt  }
0x70: {  	_ =	shalt  }
0x71: {  	_ =	shalt  }
0x72: {  	_ =	shalt  }
0x73: {  	_ =	shalt  }
0x74: {  	_ =	shalt  }
0x75: {  	_ =	shalt  }
0x76: {  	_ =	shalt  }
0x77: {  	_ =	shalt  }
0x78: {  	_ =	shalt  }
0x79: {  	_ =	shalt  }
0x7a: {  	_ =	shalt  }
0x7b: {  	_ =	shalt  }
0x7c: {  	_ =	shalt  }
0x7d: {  	_ =	shalt  }
0x7e: {  	_ =	shalt  }
0x7f: {  	_ =	shalt  }
0x80: {  	_ =	shalt  }
0x81: {  	_ =	shalt  }
0x82: {  	_ =	shalt  }
0x83: {  	_ =	shalt  }
0x84: {  	_ =	shalt  }
0x85: {  	_ =	shalt  }
0x86: {  	_ =	shalt  }
0x87: {  	_ =	shalt  }
.Lfunc_end0:
.L_simem_size_0:
called_computation.2_lowered:
.L_overlay_start_0:
0x88: {  	s2 =	sld [smem:$0x3FD9]  }
0x89: {  	s3 =	sld [smem:$0x3FFE];
	_ =	sdelay $0x1  }
0x8a: {  	s1 =	srdreg.scid  }
0x8b: {  	s0 =	sand.u32 $0x1, s1  }
0x8c: {  	s17 =	sshll.u32 s0, $0xA;
	s2 =	sadd.s32 s3, s2  }
0x8d: {  	s2 =	sadd.s32 s2, s17  }
0x8e: {  	[smem:$0x3FC4] =	sst s2  }
0x8f: {  	_ = 	snop  }
0x90: {  	s2 =	sld [smem:$0x3FD0];
	(tm) =	ssettm $0x1  }
0x91: {  	s18 =	sld [smem:$0x3FFB];
	_ =	sdelay $0x3  }
0x92: {  	_ =	strace s18  }
0x93: {  	s3 =	sld [smem:$0x3FFC];
	_ =	sdelay $0x3  }
0x94: {  	_ =	strace s3  }
0x95: {  	s3 =	sld [smem:$0x3FFD];
	_ =	sdelay $0x3  }
0x96: {  	_ =	strace s3  }
0x97: {  	_ =	strace $0x8FFFFFFF  }
0x98: {  	s19 =	sld [smem:$0x3FDB];
	_ =	sdelay $0x1  }
0x99: {  	s4 =	simm.s32 $_scs_section_size  }
0x9a: {  	s5 =	simm.s32 $_size__tile_overlayer_lowered;
	s6 =	simm.s32 $_tile_overlayer_lowered  }
0x9b: {  	s22 =	simm.s32 $0x1BFF;
	s21 =	sshll.u32 s6, $0x1;
	s3 =	sadd.s32 s4, s19  }
0x9c: {  	s7 =	simm.s32 $0x0;
	s20 =	sshll.u32 s5, $0x1;
	s5 =	sadd.s32 s21, s3  }
0x9d: {  	[timem:s7], [sflag:s22] =	dma.local [hbm:s5], s20  }
0x9e: {  	_ =	swait.ge [sflag:s22], s20  }
0x9f: {  	s4 =	ssub.s32 $0x0, s20;
	[sflag:s22] =	ssyncset.done $0x0  }
0xa0: {  	[sflag:s22] =	ssyncadd.s32 s4;
	_ =	sdelay $0x1  }
0xa1: {  	s23 =	simm.s32 $0x1B8B  }
0xa2: {  	_ =	swait.ge [sflag:s23], $0x1  }
0xa3: {  	[sflag:s23] =	ssyncset.done $0x0  }
0xa4: {  	s25 =	simm.s32 $0x1B8E;
	s24 =	sld [smem:$0x3FFE];
	[sflag:s23] =	ssyncadd.s32 $0xFFFFFFFF  }
0xa5: {  	s26 =	simm.s32 $execute0_lowered;
	[smem:$0x3FD2] =	sst s25  }
0xa6: {  	s5 =	sshll.u32 s26, $0x1;
	_ =	strace $0x8000004C;
	[dreg:$0x1] =	wrdreg $0xFFFFFFFF  }
0xa7: {  	s28 =	simm.s32 $_size_execute0_lowered;
	s3 =	sadd.s32 s3, s5;
	[dreg:$0x0] =	wrdreg $0x0  }
0xa8: {  	s5 =	sshll.u32 s28, $0x1;
	[dreg:$0x2] =	wrdreg s3  }
0xa9: {  	[dreg:$0x3] =	wrdreg s5  }
0xaa: {  	[dreg:$0x4] =	wrdreg $0xC0  }
0xab: {  	_ =	task [dreg:s7], $0x5FFFF  }
0xac: {  	[dreg:$0x1] =	wrdreg $0xFFFFFFFF  }
0xad: {  	[dreg:$0x0] =	wrdreg $0x60  }
0xae: {  	[dreg:$0x2] =	wrdreg s2  }
0xaf: {  	[dreg:$0x3] =	wrdreg s24  }
0xb0: {  	[dreg:$0x4] =	wrdreg $0xA9000  }
0xb1: {  	[dreg:$0x5] =	wrdreg $0x9  }
0xb2: {  	_ =	task.clear_ibuf [dreg:s7], $0x6FFFF;
	_ =	strace $0x9000004C  }
0xb3: {  	s29 =	simm.s32 $0x9;
	_ =	strace $0x8000004E  }
0xb4: {  	_ =	swait.ge [sflag:s29], $0x1  }
0xb5: {  	[sflag:s29] =	ssyncadd.s32 $0xFFFFFFFF  }
0xb6: {  	_ =	strace $0x9000004E  }
0xb7: {  	_ =	sfence  }
0xb8: {  	s30 =	sld [smem:$0x0];
	_ =	sdelay $0x2  }
0xb9: {  	s31 =	sshll.u32 s1, $0xD;
	s1 =	sshrl.u32 s1, $0x2  }
0xba: {  	s3 =	sand.u32 $0x4000, s31;
	s1 =	sadd.s32 s1, s30  }
0xbb: {  	s0 =	sor.u32 s3, s0;
	s1 =	sshll.u32 s1, $0x11  }
0xbc: {  	s0 =	sor.u32 s1, s0  }
0xbd: {  	s0 =	sadd.s32 $0x8F2B, s0  }
0xbe: {  	[sflag:s0] =	ssyncadd.remote.s32 $0x1  }
0xbf: {  	_ =	sfence.sel $0xFFFF  }
0xc0: {  	[dreg:$0x0] =	wrdreg $0xFFFFFFFF;
	(pc) =	sbr.abs _section_cstart, $3  }
0xc1: {  	[dreg:$0x1] =	wrdreg $0xFFFFFFFF  }
0xc2: {  	_ =	task.clear_ibuf [dreg:s7], $0x2FFFF;
	_ =	strace $0x9FFFFFFF  }
0xc3: {  	(tm) =	ssettm $0x7FFFFFFF  }
tec
execute0_lowered:
.L_overlay_start_1:
0x0: {  	(tag) =	ssettag $0x1  }
0x1: {  	s1 =	rddreg [dreg:$0x0];
	s0 =	srdreg.scid  }
0x2: {  	s12 =	stileid.u32;
	s2 =	rddreg [dreg:$0x1]  }
0x3: {  	s3 =	rddreg [dreg:$0x2];
	s28 =	simm.s32 $0x1;
	s29 =	simm.s32 $0x5  }
0x4: {  	s31 =	simm.s32 $0x4;
	s30 =	simm.s32 $0x2880;
	s6 =	smul.u32 $0x50000, s12  }
0x5: {  	s0 =	sand.u32 $0x1, s0;
	s4 =	sshll.u32 s12, $0x1;
	s21 =	smul.u32 $0x2800, s12  }
0x6: {  	s24 =	smul.u32 $0x4E20, s12;
	s5 =	sor.u32 s0, s4;
	s4 =	simm.s32 $0x0  }
0x7: {  	s17 =	ssub.s32 $0x2, s0;
	p0 =	seq.s32 s0, $0x1;
	s0 =	smul.u32 $0x2710, s0  }
0x8: {  	s11 =	sadd.s32 $0xCC00, s2;
	s5 =	smul.u32 $0x2710, s5;
	[smem:$0x7FF] =	sst s4  }
0x9: {  	s9 =	sshrl.u32 s17, $0x1;
	s6 =	sshrl.u32 s6, $0x2;
	_ =	strace $0x8000004D  }
0xa: {  	s9 =	ssub.s32 s17, s9;
	s0 =	sadd.s32 s0, s24;
	s24 =	simm.s32 $0x6900  }
0xb: {  	s7 =	sshrl.u32 s5, $0x3;
	s5 =	sadd.s32 s6, s3;
	s25 =	smax.u32 s9, $0x1  }
0xc: {  	s8 =	sadd.s32 s7, s2;
	s6 =	sadd.s32 $0x4000, s5;
	[dreg:$0xa] =	wrdreg s25  }
0xd: {  	s18 =	sadd.s32 $0x8000, s5;
	s19 =	sadd.s32 $0xC000, s5;
	[dreg:$0x4] =	wrdreg s6  }
0xe: {  	s20 =	sadd.s32 $0x10000, s5;
	s10 =	sadd.s32 s11, s7;
	[dreg:$0x5] =	wrdreg s18  }
0xf: {  	s7 =	sadd.s32 $0x200, s0;
	s0 =	sadd.s32 $0x180, s0;
	[dreg:$0x6] =	wrdreg s19  }
0x10: {  	s25 =	simm.s32 $0x2800;
	[dreg:$0x7] =	wrdreg s20;
	s22 =	sadd.s32 $0x2E00, s8  }
0x11: {  	s23 =	sadd.s32 $0x4E0, s10;
	s14 =	sadd.s32 $0x10, s10;
	s15 =	sadd.s32 $0x20, s10  }
0x12: {  	s8 =	simm.s32 $0x3EA00;
	s16 =	sadd.s32 $0x4D0, s10;
	s26 =	sshrl.u32 s7, $0x3  }
0x13: {  	s0 =	sshrl.u32 s0, $0x3;
	s20 =	simm.s32 $0x2900;
	[dreg:$0x8] =	wrdreg s22  }
0x14: {  	s6 =	simm.s32 $0x10;
	s7 =	simm.s32 $0x7;
	[dreg:$0x9] =	wrdreg s23  }
0x15: {  	s8 =	simm.s32 @!p0 $0x16A00;
	s18 =	sadd.s32 s26, s11;
	s19 =	sadd.s32 s0, s11  }
0x16: {  	s22 =	simm.s32 $0x80;
	s23 =	simm.s32 $0x2780;
	s26 =	simm.s32 $0x3  }
0x17: {  	s0 =	simm.s32 $0x6;
	s2 =	sadd.s32 s8, s2;
	s8 =	simm.s32 $0x0  }
0x18: {  	v0 =	vimm.f32 $0.0e+00;
	s17 =	sadd.s32 s2, s21;
	s21 =	simm.s32 $0x8;
	s2 =	simm.s32 $0x2  }
.LBB2_1:
0x19: {  	s9 =	simm.s32 $0x0;
	s11 =	simm.s32 $0x200  }
.LBB2_2:
0x1a: {  	p0 =	sne.s32 s11, $0xFE00;
	[tilespmem:s9+$0x2970] =	vst v0  }
0x1b: {  	[tilespmem:s9+$0x2900] =	vst v0  }
0x1c: {  	[tilespmem:s9+$0x2910] =	vst v0  }
.Ltmp0:
0x1d: {  	[tilespmem:s9+$0x2920] =	vst v0;
	(pc) =	sbr.rel @p0 .LBB2_2-.Ltmp0, $4  }
0x1e: {  	[tilespmem:s9+$0x2930] =	vst v0  }
0x1f: {  	[tilespmem:s9+$0x2940] =	vst v0  }
0x20: {  	[tilespmem:s9+$0x2950] =	vst v0  }
0x21: {  	[tilespmem:s9+$0x2960] =	vst v0;
	s9 =	sshra.s32 s11, $0x2;
	s11 =	sadd.s32 $0x200, s11  }
0x22: {  	[tilespmem:s9+$0x2970] =	vst v0  }
0x23: {  	[tilespmem:s9+$0x2900] =	vst v0  }
0x24: {  	[tilespmem:s9+$0x2910] =	vst v0  }
0x25: {  	[tilespmem:s9+$0x2920] =	vst v0  }
0x26: {  	[tilespmem:s9+$0x2930] =	vst v0  }
0x27: {  	[tilespmem:s9+$0x2940] =	vst v0  }
0x28: {  	[tilespmem:s9+$0x2950] =	vst v0  }
0x29: {  	[tilespmem:s9+$0x2960] =	vst v0  }
0x2a: {  	[spmem:s5] =	stream.linear.scatter [tilespmem:s20], [sflag:$0x8], $0x4000, $0x38;
	[tilespmem:$0x1E900] =	vst v63  }
0x2b: {  	_ =	swait.ge [sflag:s21], $0x4000  }
0x2c: {  	[sflag:s21] =	ssyncset.done $0x0  }
0x2d: {  	s12 =	rddreg [dreg:$0x4];
	[sflag:s21] =	ssyncadd.s32 $0xFFFFC000  }
0x2e: {  	[spmem:s12] =	stream.linear.scatter [tilespmem:s20], [sflag:$0x8], $0x4000, $0x38;
	[tilespmem:$0x1E900] =	vst v63  }
0x2f: {  	_ =	swait.ge [sflag:s21], $0x4000  }
0x30: {  	[sflag:s21] =	ssyncset.done $0x0  }
0x31: {  	s13 =	rddreg [dreg:$0x5];
	[sflag:s21] =	ssyncadd.s32 $0xFFFFC000  }
0x32: {  	[spmem:s13] =	stream.linear.scatter [tilespmem:s20], [sflag:$0x8], $0x4000, $0x38;
	[tilespmem:$0x1E900] =	vst v63  }
0x33: {  	_ =	swait.ge [sflag:s21], $0x4000  }
0x34: {  	[sflag:s21] =	ssyncset.done $0x0  }
0x35: {  	s11 =	rddreg [dreg:$0x6];
	[sflag:s21] =	ssyncadd.s32 $0xFFFFC000  }
0x36: {  	[spmem:s11] =	stream.linear.scatter [tilespmem:s20], [sflag:$0x8], $0x4000, $0x38;
	[tilespmem:$0x1E900] =	vst v63  }
0x37: {  	_ =	swait.ge [sflag:s21], $0x4000  }
0x38: {  	[sflag:s21] =	ssyncset.done $0x0  }
0x39: {  	s12 =	rddreg [dreg:$0x7];
	[sflag:s21] =	ssyncadd.s32 $0xFFFFC000  }
0x3a: {  	[spmem:s12] =	stream.linear.scatter [tilespmem:s20], [sflag:$0x8], $0x4000, $0x38;
	[tilespmem:$0x1E900] =	vst v63  }
0x3b: {  	_ =	swait.ge [sflag:s21], $0x4000  }
0x3c: {  	[sflag:s21] =	ssyncset.done $0x0  }
0x3d: {  	s13 =	simm.s32 $0x0;
	s11 =	rddreg [dreg:$0x8];
	[sflag:s21] =	ssyncadd.s32 $0xFFFFC000  }
0x3e: {  	[tilespmem:s13], [sflag:$0x8] =	stream.linear.gather [hbm4b:s11+s13], $0x2710, $0x38;
	[tilespmem:$0x1E900] =	vst v63  }
0x3f: {  	_ =	swait.ge [sflag:s21], $0x2710  }
0x40: {  	[sflag:s21] =	ssyncset.done $0x0  }
0x41: {  	[sflag:s21] =	ssyncadd.s32 $0xFFFFD8F0  }
0x42: {  	[bflag:$0x0] =	sbarrier.arrive $0xFFFF  }
0x43: {  	[tilespmem:s20], [sflag:$0x1] =	stream.indirect.gather [hbm4b:s1+s22], $0x80, s13, s22, $0xb8;
	[tilespmem:$0x1E900] =	vst v63  }
0x44: {  	_ = 	snop  }
0x45: {  	[tilespmem:s23], [sflag:$0x3] =	stream.linear.gather [hbm4b:s10+s13], $0x80, $0x38;
	[tilespmem:$0x1E900] =	vst v63  }
0x46: {  	_ = 	snop  }
0x47: {  	[tilespmem:s24], [sflag:$0x2] =	stream.indirect.gather [hbm4b:s1+s22], $0x80, s22, s22, $0xb8;
	[tilespmem:$0x1E900] =	vst v63  }
0x48: {  	_ = 	snop  }
0x49: {  	[tilespmem:s25], [sflag:$0x4] =	stream.linear.gather [hbm4b:s14+s13], $0x80, $0x38;
	[tilespmem:$0x1E900] =	vst v63  }
0x4a: {  	_ =	swait.ge [sflag:s26], $0x80  }
0x4b: {  	[sflag:s26] =	ssyncset.done $0x0  }
0x4c: {  	[sflag:s26] =	ssyncadd.s32 $0xFFFFFF80  }
0x4d: {  	_ =	swait.ge [sflag:s28], $0x4000  }
0x4e: {  	[sflag:s28] =	ssyncset.done $0x0  }
0x4f: {  	[sflag:s28] =	ssyncadd.s32 $0xFFFFC000  }
0x50: {  	[spmem:s3] =	stream.indirect.scatter.add.f32 [tilespmem:s20], [sflag:$0x5], $0x80, s23, s22, $0xb8;
	[tilespmem:$0x1E900] =	vst v63  }
0x51: {  	_ =	swait.ge [sflag:s29], $0x4000  }
0x52: {  	[sflag:s29] =	ssyncset.done $0x0  }
0x53: {  	s12 =	simm.s32 $0x100;
	[sflag:s29] =	ssyncadd.s32 $0xFFFFC000  }
0x54: {  	[tilespmem:s20], [sflag:$0x1] =	stream.indirect.gather [hbm4b:s1+s22], $0x80, s12, s22, $0xb8;
	[tilespmem:$0x1E900] =	vst v63  }
0x55: {  	_ = 	snop  }
0x56: {  	[tilespmem:s23], [sflag:$0x3] =	stream.linear.gather [hbm4b:s15+s13], $0x80, $0x38;
	[tilespmem:$0x1E900] =	vst v63  }
0x57: {  	_ =	swait.ge [sflag:s31], $0x80  }
0x58: {  	[sflag:s31] =	ssyncset.done $0x0  }
0x59: {  	[sflag:s31] =	ssyncadd.s32 $0xFFFFFF80  }
0x5a: {  	_ =	swait.ge [sflag:s2], $0x4000  }
0x5b: {  	[sflag:s2] =	ssyncset.done $0x0  }
0x5c: {  	[sflag:s2] =	ssyncadd.s32 $0xFFFFC000  }
0x5d: {  	[spmem:s3] =	stream.indirect.scatter.add.f32 [tilespmem:s24], [sflag:$0x6], $0x80, s25, s22, $0xb8;
	[tilespmem:$0x1E900] =	vst v63  }
0x5e: {  	_ =	swait.ge [sflag:s0], $0x4000  }
0x5f: {  	[sflag:s0] =	ssyncset.done $0x0  }
0x60: {  	s13 =	simm.s32 $0x180;
	[sflag:s0] =	ssyncadd.s32 $0xFFFFC000  }
0x61: {  	[tilespmem:s24], [sflag:$0x2] =	stream.indirect.gather [hbm4b:s1+s22], $0x80, s13, s22, $0xb8;
	[tilespmem:$0x1E900] =	vst v63  }
0x62: {  	s11 =	sadd.s32 $0x0, s19  }
0x63: {  	[tilespmem:s25], [sflag:$0x4] =	stream.linear.gather [hbm4b:s11+s4], $0x80, $0x38;
	[tilespmem:$0x1E900] =	vst v63  }
0x64: {  	_ =	swait.ge [sflag:s26], $0x80  }
0x65: {  	[sflag:s26] =	ssyncset.done $0x0  }
0x66: {  	[sflag:s26] =	ssyncadd.s32 $0xFFFFFF80  }
0x67: {  	_ =	swait.ge [sflag:s28], $0x4000  }
0x68: {  	[sflag:s28] =	ssyncset.done $0x0  }
0x69: {  	[sflag:s28] =	ssyncadd.s32 $0xFFFFC000  }
0x6a: {  	[spmem:s3] =	stream.indirect.scatter.add.f32 [tilespmem:s20], [sflag:$0x5], $0x80, s23, s22, $0xb8;
	[tilespmem:$0x1E900] =	vst v63  }
0x6b: {  	_ =	swait.ge [sflag:s29], $0x4000  }
0x6c: {  	[sflag:s29] =	ssyncset.done $0x0  }
0x6d: {  	s12 =	simm.s32 $0x200;
	[sflag:s29] =	ssyncadd.s32 $0xFFFFC000  }
0x6e: {  	[tilespmem:s20], [sflag:$0x1] =	stream.indirect.gather [hbm4b:s1+s22], $0x80, s12, s22, $0xb8;
	[tilespmem:$0x1E900] =	vst v63  }
0x6f: {  	s13 =	sadd.s32 $0x0, s18  }
0x70: {  	[tilespmem:s23], [sflag:$0x3] =	stream.linear.gather [hbm4b:s13+s4], $0x80, $0x38;
	[tilespmem:$0x1E900] =	vst v63  }
0x71: {  	_ =	swait.ge [sflag:s31], $0x80  }
0x72: {  	[sflag:s31] =	ssyncset.done $0x0  }
0x73: {  	[sflag:s31] =	ssyncadd.s32 $0xFFFFFF80  }
0x74: {  	_ =	swait.ge [sflag:s2], $0x4000  }
0x75: {  	[sflag:s2] =	ssyncset.done $0x0  }
0x76: {  	s9 =	simm.s32 $0x20;
	s11 =	simm.s32 $0x300;
	[sflag:s2] =	ssyncadd.s32 $0xFFFFC000  }
.LBB2_4:
0x77: {  	[spmem:s3] =	stream.indirect.scatter.add.f32 [tilespmem:s24], [sflag:$0x6], $0x80, s25, s22, $0xb8;
	[tilespmem:$0x1E900] =	vst v63  }
0x78: {  	s12 =	smov.u32 s9  }
0x79: {  	p0 =	sne.s32 s9, $0x480;
	s9 =	sadd.s32 $0x20, s9;
	_ =	swait.ge [sflag:s0], $0x4000  }
0x7a: {  	[sflag:s0] =	ssyncset.done $0x0  }
0x7b: {  	s13 =	sadd.s32 $0xFFFFFF80, s11;
	[sflag:s0] =	ssyncadd.s32 $0xFFFFC000  }
0x7c: {  	[tilespmem:s24], [sflag:$0x2] =	stream.indirect.gather [hbm4b:s1+s22], $0x80, s13, s22, $0xb8;
	[tilespmem:$0x1E900] =	vst v63  }
0x7d: {  	s13 =	sadd.s32 s12, s19  }
0x7e: {  	[tilespmem:s25], [sflag:$0x4] =	stream.linear.gather [hbm4b:s13+s4], $0x80, $0x38;
	[tilespmem:$0x1E900] =	vst v63  }
0x7f: {  	_ =	swait.ge [sflag:s26], $0x80  }
0x80: {  	[sflag:s26] =	ssyncset.done $0x0  }
0x81: {  	[sflag:s26] =	ssyncadd.s32 $0xFFFFFF80  }
0x82: {  	_ =	swait.ge [sflag:s28], $0x4000  }
0x83: {  	[sflag:s28] =	ssyncset.done $0x0  }
0x84: {  	[sflag:s28] =	ssyncadd.s32 $0xFFFFC000  }
0x85: {  	[spmem:s3] =	stream.indirect.scatter.add.f32 [tilespmem:s20], [sflag:$0x5], $0x80, s23, s22, $0xb8;
	[tilespmem:$0x1E900] =	vst v63  }
0x86: {  	_ =	swait.ge [sflag:s29], $0x4000  }
0x87: {  	[sflag:s29] =	ssyncset.done $0x0  }
0x88: {  	[sflag:s29] =	ssyncadd.s32 $0xFFFFC000  }
0x89: {  	[tilespmem:s20], [sflag:$0x1] =	stream.indirect.gather [hbm4b:s1+s22], $0x80, s11, s22, $0xb8;
	[tilespmem:$0x1E900] =	vst v63  }
0x8a: {  	s12 =	sadd.s32 s12, s18  }
0x8b: {  	[tilespmem:s23], [sflag:$0x3] =	stream.linear.gather [hbm4b:s12+s4], $0x80, $0x38;
	[tilespmem:$0x1E900] =	vst v63  }
0x8c: {  	_ =	swait.ge [sflag:s31], $0x80  }
.Ltmp1:
0x8d: {  	[sflag:s31] =	ssyncset.done $0x0;
	(pc) =	sbr.rel @p0 .LBB2_4-.Ltmp1, $4  }
0x8e: {  	[sflag:s31] =	ssyncadd.s32 $0xFFFFFF80  }
0x8f: {  	_ =	swait.ge [sflag:s2], $0x4000  }
0x90: {  	[sflag:s2] =	ssyncset.done $0x0  }
0x91: {  	s11 =	sadd.s32 $0x100, s11;
	[sflag:s2] =	ssyncadd.s32 $0xFFFFC000  }
0x92: {  	[spmem:s3] =	stream.indirect.scatter.add.f32 [tilespmem:s24], [sflag:$0x6], $0x80, s25, s22, $0xb8;
	[tilespmem:$0x1E900] =	vst v63  }
0x93: {  	_ =	swait.ge [sflag:s0], $0x4000  }
0x94: {  	[sflag:s0] =	ssyncset.done $0x0  }
0x95: {  	s9 =	simm.s32 $0x2680;
	[sflag:s0] =	ssyncadd.s32 $0xFFFFC000  }
0x96: {  	[tilespmem:s24], [sflag:$0x2] =	stream.indirect.gather [hbm4b:s1+s22], $0x80, s9, s22, $0xb8;
	[tilespmem:$0x1E900] =	vst v63  }
0x97: {  	_ = 	snop  }
0x98: {  	[tilespmem:s25], [sflag:$0x4] =	stream.linear.gather [hbm4b:s16+s4], $0x80, $0x38;
	[tilespmem:$0x1E900] =	vst v63  }
0x99: {  	_ =	swait.ge [sflag:s26], $0x80  }
0x9a: {  	[sflag:s26] =	ssyncset.done $0x0  }
0x9b: {  	[sflag:s26] =	ssyncadd.s32 $0xFFFFFF80  }
0x9c: {  	_ =	swait.ge [sflag:s28], $0x4000  }
0x9d: {  	[sflag:s28] =	ssyncset.done $0x0  }
0x9e: {  	[sflag:s28] =	ssyncadd.s32 $0xFFFFC000  }
0x9f: {  	[spmem:s3] =	stream.indirect.scatter.add.f32 [tilespmem:s20], [sflag:$0x5], $0x80, s23, s22, $0xb8;
	[tilespmem:$0x1E900] =	vst v63  }
0xa0: {  	_ =	swait.ge [sflag:s29], $0x4000  }
0xa1: {  	[sflag:s29] =	ssyncset.done $0x0  }
0xa2: {  	[sflag:s29] =	ssyncadd.s32 $0xFFFFC000  }
0xa3: {  	[tilespmem:s20], [sflag:$0x1] =	stream.indirect.gather [hbm4b:s1+s22], $0x80, s4, s22, $0xb8;
	[tilespmem:$0x1E900] =	vst v63  }
0xa4: {  	_ = 	snop  }
0xa5: {  	[tilespmem:s23], [sflag:$0x3] =	stream.linear.gather [hbm4b:s10+s4], $0x80, $0x38;
	[tilespmem:$0x1E900] =	vst v63  }
0xa6: {  	_ =	swait.ge [sflag:s31], $0x80  }
0xa7: {  	[sflag:s31] =	ssyncset.done $0x0  }
0xa8: {  	[sflag:s31] =	ssyncadd.s32 $0xFFFFFF80  }
0xa9: {  	_ =	swait.ge [sflag:s2], $0x4000  }
0xaa: {  	[sflag:s2] =	ssyncset.done $0x0  }
0xab: {  	[sflag:s2] =	ssyncadd.s32 $0xFFFFC000  }
0xac: {  	[spmem:s3] =	stream.indirect.scatter.add.f32 [tilespmem:s24], [sflag:$0x6], $0x80, s25, s22, $0xb8;
	[tilespmem:$0x1E900] =	vst v63  }
0xad: {  	_ =	swait.ge [sflag:s0], $0x4000  }
0xae: {  	[sflag:s0] =	ssyncset.done $0x0  }
0xaf: {  	[sflag:s0] =	ssyncadd.s32 $0xFFFFC000  }
0xb0: {  	_ =	swait.ge [sflag:s26], $0x80  }
0xb1: {  	[sflag:s26] =	ssyncset.done $0x0  }
0xb2: {  	[sflag:s26] =	ssyncadd.s32 $0xFFFFFF80  }
0xb3: {  	_ =	swait.ge [sflag:s28], $0x4000  }
0xb4: {  	[sflag:s28] =	ssyncset.done $0x0  }
0xb5: {  	s13 =	rddreg [dreg:$0x9];
	[sflag:s28] =	ssyncadd.s32 $0xFFFFC000  }
0xb6: {  	[tilespmem:s30], [sflag:$0x8] =	stream.linear.gather [hbm4b:s13+s4], $0x10, $0x38;
	[tilespmem:$0x1E900] =	vst v63  }
0xb7: {  	_ =	swait.ge [sflag:s21], $0x10  }
0xb8: {  	[sflag:s21] =	ssyncset.done $0x0  }
0xb9: {  	s11 =	simm.s32 $0x2700;
	[sflag:s21] =	ssyncadd.s32 $0xFFFFFFF0  }
0xba: {  	[tilespmem:s24], [sflag:$0x7] =	stream.indirect.gather [hbm4b:s1+s6], $0x80, s11, s6, $0xb8;
	[tilespmem:$0x1E900] =	vst v63  }
0xbb: {  	_ =	swait.ge [sflag:s7], $0x800  }
0xbc: {  	[sflag:s7] =	ssyncset.done $0x0  }
0xbd: {  	[sflag:s7] =	ssyncadd.s32 $0xFFFFF800  }
0xbe: {  	[spmem:s3] =	stream.indirect.scatter.add.f32 [tilespmem:s24], [sflag:$0x8], $0x80, s30, s6, $0xb8;
	[tilespmem:$0x1E900] =	vst v63  }
0xbf: {  	_ =	swait.ge [sflag:s21], $0x800  }
0xc0: {  	s12 =	stileid.u32;
	[sflag:s21] =	ssyncset.done $0x0  }
0xc1: {  	s9 =	sshll.u32 s12, $0x6;
	[sflag:s21] =	ssyncadd.s32 $0xFFFFF800  }
0xc2: {  	s9 =	sor.u32 $0x1C08, s9;
	s11 =	sshrl.u32 s5, $0x3;
	[bflag:$0x0] =	sbarrier.arrive $0xFFFF  }
0xc3: {  	[hbm:s17], [sflag:s9] =	dma.local [spmem:s11], $0x2800  }
0xc4: {  	_ =	swait.ge [sflag:s21], $0x2800  }
0xc5: {  	s8 =	sadd.s32 $0x1, s8;
	s13 =	rddreg [dreg:$0xa]  }
0xc6: {  	p0 =	sne.s32 s8, s13  }
.Ltmp2:
0xc7: {  	_ = 	snop;
	(pc) =	sbr.rel @p0 .LBB2_1-.Ltmp2, $3  }
0xc8: {  	_ =	sdelay $0x1  }
0xc9: {  	[sflag:s21] =	ssyncset.done $0x0  }
0xca: {  	[sflag:s21] =	ssyncadd.s32 $0xFFFFD800  }
0xcb: {  	_ =	sfence.sel $0x180000  }
0xcc: {  	[bflag:$0x0] =	sbarrier.arrive $0xFFFF  }
0xcd: {  	_ =	strace $0x9000004D  }
0xce: {  	s0 =	stileid.u32;
	[bflag:$0x2] =	sbarrier.arrive $0xFFFF  }
0xcf: {  	p0 =	sne.s32 s0, $0x0;
	s0 =	rddreg [dreg:$0x3]  }
0xd0: {  	s0 =	sadd.s32 @!p0 $0x100000, s0  }
0xd1: {  	[sflag:s0] =	ssyncadd.tile.s32 @!p0 $0x1;
	_ =	shalt  }
.Lfunc_end2:
_tile_overlayer_lowered:
.L_overlay_start_2:
0xd2: {  	(tag) =	ssettag $0x2  }
0xd3: {  	s0 =	rddreg [dreg:$0x0];
	s2 =	stileid.u32  }
0xd4: {  	s1 =	rddreg [dreg:$0x1];
	p0 =	sne.s32 s2, $0x0  }
0xd5: {  	s3 =	rddreg [dreg:$0x2];
	[bflag:$0x3] =	sbarrier.arrive $0xFFFF;
	s2 =	simm.s32 @!p0 $0x1C08  }
0xd6: {  	[timem:s3], [sflag:s2] =	dma.local @!p0 [hbm:s0], s1  }
0xd7: {  	s0 =	simm.s32 @!p0 $0x8  }
0xd8: {  	_ =	swait.ge @!p0 [sflag:s0], s1  }
0xd9: {  	s1 =	ssub.s32 @!p0 $0x0, s1;
	[sflag:s0] =	ssyncset.done @!p0 $0x0  }
0xda: {  	[sflag:s0] =	ssyncadd.s32 @!p0 s1  }
0xdb: {  	[bflag:$0x3] =	sbarrier.arrive $0xFFFF  }
0xdc: {  	_ =	shalt  }

// kernel: kernel.8.cloned.1.call-start
scs
__scs_entry_jumppad:
0x0: {  	(pc) =	sbr.rel $0x88, $3  }
0x1: {  	(tag) =	ssettag $0x0;
	lr =	simm.s32 $0x1  }
0x2: {  	[smem:$0x3F9D] =	sst lr;
	_ =	strace $0xD0000000  }
0x3: {  	_ = 	snop  }
0x4: {  	_ = 	snop  }
0x5: {  	_ = 	snop  }
0x6: {  	_ = 	snop  }
0x7: {  	_ = 	snop  }
__scs_overlays_trampoline_lowered:
0x8: {  	[smem:$0x3FAC] =	sst s0  }
0x9: {  	[smem:$0x3FAD] =	sst s1  }
0xa: {  	[smem:$0x3FAE] =	sst s2  }
0xb: {  	[smem:$0x3FAF] =	sst s3  }
0xc: {  	[smem:$0x3FB0] =	sst s4  }
0xd: {  	[smem:$0x3FB1] =	sst s5  }
0xe: {  	[smem:$0x3FB2] =	sst s6  }
0xf: {  	[smem:$0x3FB3] =	sst s7  }
0x10: {  	[smem:$0x3FB4] =	sst s8  }
0x11: {  	[smem:$0x3FB5] =	sst s9;
	s0 =	simm.s32 @!p0 $0x0  }
0x12: {  	s1 =	sld [smem:$0x3F9B];
	s0 =	simm.s32 @p0 $0x1  }
0x13: {  	[smem:$0x3FB6] =	sst s0;
	s0 =	simm.s32 @!p1 $0x0  }
0x14: {  	s2 =	sld [smem:$0x3F9A];
	s0 =	simm.s32 @p1 $0x1  }
0x15: {  	[smem:$0x3FB7] =	sst s0;
	s0 =	simm.s32 @!p2 $0x0  }
0x16: {  	s3 =	sld [smem:$0x3FDB];
	s0 =	simm.s32 @p2 $0x1  }
0x17: {  	s4 =	simm.s32 $0x1BF5;
	[smem:$0x3FB9] =	sst s0  }
0x18: {  	s0 =	sld [smem:$0x3F9C];
	_ =	swait.ge [sflag:s4], $0x0  }
0x19: {  	s7 =	sld [smem:$0x3F9D]  }
0x1a: {  	s8 =	sadd.s32 $0xFFFFE003, lr  }
0x1b: {  	s9 =	sadd.s32 $0xFFFFFEF7, lr;
	s5 =	simm.s32 $0xFFFFFFFF;
	p2 =	slt.u32 s8, $0xFFFFF086  }
0x1c: {  	p1 =	slt.u32 s9, $0xF7A;
	s5 =	simm.s32 @!p2 $0x0  }
0x1d: {  	s5 =	simm.s32 @p1 $0x1;
	p0 =	seq.s32 s7, s2  }
0x1e: {  	s7 =	smul.u32 @!p0 $0xF7A, s2;
	p2 =	seq.s32 @!p0 s5, $0x0  }
0x1f: {  	s9 =	smul.u32 $0xF7A, s1;
	s8 =	simm.s32 @!p0 $0x1BF5;
	p2 =	por !p2, p0  }
0x20: {  	[sflag:s8] =	ssyncset.s32 @!p0 $0xFFFFF086;
	s6 =	sadd.s32 @!p0 s3, s7;
	s7 =	simm.s32 @!p0 $0x108  }
0x21: {  	s3 =	sadd.s32 s3, s9;
	s6 =	sadd.s32 @!p0 $0x88, s6;
	s7 =	simm.s32 @p2 $0x1082  }
0x22: {  	[simem:s7], [sflag:s8] =	dma.local @!p0 [hbm:s6], $0xF7A  }
0x23: {  	s9 =	sor.u32 $0xD0000000, s2;
	s6 =	simm.s32 $0x108;
	_ =	swait.ge @!p0 [sflag:s8], $0x0  }
0x24: {  	s3 =	sadd.s32 $0x88, s3;
	s6 =	simm.s32 @!p1 $0x1082;
	[sflag:s4] =	ssyncset.s32 $0xFFFFF086  }
0x25: {  	[simem:s6], [sflag:s4] =	dma.local [hbm:s3], $0xF7A  }
0x26: {  	[smem:$0x3F9D] =	sst s1;
	(tag) =	ssettag s2;
	_ =	strace s9  }
0x27: {  	s1 =	sld [smem:$0x3FAD]  }
0x28: {  	s2 =	sld [smem:$0x3FAE]  }
0x29: {  	s4 =	sld [smem:$0x3FB0]  }
0x2a: {  	p0 =	seq.s32 s5, $0x0;
	s5 =	sld [smem:$0x3FB1]  }
0x2b: {  	s6 =	sld [smem:$0x3FB2]  }
0x2c: {  	s7 =	sld [smem:$0x3FB3]  }
0x2d: {  	s3 =	simm.s32 $0x108;
	s8 =	sld [smem:$0x3FB4]  }
0x2e: {  	s3 =	simm.s32 @!p0 $0x1082;
	s9 =	sld [smem:$0x3FB5]  }
0x2f: {  	lr =	sadd.s32 s0, s3;
	s0 =	sld [smem:$0x3FAC]  }
0x30: {  	s3 =	sld [smem:$0x3FAF]  }
0x31: {  	[smem:$0x3FB8] =	sst s10  }
0x32: {  	s10 =	sld [smem:$0x3FB6];
	_ =	sdelay $0x3  }
0x33: {  	p0 =	seq.s32 s10, $0x1;
	s10 =	sld [smem:$0x3FB8];
	_ =	sdelay $0x3  }
0x34: {  	[smem:$0x3FB8] =	sst s10  }
0x35: {  	s10 =	sld [smem:$0x3FB7];
	_ =	sdelay $0x3  }
0x36: {  	p1 =	seq.s32 s10, $0x1;
	s10 =	sld [smem:$0x3FB8];
	_ =	sdelay $0x3  }
0x37: {  	[smem:$0x3FB8] =	sst s10  }
0x38: {  	s10 =	sld [smem:$0x3FB9]  }
0x39: {  	_ = 	snop;
	(pc) =	sbr.ind lr, $3  }
0x3a: {  	_ = 	snop  }
0x3b: {  	_ = 	snop  }
0x3c: {  	p2 =	seq.s32 s10, $0x1;
	s10 =	sld [smem:$0x3FB8]  }
0x3d: {  	_ =	shalt  }
0x3e: {  	_ =	shalt  }
0x3f: {  	_ =	shalt  }
0x40: {  	_ =	shalt  }
0x41: {  	_ =	shalt  }
0x42: {  	_ =	shalt  }
0x43: {  	_ =	shalt  }
0x44: {  	_ =	shalt  }
0x45: {  	_ =	shalt  }
0x46: {  	_ =	shalt  }
0x47: {  	_ =	shalt  }
0x48: {  	_ =	shalt  }
0x49: {  	_ =	shalt  }
0x4a: {  	_ =	shalt  }
0x4b: {  	_ =	shalt  }
0x4c: {  	_ =	shalt  }
0x4d: {  	_ =	shalt  }
0x4e: {  	_ =	shalt  }
0x4f: {  	_ =	shalt  }
0x50: {  	_ =	shalt  }
0x51: {  	_ =	shalt  }
0x52: {  	_ =	shalt  }
0x53: {  	_ =	shalt  }
0x54: {  	_ =	shalt  }
0x55: {  	_ =	shalt  }
0x56: {  	_ =	shalt  }
0x57: {  	_ =	shalt  }
0x58: {  	_ =	shalt  }
0x59: {  	_ =	shalt  }
0x5a: {  	_ =	shalt  }
0x5b: {  	_ =	shalt  }
0x5c: {  	_ =	shalt  }
0x5d: {  	_ =	shalt  }
0x5e: {  	_ =	shalt  }
0x5f: {  	_ =	shalt  }
0x60: {  	_ =	shalt  }
0x61: {  	_ =	shalt  }
0x62: {  	_ =	shalt  }
0x63: {  	_ =	shalt  }
0x64: {  	_ =	shalt  }
0x65: {  	_ =	shalt  }
0x66: {  	_ =	shalt  }
0x67: {  	_ =	shalt  }
0x68: {  	_ =	shalt  }
0x69: {  	_ =	shalt  }
0x6a: {  	_ =	shalt  }
0x6b: {  	_ =	shalt  }
0x6c: {  	_ =	shalt  }
0x6d: {  	_ =	shalt  }
0x6e: {  	_ =	shalt  }
0x6f: {  	_ =	shalt  }
0x70: {  	_ =	shalt  }
0x71: {  	_ =	shalt  }
0x72: {  	_ =	shalt  }
0x73: {  	_ =	shalt  }
0x74: {  	_ =	shalt  }
0x75: {  	_ =	shalt  }
0x76: {  	_ =	shalt  }
0x77: {  	_ =	shalt  }
0x78: {  	_ =	shalt  }
0x79: {  	_ =	shalt  }
0x7a: {  	_ =	shalt  }
0x7b: {  	_ =	shalt  }
0x7c: {  	_ =	shalt  }
0x7d: {  	_ =	shalt  }
0x7e: {  	_ =	shalt  }
0x7f: {  	_ =	shalt  }
0x80: {  	_ =	shalt  }
0x81: {  	_ =	shalt  }
0x82: {  	_ =	shalt  }
0x83: {  	_ =	shalt  }
0x84: {  	_ =	shalt  }
0x85: {  	_ =	shalt  }
0x86: {  	_ =	shalt  }
0x87: {  	_ =	shalt  }
.Lfunc_end0:
.L_simem_size_0:
called_computation_lowered:
.L_overlay_start_0:
0x88: {  	s2 =	sld [smem:$0x3FD9]  }
0x89: {  	s3 =	sld [smem:$0x3FFE];
	_ =	sdelay $0x1  }
0x8a: {  	s1 =	srdreg.scid  }
0x8b: {  	s0 =	sand.u32 $0x1, s1  }
0x8c: {  	s17 =	sshll.u32 s0, $0xA;
	s2 =	sadd.s32 s3, s2  }
0x8d: {  	s2 =	sadd.s32 s2, s17  }
0x8e: {  	[smem:$0x3FC4] =	sst s2  }
0x8f: {  	_ = 	snop  }
0x90: {  	s2 =	sld [smem:$0x3FD0];
	(tm) =	ssettm $0x1  }
0x91: {  	s18 =	sld [smem:$0x3FFB];
	_ =	sdelay $0x3  }
0x92: {  	_ =	strace s18  }
0x93: {  	s3 =	sld [smem:$0x3FFC];
	_ =	sdelay $0x3  }
0x94: {  	_ =	strace s3  }
0x95: {  	s3 =	sld [smem:$0x3FFD];
	_ =	sdelay $0x3  }
0x96: {  	_ =	strace s3  }
0x97: {  	_ =	strace $0x8FFFFFFF  }
0x98: {  	s19 =	sld [smem:$0x3FDB];
	_ =	sdelay $0x1  }
0x99: {  	s4 =	simm.s32 $_scs_section_size  }
0x9a: {  	s5 =	simm.s32 $_size__tile_overlayer_lowered;
	s6 =	simm.s32 $_tile_overlayer_lowered  }
0x9b: {  	s22 =	simm.s32 $0x1BFF;
	s21 =	sshll.u32 s6, $0x1;
	s3 =	sadd.s32 s4, s19  }
0x9c: {  	s7 =	simm.s32 $0x0;
	s20 =	sshll.u32 s5, $0x1;
	s5 =	sadd.s32 s21, s3  }
0x9d: {  	[timem:s7], [sflag:s22] =	dma.local [hbm:s5], s20  }
0x9e: {  	_ =	swait.ge [sflag:s22], s20  }
0x9f: {  	s4 =	ssub.s32 $0x0, s20;
	[sflag:s22] =	ssyncset.done $0x0  }
0xa0: {  	[sflag:s22] =	ssyncadd.s32 s4;
	_ =	sdelay $0x1  }
0xa1: {  	s23 =	simm.s32 $0x1B8B  }
0xa2: {  	_ =	swait.ge [sflag:s23], $0x1  }
0xa3: {  	[sflag:s23] =	ssyncset.done $0x0  }
0xa4: {  	s25 =	simm.s32 $0x1B8E;
	s24 =	sld [smem:$0x3FFE];
	[sflag:s23] =	ssyncadd.s32 $0xFFFFFFFF  }
0xa5: {  	s26 =	simm.s32 $execute0_lowered;
	[smem:$0x3FD2] =	sst s25  }
0xa6: {  	s5 =	sshll.u32 s26, $0x1;
	_ =	strace $0x80000046;
	[dreg:$0x1] =	wrdreg $0xFFFFFFFF  }
0xa7: {  	s28 =	simm.s32 $_size_execute0_lowered;
	s3 =	sadd.s32 s3, s5;
	[dreg:$0x0] =	wrdreg $0x0  }
0xa8: {  	s5 =	sshll.u32 s28, $0x1;
	[dreg:$0x2] =	wrdreg s3  }
0xa9: {  	[dreg:$0x3] =	wrdreg s5  }
0xaa: {  	[dreg:$0x4] =	wrdreg $0xC0  }
0xab: {  	_ =	task [dreg:s7], $0x5FFFF  }
0xac: {  	[dreg:$0x1] =	wrdreg $0xFFFFFFFF  }
0xad: {  	[dreg:$0x0] =	wrdreg $0x60  }
0xae: {  	[dreg:$0x2] =	wrdreg s2  }
0xaf: {  	[dreg:$0x3] =	wrdreg s24  }
0xb0: {  	[dreg:$0x4] =	wrdreg $0x28800  }
0xb1: {  	[dreg:$0x5] =	wrdreg $0x9  }
0xb2: {  	_ =	task.clear_ibuf [dreg:s7], $0x6FFFF;
	_ =	strace $0x90000046  }
0xb3: {  	s29 =	simm.s32 $0x9;
	_ =	strace $0x80000048  }
0xb4: {  	_ =	swait.ge [sflag:s29], $0x1  }
0xb5: {  	[sflag:s29] =	ssyncadd.s32 $0xFFFFFFFF  }
0xb6: {  	_ =	strace $0x90000048  }
0xb7: {  	_ =	sfence  }
0xb8: {  	s30 =	sld [smem:$0x0];
	_ =	sdelay $0x2  }
0xb9: {  	s31 =	sshll.u32 s1, $0xD;
	s1 =	sshrl.u32 s1, $0x2  }
0xba: {  	s3 =	sand.u32 $0x4000, s31;
	s1 =	sadd.s32 s1, s30  }
0xbb: {  	s0 =	sor.u32 s3, s0;
	s1 =	sshll.u32 s1, $0x11  }
0xbc: {  	s0 =	sor.u32 s1, s0  }
0xbd: {  	s0 =	sadd.s32 $0x8F2B, s0  }
0xbe: {  	[sflag:s0] =	ssyncadd.remote.s32 $0x1  }
0xbf: {  	_ =	sfence.sel $0xFFFF  }
0xc0: {  	[dreg:$0x0] =	wrdreg $0xFFFFFFFF;
	(pc) =	sbr.abs _section_cstart, $3  }
0xc1: {  	[dreg:$0x1] =	wrdreg $0xFFFFFFFF  }
0xc2: {  	_ =	task.clear_ibuf [dreg:s7], $0x2FFFF;
	_ =	strace $0x9FFFFFFF  }
0xc3: {  	(tm) =	ssettm $0x7FFFFFFF  }
tec
execute0_lowered:
.L_overlay_start_1:
0x0: {  	(tag) =	ssettag $0x1  }
0x1: {  	s6 =	rddreg [dreg:$0x0]  }
0x2: {  	s4 =	rddreg [dreg:$0x1]  }
0x3: {  	s2 =	rddreg [dreg:$0x2]  }
0x4: {  	s0 =	rddreg [dreg:$0x3]  }
0x5: {  	s1 =	stileid.u32;
	s3 =	simm.s32 $0x0;
	s7 =	srdreg.scid  }
0x6: {  	s13 =	simm.s32 $0x0;
	s5 =	smul.u32 $0x280, s1;
	[smem:$0x7FF] =	sst s3  }
0x7: {  	s7 =	sand.u32 $0x1, s7;
	s10 =	sshll.u32 s1, $0x1;
	s31 =	sshll.u32 s1, $0x6  }
0x8: {  	_ =	strace $0x80000047;
	s9 =	ssub.s32 $0x2, s7;
	s30 =	sor.u32 s7, s10  }
0x9: {  	p0 =	seq.s32 s7, $0x1;
	s10 =	simm.s32 $0x17000;
	s8 =	sshrl.u32 s5, $0x3  }
0xa: {  	s29 =	sshrl.u32 s9, $0x1;
	s11 =	sadd.s32 s5, s2;
	s12 =	smul.u32 $0x500, s30  }
0xb: {  	s5 =	sor.u32 $0x1C02, s31;
	s10 =	simm.s32 @!p0 $0x17600;
	s8 =	sadd.s32 s8, s4  }
0xc: {  	s9 =	ssub.s32 s9, s29;
	s4 =	sadd.s32 $0x16A00, s8;
	s6 =	sadd.s32 s6, s12  }
0xd: {  	s7 =	smax.u32 s9, $0x1;
	s8 =	sadd.s32 s10, s8;
	s9 =	sshrl.u32 s11, $0x3  }
0xe: {  	v0 =	vimm.f32 $1.000000000e+00;
	s10 =	simm.s32 $0x2;
	s11 =	simm.s32 $0x80;
	s12 =	simm.s32 $0x1  }
.LBB2_1:
0xf: {  	[spmem:s9], [sflag:s5] =	dma.local [hbm:s4], $0x50  }
0x10: {  	_ =	swait.ge [sflag:s10], $0x50  }
0x11: {  	[sflag:s10] =	ssyncset.done $0x0  }
0x12: {  	[sflag:s10] =	ssyncadd.s32 $0xFFFFFFB0  }
0x13: {  	[tilespmem:$0x0] =	vst v0  }
0x14: {  	[tilespmem:$0x10] =	vst v0  }
0x15: {  	[tilespmem:$0x20] =	vst v0  }
0x16: {  	[tilespmem:$0x30] =	vst v0  }
0x17: {  	[tilespmem:$0x40] =	vst v0  }
0x18: {  	[tilespmem:$0x50] =	vst v0  }
0x19: {  	[tilespmem:$0x60] =	vst v0  }
0x1a: {  	[tilespmem:$0x70] =	vst v0  }
0x1b: {  	[tilespmem:s11], [sflag:$0x2] =	stream.linear.gather [hbm4b:s6+s3], $0x2800, $0x38;
	[tilespmem:$0x2B00] =	vst v63  }
0x1c: {  	_ =	swait.ge [sflag:s10], $0x2800  }
0x1d: {  	[sflag:s10] =	ssyncset.done $0x0  }
0x1e: {  	[sflag:s10] =	ssyncadd.s32 $0xFFFFD800  }
0x1f: {  	s14 =	simm.s32 $0x80;
	[bflag:$0x0] =	sbarrier.arrive $0xFFFF  }
0x20: {  	[spmem:s2] =	stream.indirect.scatter.add.f32 [tilespmem:s3], [sflag:$0x1], $0x1, s14, s11, $0xb8;
	[tilespmem:$0x2B00] =	vst v63  }
0x21: {  	s24 =	simm.s32 $0x100  }
0x22: {  	[spmem:s2] =	stream.indirect.scatter.add.f32 [tilespmem:s3], [sflag:$0x1], $0x1, s24, s11, $0xb8;
	[tilespmem:$0x2B00] =	vst v63  }
0x23: {  	s25 =	simm.s32 $0x180  }
0x24: {  	[spmem:s2] =	stream.indirect.scatter.add.f32 [tilespmem:s3], [sflag:$0x1], $0x1, s25, s11, $0xb8;
	[tilespmem:$0x2B00] =	vst v63  }
0x25: {  	s26 =	simm.s32 $0x200  }
0x26: {  	[spmem:s2] =	stream.indirect.scatter.add.f32 [tilespmem:s3], [sflag:$0x1], $0x1, s26, s11, $0xb8;
	[tilespmem:$0x2B00] =	vst v63  }
0x27: {  	s28 =	simm.s32 $0x280  }
0x28: {  	[spmem:s2] =	stream.indirect.scatter.add.f32 [tilespmem:s3], [sflag:$0x1], $0x1, s28, s11, $0xb8;
	[tilespmem:$0x2B00] =	vst v63  }
0x29: {  	s29 =	simm.s32 $0x300  }
0x2a: {  	[spmem:s2] =	stream.indirect.scatter.add.f32 [tilespmem:s3], [sflag:$0x1], $0x1, s29, s11, $0xb8;
	[tilespmem:$0x2B00] =	vst v63  }
0x2b: {  	s30 =	simm.s32 $0x380  }
0x2c: {  	[spmem:s2] =	stream.indirect.scatter.add.f32 [tilespmem:s3], [sflag:$0x1], $0x1, s30, s11, $0xb8;
	[tilespmem:$0x2B00] =	vst v63  }
0x2d: {  	s31 =	simm.s32 $0x400  }
0x2e: {  	[spmem:s2] =	stream.indirect.scatter.add.f32 [tilespmem:s3], [sflag:$0x1], $0x1, s31, s11, $0xb8;
	[tilespmem:$0x2B00] =	vst v63  }
0x2f: {  	_ =	swait.ge [sflag:s12], $0x80  }
0x30: {  	[sflag:s12] =	ssyncset.done $0x0  }
0x31: {  	[sflag:s12] =	ssyncadd.s32 $0xFFFFFF80  }
0x32: {  	_ =	swait.ge [sflag:s12], $0x80  }
0x33: {  	[sflag:s12] =	ssyncset.done $0x0  }
0x34: {  	[sflag:s12] =	ssyncadd.s32 $0xFFFFFF80  }
0x35: {  	_ =	swait.ge [sflag:s12], $0x80  }
0x36: {  	[sflag:s12] =	ssyncset.done $0x0  }
0x37: {  	[sflag:s12] =	ssyncadd.s32 $0xFFFFFF80  }
0x38: {  	_ =	swait.ge [sflag:s12], $0x80  }
0x39: {  	[sflag:s12] =	ssyncset.done $0x0  }
0x3a: {  	[sflag:s12] =	ssyncadd.s32 $0xFFFFFF80  }
0x3b: {  	_ =	swait.ge [sflag:s12], $0x80  }
0x3c: {  	[sflag:s12] =	ssyncset.done $0x0  }
0x3d: {  	[sflag:s12] =	ssyncadd.s32 $0xFFFFFF80  }
0x3e: {  	_ =	swait.ge [sflag:s12], $0x80  }
0x3f: {  	[sflag:s12] =	ssyncset.done $0x0  }
0x40: {  	[sflag:s12] =	ssyncadd.s32 $0xFFFFFF80  }
0x41: {  	_ =	swait.ge [sflag:s12], $0x80  }
0x42: {  	[sflag:s12] =	ssyncset.done $0x0  }
0x43: {  	[sflag:s12] =	ssyncadd.s32 $0xFFFFFF80  }
0x44: {  	_ =	swait.ge [sflag:s12], $0x80  }
0x45: {  	s17 =	simm.s32 $0x2000;
	s16 =	simm.s32 $0x400;
	[sflag:s12] =	ssyncset.done $0x0  }
.LBB2_2:
0x46: {  	s18 =	sadd.s32 $0x80, s16  }
0x47: {  	[sflag:s12] =	ssyncadd.s32 $0xFFFFFF80;
	s15 =	smov.u32 s17;
	s14 =	sadd.s32 $0x1000, s17  }
0x48: {  	[spmem:s2] =	stream.indirect.scatter.add.f32 [tilespmem:s3], [sflag:$0x1], $0x1, s18, s11, $0xb8;
	[tilespmem:$0x2B00] =	vst v63  }
0x49: {  	p0 =	sne.s32 s17, $0x9000;
	s17 =	sadd.s32 $0x100, s16  }
0x4a: {  	[spmem:s2] =	stream.indirect.scatter.add.f32 [tilespmem:s3], [sflag:$0x1], $0x1, s17, s11, $0xb8;
	[tilespmem:$0x2B00] =	vst v63  }
0x4b: {  	s17 =	sadd.s32 $0x180, s16  }
0x4c: {  	[spmem:s2] =	stream.indirect.scatter.add.f32 [tilespmem:s3], [sflag:$0x1], $0x1, s17, s11, $0xb8;
	[tilespmem:$0x2B00] =	vst v63  }
0x4d: {  	s17 =	sadd.s32 $0x200, s16  }
0x4e: {  	[spmem:s2] =	stream.indirect.scatter.add.f32 [tilespmem:s3], [sflag:$0x1], $0x1, s17, s11, $0xb8;
	[tilespmem:$0x2B00] =	vst v63  }
0x4f: {  	s17 =	sadd.s32 $0x280, s16  }
0x50: {  	[spmem:s2] =	stream.indirect.scatter.add.f32 [tilespmem:s3], [sflag:$0x1], $0x1, s17, s11, $0xb8;
	[tilespmem:$0x2B00] =	vst v63  }
0x51: {  	s17 =	sadd.s32 $0x300, s16  }
0x52: {  	[spmem:s2] =	stream.indirect.scatter.add.f32 [tilespmem:s3], [sflag:$0x1], $0x1, s17, s11, $0xb8;
	[tilespmem:$0x2B00] =	vst v63  }
0x53: {  	s17 =	sadd.s32 $0x380, s16  }
0x54: {  	[spmem:s2] =	stream.indirect.scatter.add.f32 [tilespmem:s3], [sflag:$0x1], $0x1, s17, s11, $0xb8;
	[tilespmem:$0x2B00] =	vst v63  }
0x55: {  	s16 =	sadd.s32 $0x400, s16  }
0x56: {  	[spmem:s2] =	stream.indirect.scatter.add.f32 [tilespmem:s3], [sflag:$0x1], $0x1, s16, s11, $0xb8;
	[tilespmem:$0x2B00] =	vst v63  }
0x57: {  	_ =	swait.ge [sflag:s12], $0x80  }
0x58: {  	[sflag:s12] =	ssyncset.done $0x0  }
0x59: {  	[sflag:s12] =	ssyncadd.s32 $0xFFFFFF80  }
0x5a: {  	_ =	swait.ge [sflag:s12], $0x80  }
0x5b: {  	[sflag:s12] =	ssyncset.done $0x0  }
0x5c: {  	[sflag:s12] =	ssyncadd.s32 $0xFFFFFF80  }
0x5d: {  	_ =	swait.ge [sflag:s12], $0x80  }
0x5e: {  	[sflag:s12] =	ssyncset.done $0x0  }
0x5f: {  	[sflag:s12] =	ssyncadd.s32 $0xFFFFFF80  }
0x60: {  	_ =	swait.ge [sflag:s12], $0x80  }
0x61: {  	[sflag:s12] =	ssyncset.done $0x0  }
0x62: {  	[sflag:s12] =	ssyncadd.s32 $0xFFFFFF80  }
0x63: {  	_ =	swait.ge [sflag:s12], $0x80  }
0x64: {  	[sflag:s12] =	ssyncset.done $0x0  }
0x65: {  	[sflag:s12] =	ssyncadd.s32 $0xFFFFFF80  }
0x66: {  	_ =	swait.ge [sflag:s12], $0x80  }
0x67: {  	[sflag:s12] =	ssyncset.done $0x0  }
0x68: {  	[sflag:s12] =	ssyncadd.s32 $0xFFFFFF80  }
.Ltmp0:
0x69: {  	_ =	swait.ge [sflag:s12], $0x80;
	(pc) =	sbr.rel @p0 .LBB2_2-.Ltmp0, $4  }
0x6a: {  	[sflag:s12] =	ssyncset.done $0x0  }
0x6b: {  	[sflag:s12] =	ssyncadd.s32 $0xFFFFFF80  }
0x6c: {  	_ =	swait.ge [sflag:s12], $0x80  }
0x6d: {  	s17 =	smov.u32 s14;
	s16 =	sshra.s32 s15, $0x2;
	[sflag:s12] =	ssyncset.done $0x0  }
0x6e: {  	s14 =	sadd.s32 $0x80, s16;
	[sflag:s12] =	ssyncadd.s32 $0xFFFFFF80  }
0x6f: {  	[spmem:s2] =	stream.indirect.scatter.add.f32 [tilespmem:s3], [sflag:$0x1], $0x1, s14, s11, $0xb8;
	[tilespmem:$0x2B00] =	vst v63  }
0x70: {  	s24 =	sadd.s32 $0x100, s16  }
0x71: {  	[spmem:s2] =	stream.indirect.scatter.add.f32 [tilespmem:s3], [sflag:$0x1], $0x1, s24, s11, $0xb8;
	[tilespmem:$0x2B00] =	vst v63  }
0x72: {  	s25 =	sadd.s32 $0x180, s16  }
0x73: {  	[spmem:s2] =	stream.indirect.scatter.add.f32 [tilespmem:s3], [sflag:$0x1], $0x1, s25, s11, $0xb8;
	[tilespmem:$0x2B00] =	vst v63  }
0x74: {  	s26 =	sadd.s32 $0x200, s16  }
0x75: {  	[spmem:s2] =	stream.indirect.scatter.add.f32 [tilespmem:s3], [sflag:$0x1], $0x1, s26, s11, $0xb8;
	[tilespmem:$0x2B00] =	vst v63  }
0x76: {  	s28 =	sadd.s32 $0x280, s16  }
0x77: {  	[spmem:s2] =	stream.indirect.scatter.add.f32 [tilespmem:s3], [sflag:$0x1], $0x1, s28, s11, $0xb8;
	[tilespmem:$0x2B00] =	vst v63  }
0x78: {  	s29 =	sadd.s32 $0x300, s16  }
0x79: {  	[spmem:s2] =	stream.indirect.scatter.add.f32 [tilespmem:s3], [sflag:$0x1], $0x1, s29, s11, $0xb8;
	[tilespmem:$0x2B00] =	vst v63  }
0x7a: {  	s30 =	sadd.s32 $0x380, s16  }
0x7b: {  	[spmem:s2] =	stream.indirect.scatter.add.f32 [tilespmem:s3], [sflag:$0x1], $0x1, s30, s11, $0xb8;
	[tilespmem:$0x2B00] =	vst v63  }
0x7c: {  	s31 =	sadd.s32 $0x400, s16  }
0x7d: {  	[spmem:s2] =	stream.indirect.scatter.add.f32 [tilespmem:s3], [sflag:$0x1], $0x1, s31, s11, $0xb8;
	[tilespmem:$0x2B00] =	vst v63  }
0x7e: {  	_ =	swait.ge [sflag:s12], $0x80  }
0x7f: {  	[sflag:s12] =	ssyncset.done $0x0  }
0x80: {  	[sflag:s12] =	ssyncadd.s32 $0xFFFFFF80  }
0x81: {  	_ =	swait.ge [sflag:s12], $0x80  }
0x82: {  	[sflag:s12] =	ssyncset.done $0x0  }
0x83: {  	[sflag:s12] =	ssyncadd.s32 $0xFFFFFF80  }
0x84: {  	_ =	swait.ge [sflag:s12], $0x80  }
0x85: {  	[sflag:s12] =	ssyncset.done $0x0  }
0x86: {  	[sflag:s12] =	ssyncadd.s32 $0xFFFFFF80  }
0x87: {  	_ =	swait.ge [sflag:s12], $0x80  }
0x88: {  	[sflag:s12] =	ssyncset.done $0x0  }
0x89: {  	[sflag:s12] =	ssyncadd.s32 $0xFFFFFF80  }
0x8a: {  	_ =	swait.ge [sflag:s12], $0x80  }
0x8b: {  	[sflag:s12] =	ssyncset.done $0x0  }
0x8c: {  	[sflag:s12] =	ssyncadd.s32 $0xFFFFFF80  }
0x8d: {  	_ =	swait.ge [sflag:s12], $0x80  }
0x8e: {  	[sflag:s12] =	ssyncset.done $0x0  }
0x8f: {  	[sflag:s12] =	ssyncadd.s32 $0xFFFFFF80  }
0x90: {  	_ =	swait.ge [sflag:s12], $0x80  }
0x91: {  	[sflag:s12] =	ssyncset.done $0x0  }
0x92: {  	[sflag:s12] =	ssyncadd.s32 $0xFFFFFF80  }
0x93: {  	_ =	swait.ge [sflag:s12], $0x80  }
0x94: {  	s13 =	sadd.s32 $0x1, s13;
	[sflag:s12] =	ssyncset.done $0x0  }
0x95: {  	p0 =	sne.s32 s13, s7;
	[sflag:s12] =	ssyncadd.s32 $0xFFFFFF80  }
.Ltmp1:
0x96: {  	[bflag:$0x0] =	sbarrier.arrive $0xFFFF;
	(pc) =	sbr.rel @p0 .LBB2_1-.Ltmp1, $4  }
0x97: {  	[hbm:s8], [sflag:s5] =	dma.local [spmem:s9], $0x50  }
0x98: {  	_ =	swait.ge [sflag:s10], $0x50  }
0x99: {  	[sflag:s10] =	ssyncset.done $0x0  }
0x9a: {  	[sflag:s10] =	ssyncadd.s32 $0xFFFFFFB0  }
0x9b: {  	_ =	sfence.sel $0x180000  }
0x9c: {  	[bflag:$0x0] =	sbarrier.arrive $0xFFFF  }
0x9d: {  	p0 =	sne.s32 s1, $0x0;
	_ =	strace $0x90000047  }
0x9e: {  	s0 =	sadd.s32 @!p0 $0x100000, s0;
	[bflag:$0x2] =	sbarrier.arrive $0xFFFF  }
0x9f: {  	[sflag:s0] =	ssyncadd.tile.s32 @!p0 $0x1;
	_ =	shalt  }
.Lfunc_end2:
_tile_overlayer_lowered:
.L_overlay_start_2:
0xa0: {  	(tag) =	ssettag $0x2  }
0xa1: {  	s0 =	rddreg [dreg:$0x0];
	s2 =	stileid.u32  }
0xa2: {  	s1 =	rddreg [dreg:$0x1];
	p0 =	sne.s32 s2, $0x0  }
0xa3: {  	s3 =	rddreg [dreg:$0x2];
	[bflag:$0x3] =	sbarrier.arrive $0xFFFF;
	s2 =	simm.s32 @!p0 $0x1C02  }
0xa4: {  	[timem:s3], [sflag:s2] =	dma.local @!p0 [hbm:s0], s1  }
0xa5: {  	s0 =	simm.s32 @!p0 $0x2  }
0xa6: {  	_ =	swait.ge @!p0 [sflag:s0], s1  }
0xa7: {  	s1 =	ssub.s32 @!p0 $0x0, s1;
	[sflag:s0] =	ssyncset.done @!p0 $0x0  }
0xa8: {  	[sflag:s0] =	ssyncadd.s32 @!p0 s1  }
0xa9: {  	[bflag:$0x3] =	sbarrier.arrive $0xFFFF  }
0xaa: {  	_ =	shalt  }

</sc_bundles>
